<compile_context>
chip_gen: v7x
topology: tpu7x:2x2x1
jax: 0.10.2.dev20260603
libtpu: 0.0.44.dev20260713+nightly
codegen_flags: <defaults>
</compile_context>

<pallas_src>
import functools

import jax
import jax.numpy as jnp
from jax import lax
from jax.experimental import pallas as pl
from jax.experimental.pallas import tpu as pltpu
from jax.experimental.pallas import tpu_sc as plsc

NC = 2
NS = 16
NW = NC * NS
CHUNK = 128


def _mesh():
    return plsc.VectorSubcoreMesh(core_axis_name="c", subcore_axis_name="s",
                                  num_cores=NC, num_subcores=NS)


def _plan(tt, f0):
    t0 = min(int(round(tt * f0 / 4)) * 4, tt)
    g0, r0 = divmod(t0 // 4, NS)
    g1, r1 = divmod((tt - t0) // 4, NS)
    hi = 4 * max(g0 + (1 if r0 else 0), g1 + (1 if r1 else 0))
    return g0, r0, t0, g1, r1, hi


def _split(c, s, plan, tt):
    g0, r0, t0, g1, r1, hi = plan
    s0 = 4 * (g0 * s + jnp.minimum(s, r0))
    s1 = t0 + 4 * (g1 * s + jnp.minimum(s, r1))
    start = jnp.where(c == 0, s0, s1)
    ncht = 4 * jnp.where(c == 0, g0 + (s < r0), g1 + (s < r1))
    clamped = jnp.maximum(jnp.minimum(start, tt - hi), 0)
    return clamped, start - clamped, ncht


def _make_deg_kernel(tt, plan, n_pad, rpt):
    hi = plan[5]
    nrows = n_pad // CHUNK
    rpc = nrows // NS

    @functools.partial(
        pl.kernel,
        out_type=jax.ShapeDtypeStruct((NC, nrows, CHUNK), jnp.float32),
        mesh=_mesh(),
        compiler_params=pltpu.CompilerParams(use_tc_tiling_on_sc=False,
                                             needs_layout_passes=False),
        scratch_types=[
            pltpu.VMEM((hi, CHUNK), jnp.int32),
            pltpu.VMEM((n_pad,), jnp.float32),
            pltpu.VMEM((nrows, CHUNK), jnp.float32),
            pltpu.VMEM((nrows,), jnp.int32),
            pltpu.VMEM_SHARED((nrows, CHUNK), jnp.float32),
        ],
    )
    def deg_kernel(edge_hbm, out_hbm, colbuf2, degflat, degloc, ibuf, deg2):
        c = lax.axis_index("c")
        s = lax.axis_index("s")

        def fill_zero(i, _):
            for j in range(CHUNK // 16):
                degflat[pl.ds(i * CHUNK + j * 16, 16)] = jnp.zeros(
                    (16,), jnp.float32)
                degloc[i, j * 16:(j + 1) * 16] = jnp.zeros((16,), jnp.float32)
            return 0

        lax.fori_loop(0, nrows, fill_zero, 0)
        for i in range(nrows // 16):
            ibuf[i * 16:(i + 1) * 16] = lax.iota(jnp.int32, 16) + i * 16
        pltpu.sync_copy(degloc.at[pl.ds(0, rpc)], deg2.at[pl.ds(s * rpc, rpc)])
        base, off, ncht = _split(c, s, plan, tt)
        pltpu.sync_copy(edge_hbm.at[1, pl.ds(base, hi)], colbuf2)
        plsc.subcore_barrier()

        ones16 = jnp.ones((16,), jnp.float32)

        def ebody(k, _):
            for j in range(CHUNK // 16):
                idx = colbuf2[k, j * 16:(j + 1) * 16]
                plsc.addupdate_scatter(degflat, [idx], ones16)
            return 0

        lax.fori_loop(off, off + ncht, ebody, 0)

        def repack(i, _):
            for j in range(CHUNK // 16):
                degloc[i, j * 16:(j + 1) * 16] = degflat[
                    pl.ds(i * CHUNK + j * 16, 16)]
            return 0

        lax.fori_loop(0, nrows, repack, 0)
        pltpu.sync_copy(degloc, deg2.at[ibuf], add=True)
        plsc.subcore_barrier()
        pltpu.sync_copy(deg2.at[pl.ds(s * rpc, rpc)],
                        degloc.at[pl.ds(0, rpc)])
        pltpu.sync_copy(degloc.at[pl.ds(0, rpc)],
                        out_hbm.at[c, pl.ds(s * rpc, rpc)])

    return deg_kernel


def _make_agg_kernel(tt, plan, n_pad, rpt, ncls):
    hi = plan[5]
    half = ncls // 2

    @functools.partial(
        pl.kernel,
        out_type=jax.ShapeDtypeStruct((NC, n_pad, CHUNK), jnp.float32),
        mesh=_mesh(),
        compiler_params=pltpu.CompilerParams(use_tc_tiling_on_sc=False),
        scratch_types=[
            pltpu.VMEM((hi, CHUNK), jnp.int32),
            pltpu.VMEM((hi, CHUNK), jnp.int32),
            pltpu.VMEM((CHUNK, half), jnp.float32),
            pltpu.VMEM((CHUNK, half), jnp.float32),
            pltpu.VMEM((CHUNK, half), jnp.float32),
            pltpu.VMEM((CHUNK, half), jnp.float32),
            pltpu.VMEM((rpt, half), jnp.float32),
            pltpu.VMEM_SHARED((n_pad, half), jnp.float32),
            pltpu.VMEM_SHARED((n_pad, half), jnp.float32),
            [pltpu.SemaphoreType.DMA] * 4,
            [pltpu.SemaphoreType.DMA] * 4,
        ],
    )
    def agg_kernel(edge_hbm, hd_hbm, out_hbm,
                   colbuf2, rowbuf2, r0, r1, r2, r3, zbuf, agg, hds,
                   gs, ss):
        c = lax.axis_index("c")
        s = lax.axis_index("s")
        bufs = (r0, r1, r2, r3)

        base, off, ncht = _split(c, s, plan, tt)
        pltpu.sync_copy(edge_hbm.at[1, pl.ds(base, hi)], colbuf2)
        pltpu.sync_copy(edge_hbm.at[0, pl.ds(base, hi)], rowbuf2)

        for p in range(2):
            def fill_zero(i, _):
                for j in range(half // 16):
                    zbuf[i, j * 16:(j + 1) * 16] = jnp.zeros((16,),
                                                             jnp.float32)
                return 0

            @pl.when(c == 1)
            def _():
                lax.fori_loop(0, rpt, fill_zero, 0)
                pltpu.sync_copy(zbuf, agg.at[pl.ds(s * rpt, rpt)])

            pltpu.sync_copy(
                hd_hbm.at[pl.ds(s * rpt, rpt), pl.ds(p * half, half)], zbuf)
            pltpu.sync_copy(zbuf, hds.at[pl.ds(s * rpt, rpt)])

            @pl.when(c == 0)
            def _():
                pltpu.sync_copy(zbuf, agg.at[pl.ds(s * rpt, rpt)])

            plsc.subcore_barrier()

            for b in range(4):
                pltpu.async_copy(hds.at[colbuf2.at[off + b]], bufs[b], gs[b])

            def ebody(k4, _):
                for b in range(4):
                    kk = off + k4 * 4 + b
                    rb = bufs[b]
                    pltpu.make_async_copy(
                        hd_hbm.at[pl.ds(0, CHUNK), pl.ds(0, half)],
                        rb, gs[b]).wait()
                    pltpu.async_copy(rb, agg.at[rowbuf2.at[kk]], ss[b],
                                     add=True)
                    nxt = kk + 4

                    @pl.when(nxt < off + ncht)
                    def _():
                        pltpu.make_async_copy(
                            rb, agg.at[pl.ds(0, CHUNK)], ss[b]).wait()
                        pltpu.async_copy(hds.at[colbuf2.at[nxt]], rb, gs[b])
                return 0

            lax.fori_loop(0, ncht // 4, ebody, 0)
            for b in range(4):
                pltpu.make_async_copy(
                    bufs[b], agg.at[pl.ds(0, CHUNK)], ss[b]).wait()
            plsc.subcore_barrier()
            pltpu.sync_copy(agg.at[pl.ds(s * rpt, rpt)], zbuf)
            pltpu.sync_copy(
                zbuf,
                out_hbm.at[c, pl.ds(s * rpt, rpt), pl.ds(p * half, half)])
            plsc.subcore_barrier()

    return agg_kernel


def _unpack_deg(dp, bs):
    bsp = dp.shape[0]
    rid = lax.broadcasted_iota(jnp.int32, (bs, 1), 0)
    rsel = (lax.broadcasted_iota(jnp.int32, (bs, bsp), 1)
            == (rid >> 7)).astype(jnp.float32)
    d = lax.dot_general(rsel, dp, dimension_numbers=(((1,), (0,)), ((), ())),
                        preferred_element_type=jnp.float32)
    lsel = (lax.broadcasted_iota(jnp.int32, (bs, CHUNK), 1) == (rid & 127))
    return jnp.sum(jnp.where(lsel, d, 0.0), axis=1, keepdims=True)


def _linear_body(n, bs, ncls, x_ref, w_ref, b_ref, degp_ref, hd_ref):
    i = pl.program_id(0)
    dp = degp_ref[...]
    deg = _unpack_deg(dp[0] + dp[1], bs) + 1.0
    dsq = lax.rsqrt(deg)
    h = lax.dot_general(x_ref[...], w_ref[...],
                        dimension_numbers=(((1,), (1,)), ((), ())),
                        preferred_element_type=jnp.float32) + b_ref[...]
    rid = i * bs + lax.broadcasted_iota(jnp.int32, (bs, 1), 0)
    hd_ref[...] = jnp.where(rid < n, dsq * h, 0.0)


def _finish_body(bs, ncls, parts_ref, degp_ref, out_ref):
    dp = degp_ref[...]
    deg = _unpack_deg(dp[0] + dp[1], bs) + 1.0
    dsq = lax.rsqrt(deg)
    pre = dsq * (parts_ref[0][:, :ncls] + parts_ref[1][:, :ncls])
    m = jnp.max(pre, axis=1, keepdims=True)
    e = jnp.exp(pre - m)
    ssum = jnp.sum(e, axis=1, keepdims=True)
    out_ref[...] = pre - m - jnp.log(ssum)


def kernel(x, edge_index, W, b):
    n, nfeat = x.shape
    ncls = W.shape[0]
    e = edge_index.shape[1]

    rpt = -(-(n + 1) // NS)
    rpt = -(-rpt // 32) * 32
    n_pad = rpt * NS

    pad_e = (-e) % (4 * CHUNK)
    ei = edge_index
    if pad_e:
        ei = jnp.concatenate(
            [ei, jnp.full((2, pad_e), n, jnp.int32)], axis=1)
    tt = (e + pad_e) // CHUNK
    edges = ei.reshape(2, tt, CHUNK)
    plan = _plan(tt, 0.52)
    w128 = jnp.pad(W, ((0, CHUNK - ncls), (0, 0)))
    b128 = jnp.pad(b, (0, CHUNK - ncls)).reshape(1, CHUNK)

    degp = _make_deg_kernel(tt, plan, n_pad, rpt)(edges)

    bs = 1024
    bsp = bs // CHUNK
    grid = n_pad // bs
    hd = pl.pallas_call(
        functools.partial(_linear_body, n, bs, ncls),
        grid=(grid,),
        in_specs=[
            pl.BlockSpec((bs, nfeat), lambda i: (i, 0)),
            pl.BlockSpec((CHUNK, nfeat), lambda i: (0, 0)),
            pl.BlockSpec((1, CHUNK), lambda i: (0, 0)),
            pl.BlockSpec((NC, bsp, CHUNK), lambda i: (0, i, 0)),
        ],
        out_specs=pl.BlockSpec((bs, CHUNK), lambda i: (i, 0)),
        out_shape=jax.ShapeDtypeStruct((n_pad, CHUNK), jnp.float32),
    )(x, w128, b128, degp)

    parts = _make_agg_kernel(tt, plan, n_pad, rpt, ncls)(edges, hd)

    out = pl.pallas_call(
        functools.partial(_finish_body, bs, ncls),
        grid=(grid,),
        in_specs=[
            pl.BlockSpec((NC, bs, CHUNK), lambda i: (0, i, 0)),
            pl.BlockSpec((NC, bsp, CHUNK), lambda i: (0, i, 0)),
        ],
        out_specs=pl.BlockSpec((bs, ncls), lambda i: (i, 0)),
        out_shape=jax.ShapeDtypeStruct((n, ncls), jnp.float32),
    )(parts, degp)

    return out

# --- scband reference (transcript-rebuilt; emitter-appended) ---
"""Pipeline reference for scband-dist-gcn-90357521973889 (READ-ONLY COPY).

The authoritative reference and input builder live on the scoring server;
editing this copy changes nothing except your own understanding.
"""

import jax, jax.numpy as jnp
import numpy as np

N = 10000
E = 320000
NFEAT = 128
NCLASS = 64


def setup_inputs(seed: int = 0) -> dict:
    key = jax.random.key(seed)
    k1, k2, k3 = jax.random.split(key, 3)
    x = jax.random.normal(k1, (N, NFEAT), dtype=jnp.float32)
    edge_index = jax.random.randint(k2, (2, E), 0, N, dtype=jnp.int32)
    # Learned parameters of the single GCNLayer (nn.Linear(nfeat, nclass))
    W = jax.random.normal(k3, (NCLASS, NFEAT), dtype=jnp.float32) * 0.05
    b = jnp.zeros((NCLASS,), dtype=jnp.float32)
    return {"x": x, "edge_index": edge_index, "W": W, "b": b}


def reference(x, edge_index, W, b):
    # DistGCN with nlayers=1, with_bn=False, multi_label falsy:
    #   out = D_hat^{-1/2} @ (A + I) @ D_hat^{-1/2} @ Linear(x)
    #   return log_softmax(out, dim=1)
    row = edge_index[0]
    col = edge_index[1]
    # A_hat = A + I; D_hat = diag(A_hat.sum(0)) -> column sums plus self-loop
    deg = jnp.zeros((N,), dtype=jnp.float32).at[col].add(1.0) + 1.0
    d_inv_sqrt = deg ** (-0.5)
    # Linear layer: W(feat)
    h = x @ W.T + b
    # D^{-1/2} h, then SpMM with A_hat (edges + self loops), then D^{-1/2}
    hd = d_inv_sqrt[:, None] * h
    agg = jnp.zeros_like(hd).at[row].add(hd[col]) + hd
    out = d_inv_sqrt[:, None] * agg
    return jax.nn.log_softmax(out, axis=1)

if __name__ == "__main__":
    import jax
    _d = setup_inputs()
    print(jax.jit(kernel)(*tuple(_d.values())))

</pallas_src>

<mosaic_0001>
#map = affine_map<(d0, d1) -> (0, 0, 0)>
module attributes {stable_mosaic.version = 14 : i64} {
  func.func @deg_kernel(%arg0: i32, %arg1: i32, %arg2: memref<2x2500x128xi32, #tpu.memory_space<hbm>>, %arg3: memref<2x80x128xf32, #tpu.memory_space<hbm>>, %arg4: memref<84x128xi32, #tpu.memory_space<vmem>>, %arg5: memref<10240xf32, #tpu.memory_space<vmem>>, %arg6: memref<80x128xf32, #tpu.memory_space<vmem>>, %arg7: memref<80xi32, #tpu.memory_space<vmem>>, %arg8: memref<80x128xf32, #tpu.memory_space<vmem_shared>>) attributes {dimension_semantics = [#tpu.dimension_semantics<core_parallel>, #tpu.dimension_semantics<subcore_parallel>], iteration_bounds = array<i64: 2, 16>, scalar_prefetch = 0 : i64, scratch_operands = 5 : i64, tpu.core_type = #tpu.core_type<sc_vector_subcore>, window_params = [{transform_indices = #map}, {transform_indices = #map}]} {
    %scan3A = arith.constant 0 : i32
    %scan3A_0 = arith.constant 0 : i32
    %scan3A_1 = arith.constant 80 : i32
    %scan3A_2 = arith.addi %scan3A_0, %scan3A_1 : i32
    %scan3A_3 = arith.constant 1 : i32
    %scan3A_4 = scf.for %scan3A_90 = %scan3A_0 to %scan3A_2 step %scan3A_3 iter_args(%scan3A_91 = %scan3A) -> (i32)  : i32 {
      %broadcast_in_dim3A_92 = arith.constant 0.000000e+00 : f32
      %broadcast_in_dim3A_93 = vector.broadcast %broadcast_in_dim3A_92 : f32 to vector<16xf32>
      %mul3A_94 = arith.constant 128 : i32
      %mul3A_95 = arith.muli %scan3A_90, %mul3A_94 : i32
      %add3A_96 = arith.constant 0 : i32
      %add3A_97 = arith.addi %mul3A_95, %add3A_96 : i32
      %swap3A_98 = arith.index_cast %add3A_97 : i32 to index
      %swap3A_99 = tpu.vector_load %arg5[%swap3A_98] {strides = array<i32>} : memref<10240xf32, #tpu.memory_space<vmem>>, vector<16xf32>,
      tpu.vector_store %arg5[%swap3A_98], %broadcast_in_dim3A_93 {strides = array<i32>} : memref<10240xf32, #tpu.memory_space<vmem>>, vector<16xf32>,
      %broadcast_in_dim3A_100 = arith.constant 0.000000e+00 : f32
      %broadcast_in_dim3A_101 = vector.broadcast %broadcast_in_dim3A_100 : f32 to vector<16xf32>
      %swap3A_102 = arith.index_cast %scan3A_90 : i32 to index
      %swap3A_103 = arith.constant 0 : index
      %swap3A_104 = tpu.vector_load %arg6[%swap3A_102, %swap3A_103] {strides = array<i32>} : memref<80x128xf32, #tpu.memory_space<vmem>>, vector<16xf32>,
      tpu.vector_store %arg6[%swap3A_102, %swap3A_103], %broadcast_in_dim3A_101 {strides = array<i32>} : memref<80x128xf32, #tpu.memory_space<vmem>>, vector<16xf32>,
      %broadcast_in_dim3A_105 = arith.constant 0.000000e+00 : f32
      %broadcast_in_dim3A_106 = vector.broadcast %broadcast_in_dim3A_105 : f32 to vector<16xf32>
      %mul3A_107 = arith.constant 128 : i32
      %mul3A_108 = arith.muli %scan3A_90, %mul3A_107 : i32
      %add3A_109 = arith.constant 16 : i32
      %add3A_110 = arith.addi %mul3A_108, %add3A_109 : i32
      %swap3A_111 = arith.index_cast %add3A_110 : i32 to index
      %swap3A_112 = tpu.vector_load %arg5[%swap3A_111] {strides = array<i32>} : memref<10240xf32, #tpu.memory_space<vmem>>, vector<16xf32>,
      tpu.vector_store %arg5[%swap3A_111], %broadcast_in_dim3A_106 {strides = array<i32>} : memref<10240xf32, #tpu.memory_space<vmem>>, vector<16xf32>,
      %broadcast_in_dim3A_113 = arith.constant 0.000000e+00 : f32
      %broadcast_in_dim3A_114 = vector.broadcast %broadcast_in_dim3A_113 : f32 to vector<16xf32>
      %swap3A_115 = arith.index_cast %scan3A_90 : i32 to index
      %swap3A_116 = arith.constant 16 : index
      %swap3A_117 = tpu.vector_load %arg6[%swap3A_115, %swap3A_116] {strides = array<i32>} : memref<80x128xf32, #tpu.memory_space<vmem>>, vector<16xf32>,
      tpu.vector_store %arg6[%swap3A_115, %swap3A_116], %broadcast_in_dim3A_114 {strides = array<i32>} : memref<80x128xf32, #tpu.memory_space<vmem>>, vector<16xf32>,
      %broadcast_in_dim3A_118 = arith.constant 0.000000e+00 : f32
      %broadcast_in_dim3A_119 = vector.broadcast %broadcast_in_dim3A_118 : f32 to vector<16xf32>
      %mul3A_120 = arith.constant 128 : i32
      %mul3A_121 = arith.muli %scan3A_90, %mul3A_120 : i32
      %add3A_122 = arith.constant 32 : i32
      %add3A_123 = arith.addi %mul3A_121, %add3A_122 : i32
      %swap3A_124 = arith.index_cast %add3A_123 : i32 to index
      %swap3A_125 = tpu.vector_load %arg5[%swap3A_124] {strides = array<i32>} : memref<10240xf32, #tpu.memory_space<vmem>>, vector<16xf32>,
      tpu.vector_store %arg5[%swap3A_124], %broadcast_in_dim3A_119 {strides = array<i32>} : memref<10240xf32, #tpu.memory_space<vmem>>, vector<16xf32>,
      %broadcast_in_dim3A_126 = arith.constant 0.000000e+00 : f32
      %broadcast_in_dim3A_127 = vector.broadcast %broadcast_in_dim3A_126 : f32 to vector<16xf32>
      %swap3A_128 = arith.index_cast %scan3A_90 : i32 to index
      %swap3A_129 = arith.constant 32 : index
      %swap3A_130 = tpu.vector_load %arg6[%swap3A_128, %swap3A_129] {strides = array<i32>} : memref<80x128xf32, #tpu.memory_space<vmem>>, vector<16xf32>,
      tpu.vector_store %arg6[%swap3A_128, %swap3A_129], %broadcast_in_dim3A_127 {strides = array<i32>} : memref<80x128xf32, #tpu.memory_space<vmem>>, vector<16xf32>,
      %broadcast_in_dim3A_131 = arith.constant 0.000000e+00 : f32
      %broadcast_in_dim3A_132 = vector.broadcast %broadcast_in_dim3A_131 : f32 to vector<16xf32>
      %mul3A_133 = arith.constant 128 : i32
      %mul3A_134 = arith.muli %scan3A_90, %mul3A_133 : i32
      %add3A_135 = arith.constant 48 : i32
      %add3A_136 = arith.addi %mul3A_134, %add3A_135 : i32
      %swap3A_137 = arith.index_cast %add3A_136 : i32 to index
      %swap3A_138 = tpu.vector_load %arg5[%swap3A_137] {strides = array<i32>} : memref<10240xf32, #tpu.memory_space<vmem>>, vector<16xf32>,
      tpu.vector_store %arg5[%swap3A_137], %broadcast_in_dim3A_132 {strides = array<i32>} : memref<10240xf32, #tpu.memory_space<vmem>>, vector<16xf32>,
      %broadcast_in_dim3A_139 = arith.constant 0.000000e+00 : f32
      %broadcast_in_dim3A_140 = vector.broadcast %broadcast_in_dim3A_139 : f32 to vector<16xf32>
      %swap3A_141 = arith.index_cast %scan3A_90 : i32 to index
      %swap3A_142 = arith.constant 48 : index
      %swap3A_143 = tpu.vector_load %arg6[%swap3A_141, %swap3A_142] {strides = array<i32>} : memref<80x128xf32, #tpu.memory_space<vmem>>, vector<16xf32>,
      tpu.vector_store %arg6[%swap3A_141, %swap3A_142], %broadcast_in_dim3A_140 {strides = array<i32>} : memref<80x128xf32, #tpu.memory_space<vmem>>, vector<16xf32>,
      %broadcast_in_dim3A_144 = arith.constant 0.000000e+00 : f32
      %broadcast_in_dim3A_145 = vector.broadcast %broadcast_in_dim3A_144 : f32 to vector<16xf32>
      %mul3A_146 = arith.constant 128 : i32
      %mul3A_147 = arith.muli %scan3A_90, %mul3A_146 : i32
      %add3A_148 = arith.constant 64 : i32
      %add3A_149 = arith.addi %mul3A_147, %add3A_148 : i32
      %swap3A_150 = arith.index_cast %add3A_149 : i32 to index
      %swap3A_151 = tpu.vector_load %arg5[%swap3A_150] {strides = array<i32>} : memref<10240xf32, #tpu.memory_space<vmem>>, vector<16xf32>,
      tpu.vector_store %arg5[%swap3A_150], %broadcast_in_dim3A_145 {strides = array<i32>} : memref<10240xf32, #tpu.memory_space<vmem>>, vector<16xf32>,
      %broadcast_in_dim3A_152 = arith.constant 0.000000e+00 : f32
      %broadcast_in_dim3A_153 = vector.broadcast %broadcast_in_dim3A_152 : f32 to vector<16xf32>
      %swap3A_154 = arith.index_cast %scan3A_90 : i32 to index
      %swap3A_155 = arith.constant 64 : index
      %swap3A_156 = tpu.vector_load %arg6[%swap3A_154, %swap3A_155] {strides = array<i32>} : memref<80x128xf32, #tpu.memory_space<vmem>>, vector<16xf32>,
      tpu.vector_store %arg6[%swap3A_154, %swap3A_155], %broadcast_in_dim3A_153 {strides = array<i32>} : memref<80x128xf32, #tpu.memory_space<vmem>>, vector<16xf32>,
      %broadcast_in_dim3A_157 = arith.constant 0.000000e+00 : f32
      %broadcast_in_dim3A_158 = vector.broadcast %broadcast_in_dim3A_157 : f32 to vector<16xf32>
      %mul3A_159 = arith.constant 128 : i32
      %mul3A_160 = arith.muli %scan3A_90, %mul3A_159 : i32
      %add3A_161 = arith.constant 80 : i32
      %add3A_162 = arith.addi %mul3A_160, %add3A_161 : i32
      %swap3A_163 = arith.index_cast %add3A_162 : i32 to index
      %swap3A_164 = tpu.vector_load %arg5[%swap3A_163] {strides = array<i32>} : memref<10240xf32, #tpu.memory_space<vmem>>, vector<16xf32>,
      tpu.vector_store %arg5[%swap3A_163], %broadcast_in_dim3A_158 {strides = array<i32>} : memref<10240xf32, #tpu.memory_space<vmem>>, vector<16xf32>,
      %broadcast_in_dim3A_165 = arith.constant 0.000000e+00 : f32
      %broadcast_in_dim3A_166 = vector.broadcast %broadcast_in_dim3A_165 : f32 to vector<16xf32>
      %swap3A_167 = arith.index_cast %scan3A_90 : i32 to index
      %swap3A_168 = arith.constant 80 : index
      %swap3A_169 = tpu.vector_load %arg6[%swap3A_167, %swap3A_168] {strides = array<i32>} : memref<80x128xf32, #tpu.memory_space<vmem>>, vector<16xf32>,
      tpu.vector_store %arg6[%swap3A_167, %swap3A_168], %broadcast_in_dim3A_166 {strides = array<i32>} : memref<80x128xf32, #tpu.memory_space<vmem>>, vector<16xf32>,
      %broadcast_in_dim3A_170 = arith.constant 0.000000e+00 : f32
      %broadcast_in_dim3A_171 = vector.broadcast %broadcast_in_dim3A_170 : f32 to vector<16xf32>
      %mul3A_172 = arith.constant 128 : i32
      %mul3A_173 = arith.muli %scan3A_90, %mul3A_172 : i32
      %add3A_174 = arith.constant 96 : i32
      %add3A_175 = arith.addi %mul3A_173, %add3A_174 : i32
      %swap3A_176 = arith.index_cast %add3A_175 : i32 to index
      %swap3A_177 = tpu.vector_load %arg5[%swap3A_176] {strides = array<i32>} : memref<10240xf32, #tpu.memory_space<vmem>>, vector<16xf32>,
      tpu.vector_store %arg5[%swap3A_176], %broadcast_in_dim3A_171 {strides = array<i32>} : memref<10240xf32, #tpu.memory_space<vmem>>, vector<16xf32>,
      %broadcast_in_dim3A_178 = arith.constant 0.000000e+00 : f32
      %broadcast_in_dim3A_179 = vector.broadcast %broadcast_in_dim3A_178 : f32 to vector<16xf32>
      %swap3A_180 = arith.index_cast %scan3A_90 : i32 to index
      %swap3A_181 = arith.constant 96 : index
      %swap3A_182 = tpu.vector_load %arg6[%swap3A_180, %swap3A_181] {strides = array<i32>} : memref<80x128xf32, #tpu.memory_space<vmem>>, vector<16xf32>,
      tpu.vector_store %arg6[%swap3A_180, %swap3A_181], %broadcast_in_dim3A_179 {strides = array<i32>} : memref<80x128xf32, #tpu.memory_space<vmem>>, vector<16xf32>,
      %broadcast_in_dim3A_183 = arith.constant 0.000000e+00 : f32
      %broadcast_in_dim3A_184 = vector.broadcast %broadcast_in_dim3A_183 : f32 to vector<16xf32>
      %mul3A_185 = arith.constant 128 : i32
      %mul3A_186 = arith.muli %scan3A_90, %mul3A_185 : i32
      %add3A_187 = arith.constant 112 : i32
      %add3A_188 = arith.addi %mul3A_186, %add3A_187 : i32
      %swap3A_189 = arith.index_cast %add3A_188 : i32 to index
      %swap3A_190 = tpu.vector_load %arg5[%swap3A_189] {strides = array<i32>} : memref<10240xf32, #tpu.memory_space<vmem>>, vector<16xf32>,
      tpu.vector_store %arg5[%swap3A_189], %broadcast_in_dim3A_184 {strides = array<i32>} : memref<10240xf32, #tpu.memory_space<vmem>>, vector<16xf32>,
      %broadcast_in_dim3A_191 = arith.constant 0.000000e+00 : f32
      %broadcast_in_dim3A_192 = vector.broadcast %broadcast_in_dim3A_191 : f32 to vector<16xf32>
      %swap3A_193 = arith.index_cast %scan3A_90 : i32 to index
      %swap3A_194 = arith.constant 112 : index
      %swap3A_195 = tpu.vector_load %arg6[%swap3A_193, %swap3A_194] {strides = array<i32>} : memref<80x128xf32, #tpu.memory_space<vmem>>, vector<16xf32>,
      tpu.vector_store %arg6[%swap3A_193, %swap3A_194], %broadcast_in_dim3A_192 {strides = array<i32>} : memref<80x128xf32, #tpu.memory_space<vmem>>, vector<16xf32>,
      %scan3A_196 = arith.constant 0 : i32
      scf.yield %scan3A_196 : i32
    }
    %scan3A_5 = arith.constant 80 : i32
    %iota3A = tpu.iota {dimensions = array<i32: 0>} : vector<16xi32>
    %add3A = arith.constant 0 : i32
    %add3A_6 = vector.broadcast %add3A : i32 to vector<16xi32>
    %add3A_7 = arith.addi %iota3A, %add3A_6 : vector<16xi32>
    %swap3A = arith.constant 0 : index
    %swap3A_8 = tpu.vector_load %arg7[%swap3A] {strides = array<i32>} : memref<80xi32, #tpu.memory_space<vmem>>, vector<16xi32>,
    tpu.vector_store %arg7[%swap3A], %add3A_7 {strides = array<i32>} : memref<80xi32, #tpu.memory_space<vmem>>, vector<16xi32>,
    %iota3A_9 = tpu.iota {dimensions = array<i32: 0>} : vector<16xi32>
    %add3A_10 = arith.constant 16 : i32
    %add3A_11 = vector.broadcast %add3A_10 : i32 to vector<16xi32>
    %add3A_12 = arith.addi %iota3A_9, %add3A_11 : vector<16xi32>
    %swap3A_13 = arith.constant 16 : index
    %swap3A_14 = tpu.vector_load %arg7[%swap3A_13] {strides = array<i32>} : memref<80xi32, #tpu.memory_space<vmem>>, vector<16xi32>,
    tpu.vector_store %arg7[%swap3A_13], %add3A_12 {strides = array<i32>} : memref<80xi32, #tpu.memory_space<vmem>>, vector<16xi32>,
    %iota3A_15 = tpu.iota {dimensions = array<i32: 0>} : vector<16xi32>
    %add3A_16 = arith.constant 32 : i32
    %add3A_17 = vector.broadcast %add3A_16 : i32 to vector<16xi32>
    %add3A_18 = arith.addi %iota3A_15, %add3A_17 : vector<16xi32>
    %swap3A_19 = arith.constant 32 : index
    %swap3A_20 = tpu.vector_load %arg7[%swap3A_19] {strides = array<i32>} : memref<80xi32, #tpu.memory_space<vmem>>, vector<16xi32>,
    tpu.vector_store %arg7[%swap3A_19], %add3A_18 {strides = array<i32>} : memref<80xi32, #tpu.memory_space<vmem>>, vector<16xi32>,
    %iota3A_21 = tpu.iota {dimensions = array<i32: 0>} : vector<16xi32>
    %add3A_22 = arith.constant 48 : i32
    %add3A_23 = vector.broadcast %add3A_22 : i32 to vector<16xi32>
    %add3A_24 = arith.addi %iota3A_21, %add3A_23 : vector<16xi32>
    %swap3A_25 = arith.constant 48 : index
    %swap3A_26 = tpu.vector_load %arg7[%swap3A_25] {strides = array<i32>} : memref<80xi32, #tpu.memory_space<vmem>>, vector<16xi32>,
    tpu.vector_store %arg7[%swap3A_25], %add3A_24 {strides = array<i32>} : memref<80xi32, #tpu.memory_space<vmem>>, vector<16xi32>,
    %iota3A_27 = tpu.iota {dimensions = array<i32: 0>} : vector<16xi32>
    %add3A_28 = arith.constant 64 : i32
    %add3A_29 = vector.broadcast %add3A_28 : i32 to vector<16xi32>
    %add3A_30 = arith.addi %iota3A_27, %add3A_29 : vector<16xi32>
    %swap3A_31 = arith.constant 64 : index
    %swap3A_32 = tpu.vector_load %arg7[%swap3A_31] {strides = array<i32>} : memref<80xi32, #tpu.memory_space<vmem>>, vector<16xi32>,
    tpu.vector_store %arg7[%swap3A_31], %add3A_30 {strides = array<i32>} : memref<80xi32, #tpu.memory_space<vmem>>, vector<16xi32>,
    %mul3A = arith.constant 5 : i32
    %mul3A_33 = arith.muli %arg1, %mul3A : i32
    "tpu.region"() ({
      %run_scoped3A_90 = tpu.sem_alloc : memref<!tpu.dma_semaphore, #tpu.memory_space<semaphore_mem>>
      %dma_start3A = arith.constant 0 : i32
      %dma_start3A_91 = arith.constant 0 : i32
      %dma_start3A_92 = tpu.memref_slice %arg6[%dma_start3A, %dma_start3A_91] : memref<80x128xf32, #tpu.memory_space<vmem>> -> memref<5x128xf32, #tpu.memory_space<vmem>>
      %dma_start3A_93 = arith.constant 0 : i32
      %dma_start3A_94 = tpu.memref_slice %arg8[%mul3A_33, %dma_start3A_93] : memref<80x128xf32, #tpu.memory_space<vmem_shared>> -> memref<5x128xf32, #tpu.memory_space<vmem_shared>>
      %dma_start3A_95 = arith.constant 0 : i32
      %dma_start3A_96 = tpu.memref_slice %arg8[%mul3A_33, %dma_start3A_95] : memref<80x128xf32, #tpu.memory_space<vmem_shared>> -> memref<5x128xf32, #tpu.memory_space<vmem_shared>>
      %dma_start3A_97 = arith.constant 0 : i32
      %dma_start3A_98 = arith.constant 0 : i32
      %dma_start3A_99 = tpu.memref_slice %arg6[%dma_start3A_97, %dma_start3A_98] : memref<80x128xf32, #tpu.memory_space<vmem>> -> memref<5x128xf32, #tpu.memory_space<vmem>>
      tpu.enqueue_dma source(%dma_start3A_99 : memref<5x128xf32, #tpu.memory_space<vmem>>) target(%dma_start3A_96 : memref<5x128xf32, #tpu.memory_space<vmem_shared>>) target_semaphore(%run_scoped3A_90 : memref<!tpu.dma_semaphore, #tpu.memory_space<semaphore_mem>>)
      %dma_wait3A = arith.constant 0 : i32
      %dma_wait3A_100 = arith.constant 0 : i32
      %dma_wait3A_101 = tpu.memref_slice %arg6[%dma_wait3A, %dma_wait3A_100] : memref<80x128xf32, #tpu.memory_space<vmem>> -> memref<5x128xf32, #tpu.memory_space<vmem>>
      %dma_wait3A_102 = arith.constant 0 : i32
      %dma_wait3A_103 = tpu.memref_slice %arg8[%mul3A_33, %dma_wait3A_102] : memref<80x128xf32, #tpu.memory_space<vmem_shared>> -> memref<5x128xf32, #tpu.memory_space<vmem_shared>>
      %dma_wait3A_104 = arith.constant 0 : i32
      %dma_wait3A_105 = tpu.memref_slice %arg8[%mul3A_33, %dma_wait3A_104] : memref<80x128xf32, #tpu.memory_space<vmem_shared>> -> memref<5x128xf32, #tpu.memory_space<vmem_shared>>
      %dma_wait3A_106 = arith.constant 0 : i32
      %dma_wait3A_107 = arith.constant 0 : i32
      %dma_wait3A_108 = tpu.memref_slice %arg6[%dma_wait3A_106, %dma_wait3A_107] : memref<80x128xf32, #tpu.memory_space<vmem>> -> memref<5x128xf32, #tpu.memory_space<vmem>>
      tpu.wait_dma2 semaphore(%run_scoped3A_90 : memref<!tpu.dma_semaphore, #tpu.memory_space<semaphore_mem>>) src(%dma_wait3A_108 : memref<5x128xf32, #tpu.memory_space<vmem>>) dst(%dma_wait3A_105 : memref<5x128xf32, #tpu.memory_space<vmem_shared>>)
      tpu.yield
    }) : () -> ()
    %mul3A_34 = arith.constant 20 : i32
    %mul3A_35 = arith.muli %mul3A_34, %arg1 : i32
    %min3A = arith.constant 5 : i32
    %min3A_36 = arith.minsi %arg1, %min3A : i32
    %add3A_37 = arith.addi %mul3A_35, %min3A_36 : i32
    %mul3A_38 = arith.constant 4 : i32
    %mul3A_39 = arith.muli %mul3A_38, %add3A_37 : i32
    %mul3A_40 = arith.constant 18 : i32
    %mul3A_41 = arith.muli %mul3A_40, %arg1 : i32
    %min3A_42 = arith.constant 12 : i32
    %min3A_43 = arith.minsi %arg1, %min3A_42 : i32
    %add3A_44 = arith.addi %mul3A_41, %min3A_43 : i32
    %mul3A_45 = arith.constant 4 : i32
    %mul3A_46 = arith.muli %mul3A_45, %add3A_44 : i32
    %add3A_47 = arith.constant 1300 : i32
    %add3A_48 = arith.addi %add3A_47, %mul3A_46 : i32
    %eq3A = arith.constant 0 : i32
    %eq3A_49 = arith.cmpi eq, %arg0, %eq3A : i32
    %select_n3A = arith.select %eq3A_49, %mul3A_39, %add3A_48 : i32
    %eq3A_50 = arith.constant 0 : i32
    %eq3A_51 = arith.cmpi eq, %arg0, %eq3A_50 : i32
    %lt3A = arith.constant 5 : i32
    %lt3A_52 = arith.cmpi slt, %arg1, %lt3A : i32
    %convert_element_type3A = arith.extui %lt3A_52 : i1 to i32
    %add3A_53 = arith.constant 20 : i32
    %add3A_54 = arith.addi %add3A_53, %convert_element_type3A : i32
    %lt3A_55 = arith.constant 12 : i32
    %lt3A_56 = arith.cmpi slt, %arg1, %lt3A_55 : i32
    %convert_element_type3A_57 = arith.extui %lt3A_56 : i1 to i32
    %add3A_58 = arith.constant 18 : i32
    %add3A_59 = arith.addi %add3A_58, %convert_element_type3A_57 : i32
    %select_n3A_60 = arith.select %eq3A_51, %add3A_54, %add3A_59 : i32
    %mul3A_61 = arith.constant 4 : i32
    %mul3A_62 = arith.muli %mul3A_61, %select_n3A_60 : i32
    %min3A_63 = arith.constant 2416 : i32
    %min3A_64 = arith.minsi %select_n3A, %min3A_63 : i32
    %max3A = arith.constant 0 : i32
    %max3A_65 = arith.maxsi %min3A_64, %max3A : i32
    %sub3A = arith.subi %select_n3A, %max3A_65 : i32
    %run_scoped3A = arith.constant 1 : i32
    "tpu.region"() ({
      %run_scoped3A_90 = tpu.sem_alloc : memref<!tpu.dma_semaphore, #tpu.memory_space<semaphore_mem>>
      %dma_start3A = arith.constant 0 : i32
      %dma_start3A_91 = tpu.memref_slice %arg2[%run_scoped3A, %max3A_65, %dma_start3A] : memref<2x2500x128xi32, #tpu.memory_space<hbm>> -> memref<1x84x128xi32, #tpu.memory_space<hbm>>
      %dma_start3A_92 = tpu.memref_squeeze %dma_start3A_91 : memref<1x84x128xi32, #tpu.memory_space<hbm>> -> memref<84x128xi32, #tpu.memory_space<hbm>>
      %dma_start3A_93 = arith.constant 0 : i32
      %dma_start3A_94 = tpu.memref_slice %arg2[%run_scoped3A, %max3A_65, %dma_start3A_93] : memref<2x2500x128xi32, #tpu.memory_space<hbm>> -> memref<1x84x128xi32, #tpu.memory_space<hbm>>
      %dma_start3A_95 = tpu.memref_squeeze %dma_start3A_94 : memref<1x84x128xi32, #tpu.memory_space<hbm>> -> memref<84x128xi32, #tpu.memory_space<hbm>>
      tpu.enqueue_dma source(%dma_start3A_95 : memref<84x128xi32, #tpu.memory_space<hbm>>) target(%arg4 : memref<84x128xi32, #tpu.memory_space<vmem>>) target_semaphore(%run_scoped3A_90 : memref<!tpu.dma_semaphore, #tpu.memory_space<semaphore_mem>>)
      %dma_wait3A = arith.constant 0 : i32
      %dma_wait3A_96 = tpu.memref_slice %arg2[%run_scoped3A, %max3A_65, %dma_wait3A] : memref<2x2500x128xi32, #tpu.memory_space<hbm>> -> memref<1x84x128xi32, #tpu.memory_space<hbm>>
      %dma_wait3A_97 = tpu.memref_squeeze %dma_wait3A_96 : memref<1x84x128xi32, #tpu.memory_space<hbm>> -> memref<84x128xi32, #tpu.memory_space<hbm>>
      %dma_wait3A_98 = arith.constant 0 : i32
      %dma_wait3A_99 = tpu.memref_slice %arg2[%run_scoped3A, %max3A_65, %dma_wait3A_98] : memref<2x2500x128xi32, #tpu.memory_space<hbm>> -> memref<1x84x128xi32, #tpu.memory_space<hbm>>
      %dma_wait3A_100 = tpu.memref_squeeze %dma_wait3A_99 : memref<1x84x128xi32, #tpu.memory_space<hbm>> -> memref<84x128xi32, #tpu.memory_space<hbm>>
      tpu.wait_dma2 semaphore(%run_scoped3A_90 : memref<!tpu.dma_semaphore, #tpu.memory_space<semaphore_mem>>) src(%dma_wait3A_100 : memref<84x128xi32, #tpu.memory_space<hbm>>) dst(%arg4 : memref<84x128xi32, #tpu.memory_space<vmem>>)
      tpu.yield
    }) : () -> ()
    %barrier3A = arith.constant 0 : index
    tpu.barrier barrier_id(%barrier3A)
    %broadcast_in_dim3A = arith.constant 1.000000e+00 : f32
    %broadcast_in_dim3A_66 = vector.broadcast %broadcast_in_dim3A : f32 to vector<16xf32>
    %add3A_67 = arith.addi %sub3A, %mul3A_62 : i32
    %while3A = arith.constant 0 : i32
    %while3A_68 = arith.subi %add3A_67, %sub3A : i32
    %while3A_69 = arith.addi %sub3A, %while3A_68 : i32
    %while3A_70 = arith.constant 1 : i32
    %while3A_71 = arith.divsi %while3A_68, %while3A_70 : i32
    %while3A_72 = arith.muli %while3A_71, %while3A_70 : i32
    %while3A_73 = arith.addi %sub3A, %while3A_72 : i32
    %while3A_74 = arith.constant 1 : i32
    %while3A_75 = scf.for %while3A_90 = %sub3A to %while3A_73 step %while3A_74 iter_args(%while3A_91 = %while3A) -> (i32)  : i32 {
      %get3A = arith.index_cast %while3A_90 : i32 to index
      %get3A_92 = arith.constant 0 : index
      %get3A_93 = tpu.vector_load %arg4[%get3A, %get3A_92] {strides = array<i32>} : memref<84x128xi32, #tpu.memory_space<vmem>>, vector<16xi32>,
      tpu.vector_store_idx %arg5[%get3A_93], %broadcast_in_dim3A_66 {add = true} : memref<10240xf32, #tpu.memory_space<vmem>>[vector<16xi32>], vector<16xf32>,
      %get3A_94 = arith.index_cast %while3A_90 : i32 to index
      %get3A_95 = arith.constant 16 : index
      %get3A_96 = tpu.vector_load %arg4[%get3A_94, %get3A_95] {strides = array<i32>} : memref<84x128xi32, #tpu.memory_space<vmem>>, vector<16xi32>,
      tpu.vector_store_idx %arg5[%get3A_96], %broadcast_in_dim3A_66 {add = true} : memref<10240xf32, #tpu.memory_space<vmem>>[vector<16xi32>], vector<16xf32>,
      %get3A_97 = arith.index_cast %while3A_90 : i32 to index
      %get3A_98 = arith.constant 32 : index
      %get3A_99 = tpu.vector_load %arg4[%get3A_97, %get3A_98] {strides = array<i32>} : memref<84x128xi32, #tpu.memory_space<vmem>>, vector<16xi32>,
      tpu.vector_store_idx %arg5[%get3A_99], %broadcast_in_dim3A_66 {add = true} : memref<10240xf32, #tpu.memory_space<vmem>>[vector<16xi32>], vector<16xf32>,
      %get3A_100 = arith.index_cast %while3A_90 : i32 to index
      %get3A_101 = arith.constant 48 : index
      %get3A_102 = tpu.vector_load %arg4[%get3A_100, %get3A_101] {strides = array<i32>} : memref<84x128xi32, #tpu.memory_space<vmem>>, vector<16xi32>,
      tpu.vector_store_idx %arg5[%get3A_102], %broadcast_in_dim3A_66 {add = true} : memref<10240xf32, #tpu.memory_space<vmem>>[vector<16xi32>], vector<16xf32>,
      %get3A_103 = arith.index_cast %while3A_90 : i32 to index
      %get3A_104 = arith.constant 64 : index
      %get3A_105 = tpu.vector_load %arg4[%get3A_103, %get3A_104] {strides = array<i32>} : memref<84x128xi32, #tpu.memory_space<vmem>>, vector<16xi32>,
      tpu.vector_store_idx %arg5[%get3A_105], %broadcast_in_dim3A_66 {add = true} : memref<10240xf32, #tpu.memory_space<vmem>>[vector<16xi32>], vector<16xf32>,
      %get3A_106 = arith.index_cast %while3A_90 : i32 to index
      %get3A_107 = arith.constant 80 : index
      %get3A_108 = tpu.vector_load %arg4[%get3A_106, %get3A_107] {strides = array<i32>} : memref<84x128xi32, #tpu.memory_space<vmem>>, vector<16xi32>,
      tpu.vector_store_idx %arg5[%get3A_108], %broadcast_in_dim3A_66 {add = true} : memref<10240xf32, #tpu.memory_space<vmem>>[vector<16xi32>], vector<16xf32>,
      %get3A_109 = arith.index_cast %while3A_90 : i32 to index
      %get3A_110 = arith.constant 96 : index
      %get3A_111 = tpu.vector_load %arg4[%get3A_109, %get3A_110] {strides = array<i32>} : memref<84x128xi32, #tpu.memory_space<vmem>>, vector<16xi32>,
      tpu.vector_store_idx %arg5[%get3A_111], %broadcast_in_dim3A_66 {add = true} : memref<10240xf32, #tpu.memory_space<vmem>>[vector<16xi32>], vector<16xf32>,
      %get3A_112 = arith.index_cast %while3A_90 : i32 to index
      %get3A_113 = arith.constant 112 : index
      %get3A_114 = tpu.vector_load %arg4[%get3A_112, %get3A_113] {strides = array<i32>} : memref<84x128xi32, #tpu.memory_space<vmem>>, vector<16xi32>,
      tpu.vector_store_idx %arg5[%get3A_114], %broadcast_in_dim3A_66 {add = true} : memref<10240xf32, #tpu.memory_space<vmem>>[vector<16xi32>], vector<16xf32>,
      %while3A_115 = arith.constant 0 : i32
      scf.yield %while3A_115 : i32
    }
    %while3A_76 = arith.constant 1 : i32
    %while3A_77 = scf.for %while3A_90 = %while3A_73 to %while3A_69 step %while3A_76 iter_args(%while3A_91 = %while3A_75) -> (i32)  : i32 {
      %get3A = arith.index_cast %while3A_90 : i32 to index
      %get3A_92 = arith.constant 0 : index
      %get3A_93 = tpu.vector_load %arg4[%get3A, %get3A_92] {strides = array<i32>} : memref<84x128xi32, #tpu.memory_space<vmem>>, vector<16xi32>,
      tpu.vector_store_idx %arg5[%get3A_93], %broadcast_in_dim3A_66 {add = true} : memref<10240xf32, #tpu.memory_space<vmem>>[vector<16xi32>], vector<16xf32>,
      %get3A_94 = arith.index_cast %while3A_90 : i32 to index
      %get3A_95 = arith.constant 16 : index
      %get3A_96 = tpu.vector_load %arg4[%get3A_94, %get3A_95] {strides = array<i32>} : memref<84x128xi32, #tpu.memory_space<vmem>>, vector<16xi32>,
      tpu.vector_store_idx %arg5[%get3A_96], %broadcast_in_dim3A_66 {add = true} : memref<10240xf32, #tpu.memory_space<vmem>>[vector<16xi32>], vector<16xf32>,
      %get3A_97 = arith.index_cast %while3A_90 : i32 to index
      %get3A_98 = arith.constant 32 : index
      %get3A_99 = tpu.vector_load %arg4[%get3A_97, %get3A_98] {strides = array<i32>} : memref<84x128xi32, #tpu.memory_space<vmem>>, vector<16xi32>,
      tpu.vector_store_idx %arg5[%get3A_99], %broadcast_in_dim3A_66 {add = true} : memref<10240xf32, #tpu.memory_space<vmem>>[vector<16xi32>], vector<16xf32>,
      %get3A_100 = arith.index_cast %while3A_90 : i32 to index
      %get3A_101 = arith.constant 48 : index
      %get3A_102 = tpu.vector_load %arg4[%get3A_100, %get3A_101] {strides = array<i32>} : memref<84x128xi32, #tpu.memory_space<vmem>>, vector<16xi32>,
      tpu.vector_store_idx %arg5[%get3A_102], %broadcast_in_dim3A_66 {add = true} : memref<10240xf32, #tpu.memory_space<vmem>>[vector<16xi32>], vector<16xf32>,
      %get3A_103 = arith.index_cast %while3A_90 : i32 to index
      %get3A_104 = arith.constant 64 : index
      %get3A_105 = tpu.vector_load %arg4[%get3A_103, %get3A_104] {strides = array<i32>} : memref<84x128xi32, #tpu.memory_space<vmem>>, vector<16xi32>,
      tpu.vector_store_idx %arg5[%get3A_105], %broadcast_in_dim3A_66 {add = true} : memref<10240xf32, #tpu.memory_space<vmem>>[vector<16xi32>], vector<16xf32>,
      %get3A_106 = arith.index_cast %while3A_90 : i32 to index
      %get3A_107 = arith.constant 80 : index
      %get3A_108 = tpu.vector_load %arg4[%get3A_106, %get3A_107] {strides = array<i32>} : memref<84x128xi32, #tpu.memory_space<vmem>>, vector<16xi32>,
      tpu.vector_store_idx %arg5[%get3A_108], %broadcast_in_dim3A_66 {add = true} : memref<10240xf32, #tpu.memory_space<vmem>>[vector<16xi32>], vector<16xf32>,
      %get3A_109 = arith.index_cast %while3A_90 : i32 to index
      %get3A_110 = arith.constant 96 : index
      %get3A_111 = tpu.vector_load %arg4[%get3A_109, %get3A_110] {strides = array<i32>} : memref<84x128xi32, #tpu.memory_space<vmem>>, vector<16xi32>,
      tpu.vector_store_idx %arg5[%get3A_111], %broadcast_in_dim3A_66 {add = true} : memref<10240xf32, #tpu.memory_space<vmem>>[vector<16xi32>], vector<16xf32>,
      %get3A_112 = arith.index_cast %while3A_90 : i32 to index
      %get3A_113 = arith.constant 112 : index
      %get3A_114 = tpu.vector_load %arg4[%get3A_112, %get3A_113] {strides = array<i32>} : memref<84x128xi32, #tpu.memory_space<vmem>>, vector<16xi32>,
      tpu.vector_store_idx %arg5[%get3A_114], %broadcast_in_dim3A_66 {add = true} : memref<10240xf32, #tpu.memory_space<vmem>>[vector<16xi32>], vector<16xf32>,
      %while3A_115 = arith.constant 0 : i32
      scf.yield %while3A_115 : i32
    }
    %scan3A_78 = arith.constant 0 : i32
    %scan3A_79 = arith.constant 0 : i32
    %scan3A_80 = arith.constant 80 : i32
    %scan3A_81 = arith.addi %scan3A_79, %scan3A_80 : i32
    %scan3A_82 = arith.constant 1 : i32
    %scan3A_83 = scf.for %scan3A_90 = %scan3A_79 to %scan3A_81 step %scan3A_82 iter_args(%scan3A_91 = %scan3A_78) -> (i32)  : i32 {
      %mul3A_92 = arith.constant 128 : i32
      %mul3A_93 = arith.muli %scan3A_90, %mul3A_92 : i32
      %add3A_94 = arith.constant 0 : i32
      %add3A_95 = arith.addi %mul3A_93, %add3A_94 : i32
      %get3A = arith.index_cast %add3A_95 : i32 to index
      %get3A_96 = tpu.vector_load %arg5[%get3A] {strides = array<i32>} : memref<10240xf32, #tpu.memory_space<vmem>>, vector<16xf32>,
      %swap3A_97 = arith.index_cast %scan3A_90 : i32 to index
      %swap3A_98 = arith.constant 0 : index
      %swap3A_99 = tpu.vector_load %arg6[%swap3A_97, %swap3A_98] {strides = array<i32>} : memref<80x128xf32, #tpu.memory_space<vmem>>, vector<16xf32>,
      tpu.vector_store %arg6[%swap3A_97, %swap3A_98], %get3A_96 {strides = array<i32>} : memref<80x128xf32, #tpu.memory_space<vmem>>, vector<16xf32>,
      %mul3A_100 = arith.constant 128 : i32
      %mul3A_101 = arith.muli %scan3A_90, %mul3A_100 : i32
      %add3A_102 = arith.constant 16 : i32
      %add3A_103 = arith.addi %mul3A_101, %add3A_102 : i32
      %get3A_104 = arith.index_cast %add3A_103 : i32 to index
      %get3A_105 = tpu.vector_load %arg5[%get3A_104] {strides = array<i32>} : memref<10240xf32, #tpu.memory_space<vmem>>, vector<16xf32>,
      %swap3A_106 = arith.index_cast %scan3A_90 : i32 to index
      %swap3A_107 = arith.constant 16 : index
      %swap3A_108 = tpu.vector_load %arg6[%swap3A_106, %swap3A_107] {strides = array<i32>} : memref<80x128xf32, #tpu.memory_space<vmem>>, vector<16xf32>,
      tpu.vector_store %arg6[%swap3A_106, %swap3A_107], %get3A_105 {strides = array<i32>} : memref<80x128xf32, #tpu.memory_space<vmem>>, vector<16xf32>,
      %mul3A_109 = arith.constant 128 : i32
      %mul3A_110 = arith.muli %scan3A_90, %mul3A_109 : i32
      %add3A_111 = arith.constant 32 : i32
      %add3A_112 = arith.addi %mul3A_110, %add3A_111 : i32
      %get3A_113 = arith.index_cast %add3A_112 : i32 to index
      %get3A_114 = tpu.vector_load %arg5[%get3A_113] {strides = array<i32>} : memref<10240xf32, #tpu.memory_space<vmem>>, vector<16xf32>,
      %swap3A_115 = arith.index_cast %scan3A_90 : i32 to index
      %swap3A_116 = arith.constant 32 : index
      %swap3A_117 = tpu.vector_load %arg6[%swap3A_115, %swap3A_116] {strides = array<i32>} : memref<80x128xf32, #tpu.memory_space<vmem>>, vector<16xf32>,
      tpu.vector_store %arg6[%swap3A_115, %swap3A_116], %get3A_114 {strides = array<i32>} : memref<80x128xf32, #tpu.memory_space<vmem>>, vector<16xf32>,
      %mul3A_118 = arith.constant 128 : i32
      %mul3A_119 = arith.muli %scan3A_90, %mul3A_118 : i32
      %add3A_120 = arith.constant 48 : i32
      %add3A_121 = arith.addi %mul3A_119, %add3A_120 : i32
      %get3A_122 = arith.index_cast %add3A_121 : i32 to index
      %get3A_123 = tpu.vector_load %arg5[%get3A_122] {strides = array<i32>} : memref<10240xf32, #tpu.memory_space<vmem>>, vector<16xf32>,
      %swap3A_124 = arith.index_cast %scan3A_90 : i32 to index
      %swap3A_125 = arith.constant 48 : index
      %swap3A_126 = tpu.vector_load %arg6[%swap3A_124, %swap3A_125] {strides = array<i32>} : memref<80x128xf32, #tpu.memory_space<vmem>>, vector<16xf32>,
      tpu.vector_store %arg6[%swap3A_124, %swap3A_125], %get3A_123 {strides = array<i32>} : memref<80x128xf32, #tpu.memory_space<vmem>>, vector<16xf32>,
      %mul3A_127 = arith.constant 128 : i32
      %mul3A_128 = arith.muli %scan3A_90, %mul3A_127 : i32
      %add3A_129 = arith.constant 64 : i32
      %add3A_130 = arith.addi %mul3A_128, %add3A_129 : i32
      %get3A_131 = arith.index_cast %add3A_130 : i32 to index
      %get3A_132 = tpu.vector_load %arg5[%get3A_131] {strides = array<i32>} : memref<10240xf32, #tpu.memory_space<vmem>>, vector<16xf32>,
      %swap3A_133 = arith.index_cast %scan3A_90 : i32 to index
      %swap3A_134 = arith.constant 64 : index
      %swap3A_135 = tpu.vector_load %arg6[%swap3A_133, %swap3A_134] {strides = array<i32>} : memref<80x128xf32, #tpu.memory_space<vmem>>, vector<16xf32>,
      tpu.vector_store %arg6[%swap3A_133, %swap3A_134], %get3A_132 {strides = array<i32>} : memref<80x128xf32, #tpu.memory_space<vmem>>, vector<16xf32>,
      %mul3A_136 = arith.constant 128 : i32
      %mul3A_137 = arith.muli %scan3A_90, %mul3A_136 : i32
      %add3A_138 = arith.constant 80 : i32
      %add3A_139 = arith.addi %mul3A_137, %add3A_138 : i32
      %get3A_140 = arith.index_cast %add3A_139 : i32 to index
      %get3A_141 = tpu.vector_load %arg5[%get3A_140] {strides = array<i32>} : memref<10240xf32, #tpu.memory_space<vmem>>, vector<16xf32>,
      %swap3A_142 = arith.index_cast %scan3A_90 : i32 to index
      %swap3A_143 = arith.constant 80 : index
      %swap3A_144 = tpu.vector_load %arg6[%swap3A_142, %swap3A_143] {strides = array<i32>} : memref<80x128xf32, #tpu.memory_space<vmem>>, vector<16xf32>,
      tpu.vector_store %arg6[%swap3A_142, %swap3A_143], %get3A_141 {strides = array<i32>} : memref<80x128xf32, #tpu.memory_space<vmem>>, vector<16xf32>,
      %mul3A_145 = arith.constant 128 : i32
      %mul3A_146 = arith.muli %scan3A_90, %mul3A_145 : i32
      %add3A_147 = arith.constant 96 : i32
      %add3A_148 = arith.addi %mul3A_146, %add3A_147 : i32
      %get3A_149 = arith.index_cast %add3A_148 : i32 to index
      %get3A_150 = tpu.vector_load %arg5[%get3A_149] {strides = array<i32>} : memref<10240xf32, #tpu.memory_space<vmem>>, vector<16xf32>,
      %swap3A_151 = arith.index_cast %scan3A_90 : i32 to index
      %swap3A_152 = arith.constant 96 : index
      %swap3A_153 = tpu.vector_load %arg6[%swap3A_151, %swap3A_152] {strides = array<i32>} : memref<80x128xf32, #tpu.memory_space<vmem>>, vector<16xf32>,
      tpu.vector_store %arg6[%swap3A_151, %swap3A_152], %get3A_150 {strides = array<i32>} : memref<80x128xf32, #tpu.memory_space<vmem>>, vector<16xf32>,
      %mul3A_154 = arith.constant 128 : i32
      %mul3A_155 = arith.muli %scan3A_90, %mul3A_154 : i32
      %add3A_156 = arith.constant 112 : i32
      %add3A_157 = arith.addi %mul3A_155, %add3A_156 : i32
      %get3A_158 = arith.index_cast %add3A_157 : i32 to index
      %get3A_159 = tpu.vector_load %arg5[%get3A_158] {strides = array<i32>} : memref<10240xf32, #tpu.memory_space<vmem>>, vector<16xf32>,
      %swap3A_160 = arith.index_cast %scan3A_90 : i32 to index
      %swap3A_161 = arith.constant 112 : index
      %swap3A_162 = tpu.vector_load %arg6[%swap3A_160, %swap3A_161] {strides = array<i32>} : memref<80x128xf32, #tpu.memory_space<vmem>>, vector<16xf32>,
      tpu.vector_store %arg6[%swap3A_160, %swap3A_161], %get3A_159 {strides = array<i32>} : memref<80x128xf32, #tpu.memory_space<vmem>>, vector<16xf32>,
      %scan3A_163 = arith.constant 0 : i32
      scf.yield %scan3A_163 : i32
    }
    %scan3A_84 = arith.constant 80 : i32
    "tpu.region"() ({
      %run_scoped3A_90 = tpu.sem_alloc : memref<!tpu.dma_semaphore, #tpu.memory_space<semaphore_mem>>
      %dma_start3A = arith.constant 0 : i32
      %dma_start3A_91 = arith.constant 0 : i32
      %dma_start3A_92 = tpu.memref_slice %arg8[%dma_start3A, %dma_start3A_91] : memref<80x128xf32, #tpu.memory_space<vmem_shared>> -> memref<80x128xf32, #tpu.memory_space<vmem_shared>>
      tpu.enqueue_indirect_dma source(%arg6 : memref<80x128xf32, #tpu.memory_space<vmem>>) target(%dma_start3A_92 : memref<80x128xf32, #tpu.memory_space<vmem_shared>>) offsets(%arg7 : memref<80xi32, #tpu.memory_space<vmem>>) semaphore(%run_scoped3A_90 : memref<!tpu.dma_semaphore, #tpu.memory_space<semaphore_mem>>) {add = true}
      %dma_wait3A = arith.constant 0 : i32
      %dma_wait3A_93 = arith.constant 0 : i32
      %dma_wait3A_94 = tpu.memref_slice %arg8[%dma_wait3A, %dma_wait3A_93] : memref<80x128xf32, #tpu.memory_space<vmem_shared>> -> memref<80x128xf32, #tpu.memory_space<vmem_shared>>
      tpu.wait_indirect_dma semaphore(%run_scoped3A_90 : memref<!tpu.dma_semaphore, #tpu.memory_space<semaphore_mem>>) src(%arg6 : memref<80x128xf32, #tpu.memory_space<vmem>>) dst(%dma_wait3A_94 : memref<80x128xf32, #tpu.memory_space<vmem_shared>>)
      tpu.yield
    }) : () -> ()
    %barrier3A_85 = arith.constant 0 : index
    tpu.barrier barrier_id(%barrier3A_85)
    %mul3A_86 = arith.constant 5 : i32
    %mul3A_87 = arith.muli %arg1, %mul3A_86 : i32
    "tpu.region"() ({
      %run_scoped3A_90 = tpu.sem_alloc : memref<!tpu.dma_semaphore, #tpu.memory_space<semaphore_mem>>
      %dma_start3A = arith.constant 0 : i32
      %dma_start3A_91 = arith.constant 0 : i32
      %dma_start3A_92 = tpu.memref_slice %arg6[%dma_start3A, %dma_start3A_91] : memref<80x128xf32, #tpu.memory_space<vmem>> -> memref<5x128xf32, #tpu.memory_space<vmem>>
      %dma_start3A_93 = arith.constant 0 : i32
      %dma_start3A_94 = tpu.memref_slice %arg8[%mul3A_87, %dma_start3A_93] : memref<80x128xf32, #tpu.memory_space<vmem_shared>> -> memref<5x128xf32, #tpu.memory_space<vmem_shared>>
      %dma_start3A_95 = arith.constant 0 : i32
      %dma_start3A_96 = arith.constant 0 : i32
      %dma_start3A_97 = tpu.memref_slice %arg6[%dma_start3A_95, %dma_start3A_96] : memref<80x128xf32, #tpu.memory_space<vmem>> -> memref<5x128xf32, #tpu.memory_space<vmem>>
      %dma_start3A_98 = arith.constant 0 : i32
      %dma_start3A_99 = tpu.memref_slice %arg8[%mul3A_87, %dma_start3A_98] : memref<80x128xf32, #tpu.memory_space<vmem_shared>> -> memref<5x128xf32, #tpu.memory_space<vmem_shared>>
      tpu.enqueue_dma source(%dma_start3A_99 : memref<5x128xf32, #tpu.memory_space<vmem_shared>>) target(%dma_start3A_97 : memref<5x128xf32, #tpu.memory_space<vmem>>) target_semaphore(%run_scoped3A_90 : memref<!tpu.dma_semaphore, #tpu.memory_space<semaphore_mem>>)
      %dma_wait3A = arith.constant 0 : i32
      %dma_wait3A_100 = arith.constant 0 : i32
      %dma_wait3A_101 = tpu.memref_slice %arg6[%dma_wait3A, %dma_wait3A_100] : memref<80x128xf32, #tpu.memory_space<vmem>> -> memref<5x128xf32, #tpu.memory_space<vmem>>
      %dma_wait3A_102 = arith.constant 0 : i32
      %dma_wait3A_103 = tpu.memref_slice %arg8[%mul3A_87, %dma_wait3A_102] : memref<80x128xf32, #tpu.memory_space<vmem_shared>> -> memref<5x128xf32, #tpu.memory_space<vmem_shared>>
      %dma_wait3A_104 = arith.constant 0 : i32
      %dma_wait3A_105 = arith.constant 0 : i32
      %dma_wait3A_106 = tpu.memref_slice %arg6[%dma_wait3A_104, %dma_wait3A_105] : memref<80x128xf32, #tpu.memory_space<vmem>> -> memref<5x128xf32, #tpu.memory_space<vmem>>
      %dma_wait3A_107 = arith.constant 0 : i32
      %dma_wait3A_108 = tpu.memref_slice %arg8[%mul3A_87, %dma_wait3A_107] : memref<80x128xf32, #tpu.memory_space<vmem_shared>> -> memref<5x128xf32, #tpu.memory_space<vmem_shared>>
      tpu.wait_dma2 semaphore(%run_scoped3A_90 : memref<!tpu.dma_semaphore, #tpu.memory_space<semaphore_mem>>) src(%dma_wait3A_108 : memref<5x128xf32, #tpu.memory_space<vmem_shared>>) dst(%dma_wait3A_106 : memref<5x128xf32, #tpu.memory_space<vmem>>)
      tpu.yield
    }) : () -> ()
    %mul3A_88 = arith.constant 5 : i32
    %mul3A_89 = arith.muli %arg1, %mul3A_88 : i32
    "tpu.region"() ({
      %run_scoped3A_90 = tpu.sem_alloc : memref<!tpu.dma_semaphore, #tpu.memory_space<semaphore_mem>>
      %dma_start3A = arith.constant 0 : i32
      %dma_start3A_91 = arith.constant 0 : i32
      %dma_start3A_92 = tpu.memref_slice %arg6[%dma_start3A, %dma_start3A_91] : memref<80x128xf32, #tpu.memory_space<vmem>> -> memref<5x128xf32, #tpu.memory_space<vmem>>
      %dma_start3A_93 = arith.constant 0 : i32
      %dma_start3A_94 = tpu.memref_slice %arg3[%arg0, %mul3A_89, %dma_start3A_93] : memref<2x80x128xf32, #tpu.memory_space<hbm>> -> memref<1x5x128xf32, #tpu.memory_space<hbm>>
      %dma_start3A_95 = tpu.memref_squeeze %dma_start3A_94 : memref<1x5x128xf32, #tpu.memory_space<hbm>> -> memref<5x128xf32, #tpu.memory_space<hbm>>
      %dma_start3A_96 = arith.constant 0 : i32
      %dma_start3A_97 = tpu.memref_slice %arg3[%arg0, %mul3A_89, %dma_start3A_96] : memref<2x80x128xf32, #tpu.memory_space<hbm>> -> memref<1x5x128xf32, #tpu.memory_space<hbm>>
      %dma_start3A_98 = tpu.memref_squeeze %dma_start3A_97 : memref<1x5x128xf32, #tpu.memory_space<hbm>> -> memref<5x128xf32, #tpu.memory_space<hbm>>
      %dma_start3A_99 = arith.constant 0 : i32
      %dma_start3A_100 = arith.constant 0 : i32
      %dma_start3A_101 = tpu.memref_slice %arg6[%dma_start3A_99, %dma_start3A_100] : memref<80x128xf32, #tpu.memory_space<vmem>> -> memref<5x128xf32, #tpu.memory_space<vmem>>
      tpu.enqueue_dma source(%dma_start3A_101 : memref<5x128xf32, #tpu.memory_space<vmem>>) target(%dma_start3A_98 : memref<5x128xf32, #tpu.memory_space<hbm>>) target_semaphore(%run_scoped3A_90 : memref<!tpu.dma_semaphore, #tpu.memory_space<semaphore_mem>>)
      %dma_wait3A = arith.constant 0 : i32
      %dma_wait3A_102 = arith.constant 0 : i32
      %dma_wait3A_103 = tpu.memref_slice %arg6[%dma_wait3A, %dma_wait3A_102] : memref<80x128xf32, #tpu.memory_space<vmem>> -> memref<5x128xf32, #tpu.memory_space<vmem>>
      %dma_wait3A_104 = arith.constant 0 : i32
      %dma_wait3A_105 = tpu.memref_slice %arg3[%arg0, %mul3A_89, %dma_wait3A_104] : memref<2x80x128xf32, #tpu.memory_space<hbm>> -> memref<1x5x128xf32, #tpu.memory_space<hbm>>
      %dma_wait3A_106 = tpu.memref_squeeze %dma_wait3A_105 : memref<1x5x128xf32, #tpu.memory_space<hbm>> -> memref<5x128xf32, #tpu.memory_space<hbm>>
      %dma_wait3A_107 = arith.constant 0 : i32
      %dma_wait3A_108 = tpu.memref_slice %arg3[%arg0, %mul3A_89, %dma_wait3A_107] : memref<2x80x128xf32, #tpu.memory_space<hbm>> -> memref<1x5x128xf32, #tpu.memory_space<hbm>>
      %dma_wait3A_109 = tpu.memref_squeeze %dma_wait3A_108 : memref<1x5x128xf32, #tpu.memory_space<hbm>> -> memref<5x128xf32, #tpu.memory_space<hbm>>
      %dma_wait3A_110 = arith.constant 0 : i32
      %dma_wait3A_111 = arith.constant 0 : i32
      %dma_wait3A_112 = tpu.memref_slice %arg6[%dma_wait3A_110, %dma_wait3A_111] : memref<80x128xf32, #tpu.memory_space<vmem>> -> memref<5x128xf32, #tpu.memory_space<vmem>>
      tpu.wait_dma2 semaphore(%run_scoped3A_90 : memref<!tpu.dma_semaphore, #tpu.memory_space<semaphore_mem>>) src(%dma_wait3A_112 : memref<5x128xf32, #tpu.memory_space<vmem>>) dst(%dma_wait3A_109 : memref<5x128xf32, #tpu.memory_space<hbm>>)
      tpu.yield
    }) : () -> ()
    return
  }
}

#map = affine_map<(d0, d1) -> (0, 0, 0)>
#map1 = affine_map<(d0, d1) -> (0, 0)>
module attributes {stable_mosaic.version = 14 : i64} {
  func.func @agg_kernel(%arg0: i32, %arg1: i32, %arg2: memref<2x2500x128xi32, #tpu.memory_space<hbm>>, %arg3: memref<10240x128xf32, #tpu.memory_space<hbm>>, %arg4: memref<2x10240x128xf32, #tpu.memory_space<hbm>>, %arg5: memref<84x128xi32, #tpu.memory_space<vmem>>, %arg6: memref<84x128xi32, #tpu.memory_space<vmem>>, %arg7: memref<128x32xf32, #tpu.memory_space<vmem>>, %arg8: memref<128x32xf32, #tpu.memory_space<vmem>>, %arg9: memref<128x32xf32, #tpu.memory_space<vmem>>, %arg10: memref<128x32xf32, #tpu.memory_space<vmem>>, %arg11: memref<640x32xf32, #tpu.memory_space<vmem>>, %arg12: memref<10240x32xf32, #tpu.memory_space<vmem_shared>>, %arg13: memref<10240x32xf32, #tpu.memory_space<vmem_shared>>, %arg14: memref<!tpu.dma_semaphore, #tpu.memory_space<semaphore_mem>>, %arg15: memref<!tpu.dma_semaphore, #tpu.memory_space<semaphore_mem>>, %arg16: memref<!tpu.dma_semaphore, #tpu.memory_space<semaphore_mem>>, %arg17: memref<!tpu.dma_semaphore, #tpu.memory_space<semaphore_mem>>, %arg18: memref<!tpu.dma_semaphore, #tpu.memory_space<semaphore_mem>>, %arg19: memref<!tpu.dma_semaphore, #tpu.memory_space<semaphore_mem>>, %arg20: memref<!tpu.dma_semaphore, #tpu.memory_space<semaphore_mem>>, %arg21: memref<!tpu.dma_semaphore, #tpu.memory_space<semaphore_mem>>) attributes {dimension_semantics = [#tpu.dimension_semantics<core_parallel>, #tpu.dimension_semantics<subcore_parallel>], iteration_bounds = array<i64: 2, 16>, scalar_prefetch = 0 : i64, scratch_operands = 17 : i64, tpu.core_type = #tpu.core_type<sc_vector_subcore>, window_params = [{transform_indices = #map}, {transform_indices = #map1}, {transform_indices = #map}]} {
    %mul3A = arith.constant 20 : i32
    %mul3A_0 = arith.muli %mul3A, %arg1 : i32
    %min3A = arith.constant 5 : i32
    %min3A_1 = arith.minsi %arg1, %min3A : i32
    %add3A = arith.addi %mul3A_0, %min3A_1 : i32
    %mul3A_2 = arith.constant 4 : i32
    %mul3A_3 = arith.muli %mul3A_2, %add3A : i32
    %mul3A_4 = arith.constant 18 : i32
    %mul3A_5 = arith.muli %mul3A_4, %arg1 : i32
    %min3A_6 = arith.constant 12 : i32
    %min3A_7 = arith.minsi %arg1, %min3A_6 : i32
    %add3A_8 = arith.addi %mul3A_5, %min3A_7 : i32
    %mul3A_9 = arith.constant 4 : i32
    %mul3A_10 = arith.muli %mul3A_9, %add3A_8 : i32
    %add3A_11 = arith.constant 1300 : i32
    %add3A_12 = arith.addi %add3A_11, %mul3A_10 : i32
    %eq3A = arith.constant 0 : i32
    %eq3A_13 = arith.cmpi eq, %arg0, %eq3A : i32
    %select_n3A = arith.select %eq3A_13, %mul3A_3, %add3A_12 : i32
    %eq3A_14 = arith.constant 0 : i32
    %eq3A_15 = arith.cmpi eq, %arg0, %eq3A_14 : i32
    %lt3A = arith.constant 5 : i32
    %lt3A_16 = arith.cmpi slt, %arg1, %lt3A : i32
    %convert_element_type3A = arith.extui %lt3A_16 : i1 to i32
    %add3A_17 = arith.constant 20 : i32
    %add3A_18 = arith.addi %add3A_17, %convert_element_type3A : i32
    %lt3A_19 = arith.constant 12 : i32
    %lt3A_20 = arith.cmpi slt, %arg1, %lt3A_19 : i32
    %convert_element_type3A_21 = arith.extui %lt3A_20 : i1 to i32
    %add3A_22 = arith.constant 18 : i32
    %add3A_23 = arith.addi %add3A_22, %convert_element_type3A_21 : i32
    %select_n3A_24 = arith.select %eq3A_15, %add3A_18, %add3A_23 : i32
    %mul3A_25 = arith.constant 4 : i32
    %mul3A_26 = arith.muli %mul3A_25, %select_n3A_24 : i32
    %min3A_27 = arith.constant 2416 : i32
    %min3A_28 = arith.minsi %select_n3A, %min3A_27 : i32
    %max3A = arith.constant 0 : i32
    %max3A_29 = arith.maxsi %min3A_28, %max3A : i32
    %sub3A = arith.subi %select_n3A, %max3A_29 : i32
    %run_scoped3A = arith.constant 1 : i32
    "tpu.region"() ({
      %run_scoped3A_246 = tpu.sem_alloc : memref<!tpu.dma_semaphore, #tpu.memory_space<semaphore_mem>>
      %dma_start3A_247 = arith.constant 0 : i32
      %dma_start3A_248 = tpu.memref_slice %arg2[%run_scoped3A, %max3A_29, %dma_start3A_247] : memref<2x2500x128xi32, #tpu.memory_space<hbm>> -> memref<1x84x128xi32, #tpu.memory_space<hbm>>
      %dma_start3A_249 = tpu.memref_squeeze %dma_start3A_248 : memref<1x84x128xi32, #tpu.memory_space<hbm>> -> memref<84x128xi32, #tpu.memory_space<hbm>>
      %dma_start3A_250 = arith.constant 0 : i32
      %dma_start3A_251 = tpu.memref_slice %arg2[%run_scoped3A, %max3A_29, %dma_start3A_250] : memref<2x2500x128xi32, #tpu.memory_space<hbm>> -> memref<1x84x128xi32, #tpu.memory_space<hbm>>
      %dma_start3A_252 = tpu.memref_squeeze %dma_start3A_251 : memref<1x84x128xi32, #tpu.memory_space<hbm>> -> memref<84x128xi32, #tpu.memory_space<hbm>>
      tpu.enqueue_dma source(%dma_start3A_252 : memref<84x128xi32, #tpu.memory_space<hbm>>) target(%arg5 : memref<84x128xi32, #tpu.memory_space<vmem>>) target_semaphore(%run_scoped3A_246 : memref<!tpu.dma_semaphore, #tpu.memory_space<semaphore_mem>>)
      %dma_wait3A_253 = arith.constant 0 : i32
      %dma_wait3A_254 = tpu.memref_slice %arg2[%run_scoped3A, %max3A_29, %dma_wait3A_253] : memref<2x2500x128xi32, #tpu.memory_space<hbm>> -> memref<1x84x128xi32, #tpu.memory_space<hbm>>
      %dma_wait3A_255 = tpu.memref_squeeze %dma_wait3A_254 : memref<1x84x128xi32, #tpu.memory_space<hbm>> -> memref<84x128xi32, #tpu.memory_space<hbm>>
      %dma_wait3A_256 = arith.constant 0 : i32
      %dma_wait3A_257 = tpu.memref_slice %arg2[%run_scoped3A, %max3A_29, %dma_wait3A_256] : memref<2x2500x128xi32, #tpu.memory_space<hbm>> -> memref<1x84x128xi32, #tpu.memory_space<hbm>>
      %dma_wait3A_258 = tpu.memref_squeeze %dma_wait3A_257 : memref<1x84x128xi32, #tpu.memory_space<hbm>> -> memref<84x128xi32, #tpu.memory_space<hbm>>
      tpu.wait_dma2 semaphore(%run_scoped3A_246 : memref<!tpu.dma_semaphore, #tpu.memory_space<semaphore_mem>>) src(%dma_wait3A_258 : memref<84x128xi32, #tpu.memory_space<hbm>>) dst(%arg5 : memref<84x128xi32, #tpu.memory_space<vmem>>)
      tpu.yield
    }) : () -> ()
    %run_scoped3A_30 = arith.constant 0 : i32
    "tpu.region"() ({
      %run_scoped3A_246 = tpu.sem_alloc : memref<!tpu.dma_semaphore, #tpu.memory_space<semaphore_mem>>
      %dma_start3A_247 = arith.constant 0 : i32
      %dma_start3A_248 = tpu.memref_slice %arg2[%run_scoped3A_30, %max3A_29, %dma_start3A_247] : memref<2x2500x128xi32, #tpu.memory_space<hbm>> -> memref<1x84x128xi32, #tpu.memory_space<hbm>>
      %dma_start3A_249 = tpu.memref_squeeze %dma_start3A_248 : memref<1x84x128xi32, #tpu.memory_space<hbm>> -> memref<84x128xi32, #tpu.memory_space<hbm>>
      %dma_start3A_250 = arith.constant 0 : i32
      %dma_start3A_251 = tpu.memref_slice %arg2[%run_scoped3A_30, %max3A_29, %dma_start3A_250] : memref<2x2500x128xi32, #tpu.memory_space<hbm>> -> memref<1x84x128xi32, #tpu.memory_space<hbm>>
      %dma_start3A_252 = tpu.memref_squeeze %dma_start3A_251 : memref<1x84x128xi32, #tpu.memory_space<hbm>> -> memref<84x128xi32, #tpu.memory_space<hbm>>
      tpu.enqueue_dma source(%dma_start3A_252 : memref<84x128xi32, #tpu.memory_space<hbm>>) target(%arg6 : memref<84x128xi32, #tpu.memory_space<vmem>>) target_semaphore(%run_scoped3A_246 : memref<!tpu.dma_semaphore, #tpu.memory_space<semaphore_mem>>)
      %dma_wait3A_253 = arith.constant 0 : i32
      %dma_wait3A_254 = tpu.memref_slice %arg2[%run_scoped3A_30, %max3A_29, %dma_wait3A_253] : memref<2x2500x128xi32, #tpu.memory_space<hbm>> -> memref<1x84x128xi32, #tpu.memory_space<hbm>>
      %dma_wait3A_255 = tpu.memref_squeeze %dma_wait3A_254 : memref<1x84x128xi32, #tpu.memory_space<hbm>> -> memref<84x128xi32, #tpu.memory_space<hbm>>
      %dma_wait3A_256 = arith.constant 0 : i32
      %dma_wait3A_257 = tpu.memref_slice %arg2[%run_scoped3A_30, %max3A_29, %dma_wait3A_256] : memref<2x2500x128xi32, #tpu.memory_space<hbm>> -> memref<1x84x128xi32, #tpu.memory_space<hbm>>
      %dma_wait3A_258 = tpu.memref_squeeze %dma_wait3A_257 : memref<1x84x128xi32, #tpu.memory_space<hbm>> -> memref<84x128xi32, #tpu.memory_space<hbm>>
      tpu.wait_dma2 semaphore(%run_scoped3A_246 : memref<!tpu.dma_semaphore, #tpu.memory_space<semaphore_mem>>) src(%dma_wait3A_258 : memref<84x128xi32, #tpu.memory_space<hbm>>) dst(%arg6 : memref<84x128xi32, #tpu.memory_space<vmem>>)
      tpu.yield
    }) : () -> ()
    %eq3A_31 = arith.constant 1 : i32
    %eq3A_32 = arith.cmpi eq, %arg0, %eq3A_31 : i32
    %convert_element_type3A_33 = arith.extui %eq3A_32 : i1 to i32
    %cond3A = arith.constant 0 : i32
    %cond3A_34 = arith.cmpi ne, %convert_element_type3A_33, %cond3A : i32
    scf.if %cond3A_34 {
      %scan3A = arith.constant 0 : i32
      %scan3A_246 = arith.constant 0 : i32
      %scan3A_247 = arith.constant 640 : i32
      %scan3A_248 = arith.addi %scan3A_246, %scan3A_247 : i32
      %scan3A_249 = arith.constant 1 : i32
      %scan3A_250 = scf.for %scan3A_254 = %scan3A_246 to %scan3A_248 step %scan3A_249 iter_args(%scan3A_255 = %scan3A) -> (i32)  : i32 {
        %broadcast_in_dim3A = arith.constant 0.000000e+00 : f32
        %broadcast_in_dim3A_256 = vector.broadcast %broadcast_in_dim3A : f32 to vector<16xf32>
        %swap3A = arith.index_cast %scan3A_254 : i32 to index
        %swap3A_257 = arith.constant 0 : index
        %swap3A_258 = tpu.vector_load %arg11[%swap3A, %swap3A_257] {strides = array<i32>} : memref<640x32xf32, #tpu.memory_space<vmem>>, vector<1x16xf32>,
        %swap3A_259 = vector.shape_cast %swap3A_258 : vector<1x16xf32> to vector<16xf32>
        %swap3A_260 = vector.shape_cast %broadcast_in_dim3A_256 : vector<16xf32> to vector<1x16xf32>
        tpu.vector_store %arg11[%swap3A, %swap3A_257], %swap3A_260 {strides = array<i32>} : memref<640x32xf32, #tpu.memory_space<vmem>>, vector<1x16xf32>,
        %broadcast_in_dim3A_261 = arith.constant 0.000000e+00 : f32
        %broadcast_in_dim3A_262 = vector.broadcast %broadcast_in_dim3A_261 : f32 to vector<16xf32>
        %swap3A_263 = arith.index_cast %scan3A_254 : i32 to index
        %swap3A_264 = arith.constant 16 : index
        %swap3A_265 = tpu.vector_load %arg11[%swap3A_263, %swap3A_264] {strides = array<i32>} : memref<640x32xf32, #tpu.memory_space<vmem>>, vector<1x16xf32>,
        %swap3A_266 = vector.shape_cast %swap3A_265 : vector<1x16xf32> to vector<16xf32>
        %swap3A_267 = vector.shape_cast %broadcast_in_dim3A_262 : vector<16xf32> to vector<1x16xf32>
        tpu.vector_store %arg11[%swap3A_263, %swap3A_264], %swap3A_267 {strides = array<i32>} : memref<640x32xf32, #tpu.memory_space<vmem>>, vector<1x16xf32>,
        %scan3A_268 = arith.constant 0 : i32
        scf.yield %scan3A_268 : i32
      }
      %scan3A_251 = arith.constant 640 : i32
      %mul3A_252 = arith.constant 640 : i32
      %mul3A_253 = arith.muli %arg1, %mul3A_252 : i32
      "tpu.region"() ({
        %run_scoped3A_254 = tpu.sem_alloc : memref<!tpu.dma_semaphore, #tpu.memory_space<semaphore_mem>>
        %dma_start3A_255 = arith.constant 0 : i32
        %dma_start3A_256 = tpu.memref_slice %arg12[%mul3A_253, %dma_start3A_255] : memref<10240x32xf32, #tpu.memory_space<vmem_shared>> -> memref<640x32xf32, #tpu.memory_space<vmem_shared>>
        %dma_start3A_257 = arith.constant 0 : i32
        %dma_start3A_258 = tpu.memref_slice %arg12[%mul3A_253, %dma_start3A_257] : memref<10240x32xf32, #tpu.memory_space<vmem_shared>> -> memref<640x32xf32, #tpu.memory_space<vmem_shared>>
        tpu.enqueue_dma source(%arg11 : memref<640x32xf32, #tpu.memory_space<vmem>>) target(%dma_start3A_258 : memref<640x32xf32, #tpu.memory_space<vmem_shared>>) target_semaphore(%run_scoped3A_254 : memref<!tpu.dma_semaphore, #tpu.memory_space<semaphore_mem>>)
        %dma_wait3A_259 = arith.constant 0 : i32
        %dma_wait3A_260 = tpu.memref_slice %arg12[%mul3A_253, %dma_wait3A_259] : memref<10240x32xf32, #tpu.memory_space<vmem_shared>> -> memref<640x32xf32, #tpu.memory_space<vmem_shared>>
        %dma_wait3A_261 = arith.constant 0 : i32
        %dma_wait3A_262 = tpu.memref_slice %arg12[%mul3A_253, %dma_wait3A_261] : memref<10240x32xf32, #tpu.memory_space<vmem_shared>> -> memref<640x32xf32, #tpu.memory_space<vmem_shared>>
        tpu.wait_dma2 semaphore(%run_scoped3A_254 : memref<!tpu.dma_semaphore, #tpu.memory_space<semaphore_mem>>) src(%arg11 : memref<640x32xf32, #tpu.memory_space<vmem>>) dst(%dma_wait3A_262 : memref<640x32xf32, #tpu.memory_space<vmem_shared>>)
        tpu.yield
      }) : () -> ()
    } else {
    }
    %mul3A_35 = arith.constant 640 : i32
    %mul3A_36 = arith.muli %arg1, %mul3A_35 : i32
    "tpu.region"() ({
      %run_scoped3A_246 = tpu.sem_alloc : memref<!tpu.dma_semaphore, #tpu.memory_space<semaphore_mem>>
      %dma_start3A_247 = arith.constant 0 : i32
      %dma_start3A_248 = tpu.memref_slice %arg3[%mul3A_36, %dma_start3A_247] : memref<10240x128xf32, #tpu.memory_space<hbm>> -> memref<640x32xf32, #tpu.memory_space<hbm>>
      %dma_start3A_249 = arith.constant 0 : i32
      %dma_start3A_250 = tpu.memref_slice %arg3[%mul3A_36, %dma_start3A_249] : memref<10240x128xf32, #tpu.memory_space<hbm>> -> memref<640x32xf32, #tpu.memory_space<hbm>>
      tpu.enqueue_dma source(%dma_start3A_250 : memref<640x32xf32, #tpu.memory_space<hbm>>) target(%arg11 : memref<640x32xf32, #tpu.memory_space<vmem>>) target_semaphore(%run_scoped3A_246 : memref<!tpu.dma_semaphore, #tpu.memory_space<semaphore_mem>>)
      %dma_wait3A_251 = arith.constant 0 : i32
      %dma_wait3A_252 = tpu.memref_slice %arg3[%mul3A_36, %dma_wait3A_251] : memref<10240x128xf32, #tpu.memory_space<hbm>> -> memref<640x32xf32, #tpu.memory_space<hbm>>
      %dma_wait3A_253 = arith.constant 0 : i32
      %dma_wait3A_254 = tpu.memref_slice %arg3[%mul3A_36, %dma_wait3A_253] : memref<10240x128xf32, #tpu.memory_space<hbm>> -> memref<640x32xf32, #tpu.memory_space<hbm>>
      tpu.wait_dma2 semaphore(%run_scoped3A_246 : memref<!tpu.dma_semaphore, #tpu.memory_space<semaphore_mem>>) src(%dma_wait3A_254 : memref<640x32xf32, #tpu.memory_space<hbm>>) dst(%arg11 : memref<640x32xf32, #tpu.memory_space<vmem>>)
      tpu.yield
    }) : () -> ()
    %mul3A_37 = arith.constant 640 : i32
    %mul3A_38 = arith.muli %arg1, %mul3A_37 : i32
    "tpu.region"() ({
      %run_scoped3A_246 = tpu.sem_alloc : memref<!tpu.dma_semaphore, #tpu.memory_space<semaphore_mem>>
      %dma_start3A_247 = arith.constant 0 : i32
      %dma_start3A_248 = tpu.memref_slice %arg13[%mul3A_38, %dma_start3A_247] : memref<10240x32xf32, #tpu.memory_space<vmem_shared>> -> memref<640x32xf32, #tpu.memory_space<vmem_shared>>
      %dma_start3A_249 = arith.constant 0 : i32
      %dma_start3A_250 = tpu.memref_slice %arg13[%mul3A_38, %dma_start3A_249] : memref<10240x32xf32, #tpu.memory_space<vmem_shared>> -> memref<640x32xf32, #tpu.memory_space<vmem_shared>>
      tpu.enqueue_dma source(%arg11 : memref<640x32xf32, #tpu.memory_space<vmem>>) target(%dma_start3A_250 : memref<640x32xf32, #tpu.memory_space<vmem_shared>>) target_semaphore(%run_scoped3A_246 : memref<!tpu.dma_semaphore, #tpu.memory_space<semaphore_mem>>)
      %dma_wait3A_251 = arith.constant 0 : i32
      %dma_wait3A_252 = tpu.memref_slice %arg13[%mul3A_38, %dma_wait3A_251] : memref<10240x32xf32, #tpu.memory_space<vmem_shared>> -> memref<640x32xf32, #tpu.memory_space<vmem_shared>>
      %dma_wait3A_253 = arith.constant 0 : i32
      %dma_wait3A_254 = tpu.memref_slice %arg13[%mul3A_38, %dma_wait3A_253] : memref<10240x32xf32, #tpu.memory_space<vmem_shared>> -> memref<640x32xf32, #tpu.memory_space<vmem_shared>>
      tpu.wait_dma2 semaphore(%run_scoped3A_246 : memref<!tpu.dma_semaphore, #tpu.memory_space<semaphore_mem>>) src(%arg11 : memref<640x32xf32, #tpu.memory_space<vmem>>) dst(%dma_wait3A_254 : memref<640x32xf32, #tpu.memory_space<vmem_shared>>)
      tpu.yield
    }) : () -> ()
    %eq3A_39 = arith.constant 0 : i32
    %eq3A_40 = arith.cmpi eq, %arg0, %eq3A_39 : i32
    %convert_element_type3A_41 = arith.extui %eq3A_40 : i1 to i32
    %cond3A_42 = arith.constant 0 : i32
    %cond3A_43 = arith.cmpi ne, %convert_element_type3A_41, %cond3A_42 : i32
    scf.if %cond3A_43 {
      %mul3A_246 = arith.constant 640 : i32
      %mul3A_247 = arith.muli %arg1, %mul3A_246 : i32
      "tpu.region"() ({
        %run_scoped3A_248 = tpu.sem_alloc : memref<!tpu.dma_semaphore, #tpu.memory_space<semaphore_mem>>
        %dma_start3A_249 = arith.constant 0 : i32
        %dma_start3A_250 = tpu.memref_slice %arg12[%mul3A_247, %dma_start3A_249] : memref<10240x32xf32, #tpu.memory_space<vmem_shared>> -> memref<640x32xf32, #tpu.memory_space<vmem_shared>>
        %dma_start3A_251 = arith.constant 0 : i32
        %dma_start3A_252 = tpu.memref_slice %arg12[%mul3A_247, %dma_start3A_251] : memref<10240x32xf32, #tpu.memory_space<vmem_shared>> -> memref<640x32xf32, #tpu.memory_space<vmem_shared>>
        tpu.enqueue_dma source(%arg11 : memref<640x32xf32, #tpu.memory_space<vmem>>) target(%dma_start3A_252 : memref<640x32xf32, #tpu.memory_space<vmem_shared>>) target_semaphore(%run_scoped3A_248 : memref<!tpu.dma_semaphore, #tpu.memory_space<semaphore_mem>>)
        %dma_wait3A_253 = arith.constant 0 : i32
        %dma_wait3A_254 = tpu.memref_slice %arg12[%mul3A_247, %dma_wait3A_253] : memref<10240x32xf32, #tpu.memory_space<vmem_shared>> -> memref<640x32xf32, #tpu.memory_space<vmem_shared>>
        %dma_wait3A_255 = arith.constant 0 : i32
        %dma_wait3A_256 = tpu.memref_slice %arg12[%mul3A_247, %dma_wait3A_255] : memref<10240x32xf32, #tpu.memory_space<vmem_shared>> -> memref<640x32xf32, #tpu.memory_space<vmem_shared>>
        tpu.wait_dma2 semaphore(%run_scoped3A_248 : memref<!tpu.dma_semaphore, #tpu.memory_space<semaphore_mem>>) src(%arg11 : memref<640x32xf32, #tpu.memory_space<vmem>>) dst(%dma_wait3A_256 : memref<640x32xf32, #tpu.memory_space<vmem_shared>>)
        tpu.yield
      }) : () -> ()
    } else {
    }
    %barrier3A = arith.constant 0 : index
    tpu.barrier barrier_id(%barrier3A)
    %add3A_44 = arith.constant 0 : i32
    %add3A_45 = arith.addi %sub3A, %add3A_44 : i32
    %dma_start3A = arith.constant 0 : i32
    %dma_start3A_46 = tpu.memref_slice %arg5[%add3A_45, %dma_start3A] : memref<84x128xi32, #tpu.memory_space<vmem>> -> memref<1x128xi32, #tpu.memory_space<vmem>>
    %dma_start3A_47 = tpu.memref_squeeze %dma_start3A_46 : memref<1x128xi32, #tpu.memory_space<vmem>> -> memref<128xi32, #tpu.memory_space<vmem>>
    %dma_start3A_48 = arith.constant 0 : i32
    %dma_start3A_49 = arith.constant 0 : i32
    %dma_start3A_50 = tpu.memref_slice %arg13[%dma_start3A_48, %dma_start3A_49] : memref<10240x32xf32, #tpu.memory_space<vmem_shared>> -> memref<10240x32xf32, #tpu.memory_space<vmem_shared>>
    tpu.enqueue_indirect_dma source(%dma_start3A_50 : memref<10240x32xf32, #tpu.memory_space<vmem_shared>>) target(%arg7 : memref<128x32xf32, #tpu.memory_space<vmem>>) offsets(%dma_start3A_47 : memref<128xi32, #tpu.memory_space<vmem>>) semaphore(%arg14 : memref<!tpu.dma_semaphore, #tpu.memory_space<semaphore_mem>>)
    %add3A_51 = arith.constant 1 : i32
    %add3A_52 = arith.addi %sub3A, %add3A_51 : i32
    %dma_start3A_53 = arith.constant 0 : i32
    %dma_start3A_54 = tpu.memref_slice %arg5[%add3A_52, %dma_start3A_53] : memref<84x128xi32, #tpu.memory_space<vmem>> -> memref<1x128xi32, #tpu.memory_space<vmem>>
    %dma_start3A_55 = tpu.memref_squeeze %dma_start3A_54 : memref<1x128xi32, #tpu.memory_space<vmem>> -> memref<128xi32, #tpu.memory_space<vmem>>
    %dma_start3A_56 = arith.constant 0 : i32
    %dma_start3A_57 = arith.constant 0 : i32
    %dma_start3A_58 = tpu.memref_slice %arg13[%dma_start3A_56, %dma_start3A_57] : memref<10240x32xf32, #tpu.memory_space<vmem_shared>> -> memref<10240x32xf32, #tpu.memory_space<vmem_shared>>
    tpu.enqueue_indirect_dma source(%dma_start3A_58 : memref<10240x32xf32, #tpu.memory_space<vmem_shared>>) target(%arg8 : memref<128x32xf32, #tpu.memory_space<vmem>>) offsets(%dma_start3A_55 : memref<128xi32, #tpu.memory_space<vmem>>) semaphore(%arg15 : memref<!tpu.dma_semaphore, #tpu.memory_space<semaphore_mem>>)
    %add3A_59 = arith.constant 2 : i32
    %add3A_60 = arith.addi %sub3A, %add3A_59 : i32
    %dma_start3A_61 = arith.constant 0 : i32
    %dma_start3A_62 = tpu.memref_slice %arg5[%add3A_60, %dma_start3A_61] : memref<84x128xi32, #tpu.memory_space<vmem>> -> memref<1x128xi32, #tpu.memory_space<vmem>>
    %dma_start3A_63 = tpu.memref_squeeze %dma_start3A_62 : memref<1x128xi32, #tpu.memory_space<vmem>> -> memref<128xi32, #tpu.memory_space<vmem>>
    %dma_start3A_64 = arith.constant 0 : i32
    %dma_start3A_65 = arith.constant 0 : i32
    %dma_start3A_66 = tpu.memref_slice %arg13[%dma_start3A_64, %dma_start3A_65] : memref<10240x32xf32, #tpu.memory_space<vmem_shared>> -> memref<10240x32xf32, #tpu.memory_space<vmem_shared>>
    tpu.enqueue_indirect_dma source(%dma_start3A_66 : memref<10240x32xf32, #tpu.memory_space<vmem_shared>>) target(%arg9 : memref<128x32xf32, #tpu.memory_space<vmem>>) offsets(%dma_start3A_63 : memref<128xi32, #tpu.memory_space<vmem>>) semaphore(%arg16 : memref<!tpu.dma_semaphore, #tpu.memory_space<semaphore_mem>>)
    %add3A_67 = arith.constant 3 : i32
    %add3A_68 = arith.addi %sub3A, %add3A_67 : i32
    %dma_start3A_69 = arith.constant 0 : i32
    %dma_start3A_70 = tpu.memref_slice %arg5[%add3A_68, %dma_start3A_69] : memref<84x128xi32, #tpu.memory_space<vmem>> -> memref<1x128xi32, #tpu.memory_space<vmem>>
    %dma_start3A_71 = tpu.memref_squeeze %dma_start3A_70 : memref<1x128xi32, #tpu.memory_space<vmem>> -> memref<128xi32, #tpu.memory_space<vmem>>
    %dma_start3A_72 = arith.constant 0 : i32
    %dma_start3A_73 = arith.constant 0 : i32
    %dma_start3A_74 = tpu.memref_slice %arg13[%dma_start3A_72, %dma_start3A_73] : memref<10240x32xf32, #tpu.memory_space<vmem_shared>> -> memref<10240x32xf32, #tpu.memory_space<vmem_shared>>
    tpu.enqueue_indirect_dma source(%dma_start3A_74 : memref<10240x32xf32, #tpu.memory_space<vmem_shared>>) target(%arg10 : memref<128x32xf32, #tpu.memory_space<vmem>>) offsets(%dma_start3A_71 : memref<128xi32, #tpu.memory_space<vmem>>) semaphore(%arg17 : memref<!tpu.dma_semaphore, #tpu.memory_space<semaphore_mem>>)
    %jit3A = arith.constant 4 : i32
    %div3A = arith.divsi %mul3A_26, %jit3A : i32
    %sign3A = arith.constant 0 : i32
    %sign3A_75 = arith.cmpi sgt, %mul3A_26, %sign3A : i32
    %sign3A_76 = arith.extui %sign3A_75 : i1 to i32
    %sign3A_77 = arith.constant 0 : i32
    %sign3A_78 = arith.cmpi slt, %mul3A_26, %sign3A_77 : i32
    %sign3A_79 = arith.extui %sign3A_78 : i1 to i32
    %sign3A_80 = arith.subi %sign3A_76, %sign3A_79 : i32
    %sign3A_81 = arith.constant 0 : i32
    %sign3A_82 = arith.cmpi sgt, %jit3A, %sign3A_81 : i32
    %sign3A_83 = arith.extui %sign3A_82 : i1 to i32
    %sign3A_84 = arith.constant 0 : i32
    %sign3A_85 = arith.cmpi slt, %jit3A, %sign3A_84 : i32
    %sign3A_86 = arith.extui %sign3A_85 : i1 to i32
    %sign3A_87 = arith.subi %sign3A_83, %sign3A_86 : i32
    %ne3A = arith.cmpi ne, %sign3A_80, %sign3A_87 : i32
    %rem3A = arith.remsi %mul3A_26, %jit3A : i32
    %ne3A_88 = arith.constant 0 : i32
    %ne3A_89 = arith.cmpi ne, %rem3A, %ne3A_88 : i32
    %and3A = arith.andi %ne3A, %ne3A_89 : i1
    %sub3A_90 = arith.constant 1 : i32
    %sub3A_91 = arith.subi %div3A, %sub3A_90 : i32
    %select_n3A_92 = arith.select %and3A, %sub3A_91, %div3A : i32
    %while3A = arith.constant 0 : i32
    %while3A_93 = arith.constant 0 : i32
    %while3A_94 = arith.subi %select_n3A_92, %while3A : i32
    %while3A_95 = arith.addi %while3A, %while3A_94 : i32
    %while3A_96 = arith.constant 1 : i32
    %while3A_97 = arith.divsi %while3A_94, %while3A_96 : i32
    %while3A_98 = arith.muli %while3A_97, %while3A_96 : i32
    %while3A_99 = arith.addi %while3A, %while3A_98 : i32
    %while3A_100 = arith.constant 1 : i32
    %while3A_101 = scf.for %while3A_246 = %while3A to %while3A_99 step %while3A_100 iter_args(%while3A_247 = %while3A_93) -> (i32)  : i32 {
      %mul3A_248 = arith.constant 4 : i32
      %mul3A_249 = arith.muli %while3A_246, %mul3A_248 : i32
      %add3A_250 = arith.addi %sub3A, %mul3A_249 : i32
      %add3A_251 = arith.constant 0 : i32
      %add3A_252 = arith.addi %add3A_250, %add3A_251 : i32
      %dma_wait3A_253 = arith.constant 0 : i32
      %dma_wait3A_254 = arith.constant 0 : i32
      %dma_wait3A_255 = tpu.memref_slice %arg3[%dma_wait3A_253, %dma_wait3A_254] : memref<10240x128xf32, #tpu.memory_space<hbm>> -> memref<128x32xf32, #tpu.memory_space<hbm>>
      %dma_wait3A_256 = arith.constant 0 : i32
      %dma_wait3A_257 = arith.constant 0 : i32
      %dma_wait3A_258 = tpu.memref_slice %arg3[%dma_wait3A_256, %dma_wait3A_257] : memref<10240x128xf32, #tpu.memory_space<hbm>> -> memref<128x32xf32, #tpu.memory_space<hbm>>
      tpu.wait_dma2 semaphore(%arg14 : memref<!tpu.dma_semaphore, #tpu.memory_space<semaphore_mem>>) src(%dma_wait3A_258 : memref<128x32xf32, #tpu.memory_space<hbm>>) dst(%arg7 : memref<128x32xf32, #tpu.memory_space<vmem>>)
      %dma_start3A_259 = arith.constant 0 : i32
      %dma_start3A_260 = tpu.memref_slice %arg6[%add3A_252, %dma_start3A_259] : memref<84x128xi32, #tpu.memory_space<vmem>> -> memref<1x128xi32, #tpu.memory_space<vmem>>
      %dma_start3A_261 = tpu.memref_squeeze %dma_start3A_260 : memref<1x128xi32, #tpu.memory_space<vmem>> -> memref<128xi32, #tpu.memory_space<vmem>>
      %dma_start3A_262 = arith.constant 0 : i32
      %dma_start3A_263 = arith.constant 0 : i32
      %dma_start3A_264 = tpu.memref_slice %arg12[%dma_start3A_262, %dma_start3A_263] : memref<10240x32xf32, #tpu.memory_space<vmem_shared>> -> memref<10240x32xf32, #tpu.memory_space<vmem_shared>>
      tpu.enqueue_indirect_dma source(%arg7 : memref<128x32xf32, #tpu.memory_space<vmem>>) target(%dma_start3A_264 : memref<10240x32xf32, #tpu.memory_space<vmem_shared>>) offsets(%dma_start3A_261 : memref<128xi32, #tpu.memory_space<vmem>>) semaphore(%arg18 : memref<!tpu.dma_semaphore, #tpu.memory_space<semaphore_mem>>) {add = true}
      %add3A_265 = arith.constant 4 : i32
      %add3A_266 = arith.addi %add3A_252, %add3A_265 : i32
      %add3A_267 = arith.addi %sub3A, %mul3A_26 : i32
      %lt3A_268 = arith.cmpi slt, %add3A_266, %add3A_267 : i32
      %convert_element_type3A_269 = arith.extui %lt3A_268 : i1 to i32
      %cond3A_270 = arith.constant 0 : i32
      %cond3A_271 = arith.cmpi ne, %convert_element_type3A_269, %cond3A_270 : i32
      scf.if %cond3A_271 {
        %dma_wait3A_345 = arith.constant 0 : i32
        %dma_wait3A_346 = arith.constant 0 : i32
        %dma_wait3A_347 = tpu.memref_slice %arg12[%dma_wait3A_345, %dma_wait3A_346] : memref<10240x32xf32, #tpu.memory_space<vmem_shared>> -> memref<128x32xf32, #tpu.memory_space<vmem_shared>>
        %dma_wait3A_348 = arith.constant 0 : i32
        %dma_wait3A_349 = arith.constant 0 : i32
        %dma_wait3A_350 = tpu.memref_slice %arg12[%dma_wait3A_348, %dma_wait3A_349] : memref<10240x32xf32, #tpu.memory_space<vmem_shared>> -> memref<128x32xf32, #tpu.memory_space<vmem_shared>>
        tpu.wait_dma2 semaphore(%arg18 : memref<!tpu.dma_semaphore, #tpu.memory_space<semaphore_mem>>) src(%arg7 : memref<128x32xf32, #tpu.memory_space<vmem>>) dst(%dma_wait3A_350 : memref<128x32xf32, #tpu.memory_space<vmem_shared>>)
        %dma_start3A_351 = arith.constant 0 : i32
        %dma_start3A_352 = tpu.memref_slice %arg5[%add3A_266, %dma_start3A_351] : memref<84x128xi32, #tpu.memory_space<vmem>> -> memref<1x128xi32, #tpu.memory_space<vmem>>
        %dma_start3A_353 = tpu.memref_squeeze %dma_start3A_352 : memref<1x128xi32, #tpu.memory_space<vmem>> -> memref<128xi32, #tpu.memory_space<vmem>>
        %dma_start3A_354 = arith.constant 0 : i32
        %dma_start3A_355 = arith.constant 0 : i32
        %dma_start3A_356 = tpu.memref_slice %arg13[%dma_start3A_354, %dma_start3A_355] : memref<10240x32xf32, #tpu.memory_space<vmem_shared>> -> memref<10240x32xf32, #tpu.memory_space<vmem_shared>>
        tpu.enqueue_indirect_dma source(%dma_start3A_356 : memref<10240x32xf32, #tpu.memory_space<vmem_shared>>) target(%arg7 : memref<128x32xf32, #tpu.memory_space<vmem>>) offsets(%dma_start3A_353 : memref<128xi32, #tpu.memory_space<vmem>>) semaphore(%arg14 : memref<!tpu.dma_semaphore, #tpu.memory_space<semaphore_mem>>)
      } else {
      }
      %mul3A_272 = arith.constant 4 : i32
      %mul3A_273 = arith.muli %while3A_246, %mul3A_272 : i32
      %add3A_274 = arith.addi %sub3A, %mul3A_273 : i32
      %add3A_275 = arith.constant 1 : i32
      %add3A_276 = arith.addi %add3A_274, %add3A_275 : i32
      %dma_wait3A_277 = arith.constant 0 : i32
      %dma_wait3A_278 = arith.constant 0 : i32
      %dma_wait3A_279 = tpu.memref_slice %arg3[%dma_wait3A_277, %dma_wait3A_278] : memref<10240x128xf32, #tpu.memory_space<hbm>> -> memref<128x32xf32, #tpu.memory_space<hbm>>
      %dma_wait3A_280 = arith.constant 0 : i32
      %dma_wait3A_281 = arith.constant 0 : i32
      %dma_wait3A_282 = tpu.memref_slice %arg3[%dma_wait3A_280, %dma_wait3A_281] : memref<10240x128xf32, #tpu.memory_space<hbm>> -> memref<128x32xf32, #tpu.memory_space<hbm>>
      tpu.wait_dma2 semaphore(%arg15 : memref<!tpu.dma_semaphore, #tpu.memory_space<semaphore_mem>>) src(%dma_wait3A_282 : memref<128x32xf32, #tpu.memory_space<hbm>>) dst(%arg8 : memref<128x32xf32, #tpu.memory_space<vmem>>)
      %dma_start3A_283 = arith.constant 0 : i32
      %dma_start3A_284 = tpu.memref_slice %arg6[%add3A_276, %dma_start3A_283] : memref<84x128xi32, #tpu.memory_space<vmem>> -> memref<1x128xi32, #tpu.memory_space<vmem>>
      %dma_start3A_285 = tpu.memref_squeeze %dma_start3A_284 : memref<1x128xi32, #tpu.memory_space<vmem>> -> memref<128xi32, #tpu.memory_space<vmem>>
      %dma_start3A_286 = arith.constant 0 : i32
      %dma_start3A_287 = arith.constant 0 : i32
      %dma_start3A_288 = tpu.memref_slice %arg12[%dma_start3A_286, %dma_start3A_287] : memref<10240x32xf32, #tpu.memory_space<vmem_shared>> -> memref<10240x32xf32, #tpu.memory_space<vmem_shared>>
      tpu.enqueue_indirect_dma source(%arg8 : memref<128x32xf32, #tpu.memory_space<vmem>>) target(%dma_start3A_288 : memref<10240x32xf32, #tpu.memory_space<vmem_shared>>) offsets(%dma_start3A_285 : memref<128xi32, #tpu.memory_space<vmem>>) semaphore(%arg19 : memref<!tpu.dma_semaphore, #tpu.memory_space<semaphore_mem>>) {add = true}
      %add3A_289 = arith.constant 4 : i32
      %add3A_290 = arith.addi %add3A_276, %add3A_289 : i32
      %add3A_291 = arith.addi %sub3A, %mul3A_26 : i32
      %lt3A_292 = arith.cmpi slt, %add3A_290, %add3A_291 : i32
      %convert_element_type3A_293 = arith.extui %lt3A_292 : i1 to i32
      %cond3A_294 = arith.constant 0 : i32
      %cond3A_295 = arith.cmpi ne, %convert_element_type3A_293, %cond3A_294 : i32
      scf.if %cond3A_295 {
        %dma_wait3A_345 = arith.constant 0 : i32
        %dma_wait3A_346 = arith.constant 0 : i32
        %dma_wait3A_347 = tpu.memref_slice %arg12[%dma_wait3A_345, %dma_wait3A_346] : memref<10240x32xf32, #tpu.memory_space<vmem_shared>> -> memref<128x32xf32, #tpu.memory_space<vmem_shared>>
        %dma_wait3A_348 = arith.constant 0 : i32
        %dma_wait3A_349 = arith.constant 0 : i32
        %dma_wait3A_350 = tpu.memref_slice %arg12[%dma_wait3A_348, %dma_wait3A_349] : memref<10240x32xf32, #tpu.memory_space<vmem_shared>> -> memref<128x32xf32, #tpu.memory_space<vmem_shared>>
        tpu.wait_dma2 semaphore(%arg19 : memref<!tpu.dma_semaphore, #tpu.memory_space<semaphore_mem>>) src(%arg8 : memref<128x32xf32, #tpu.memory_space<vmem>>) dst(%dma_wait3A_350 : memref<128x32xf32, #tpu.memory_space<vmem_shared>>)
        %dma_start3A_351 = arith.constant 0 : i32
        %dma_start3A_352 = tpu.memref_slice %arg5[%add3A_290, %dma_start3A_351] : memref<84x128xi32, #tpu.memory_space<vmem>> -> memref<1x128xi32, #tpu.memory_space<vmem>>
        %dma_start3A_353 = tpu.memref_squeeze %dma_start3A_352 : memref<1x128xi32, #tpu.memory_space<vmem>> -> memref<128xi32, #tpu.memory_space<vmem>>
        %dma_start3A_354 = arith.constant 0 : i32
        %dma_start3A_355 = arith.constant 0 : i32
        %dma_start3A_356 = tpu.memref_slice %arg13[%dma_start3A_354, %dma_start3A_355] : memref<10240x32xf32, #tpu.memory_space<vmem_shared>> -> memref<10240x32xf32, #tpu.memory_space<vmem_shared>>
        tpu.enqueue_indirect_dma source(%dma_start3A_356 : memref<10240x32xf32, #tpu.memory_space<vmem_shared>>) target(%arg8 : memref<128x32xf32, #tpu.memory_space<vmem>>) offsets(%dma_start3A_353 : memref<128xi32, #tpu.memory_space<vmem>>) semaphore(%arg15 : memref<!tpu.dma_semaphore, #tpu.memory_space<semaphore_mem>>)
      } else {
      }
      %mul3A_296 = arith.constant 4 : i32
      %mul3A_297 = arith.muli %while3A_246, %mul3A_296 : i32
      %add3A_298 = arith.addi %sub3A, %mul3A_297 : i32
      %add3A_299 = arith.constant 2 : i32
      %add3A_300 = arith.addi %add3A_298, %add3A_299 : i32
      %dma_wait3A_301 = arith.constant 0 : i32
      %dma_wait3A_302 = arith.constant 0 : i32
      %dma_wait3A_303 = tpu.memref_slice %arg3[%dma_wait3A_301, %dma_wait3A_302] : memref<10240x128xf32, #tpu.memory_space<hbm>> -> memref<128x32xf32, #tpu.memory_space<hbm>>
      %dma_wait3A_304 = arith.constant 0 : i32
      %dma_wait3A_305 = arith.constant 0 : i32
      %dma_wait3A_306 = tpu.memref_slice %arg3[%dma_wait3A_304, %dma_wait3A_305] : memref<10240x128xf32, #tpu.memory_space<hbm>> -> memref<128x32xf32, #tpu.memory_space<hbm>>
      tpu.wait_dma2 semaphore(%arg16 : memref<!tpu.dma_semaphore, #tpu.memory_space<semaphore_mem>>) src(%dma_wait3A_306 : memref<128x32xf32, #tpu.memory_space<hbm>>) dst(%arg9 : memref<128x32xf32, #tpu.memory_space<vmem>>)
      %dma_start3A_307 = arith.constant 0 : i32
      %dma_start3A_308 = tpu.memref_slice %arg6[%add3A_300, %dma_start3A_307] : memref<84x128xi32, #tpu.memory_space<vmem>> -> memref<1x128xi32, #tpu.memory_space<vmem>>
      %dma_start3A_309 = tpu.memref_squeeze %dma_start3A_308 : memref<1x128xi32, #tpu.memory_space<vmem>> -> memref<128xi32, #tpu.memory_space<vmem>>
      %dma_start3A_310 = arith.constant 0 : i32
      %dma_start3A_311 = arith.constant 0 : i32
      %dma_start3A_312 = tpu.memref_slice %arg12[%dma_start3A_310, %dma_start3A_311] : memref<10240x32xf32, #tpu.memory_space<vmem_shared>> -> memref<10240x32xf32, #tpu.memory_space<vmem_shared>>
      tpu.enqueue_indirect_dma source(%arg9 : memref<128x32xf32, #tpu.memory_space<vmem>>) target(%dma_start3A_312 : memref<10240x32xf32, #tpu.memory_space<vmem_shared>>) offsets(%dma_start3A_309 : memref<128xi32, #tpu.memory_space<vmem>>) semaphore(%arg20 : memref<!tpu.dma_semaphore, #tpu.memory_space<semaphore_mem>>) {add = true}
      %add3A_313 = arith.constant 4 : i32
      %add3A_314 = arith.addi %add3A_300, %add3A_313 : i32
      %add3A_315 = arith.addi %sub3A, %mul3A_26 : i32
      %lt3A_316 = arith.cmpi slt, %add3A_314, %add3A_315 : i32
      %convert_element_type3A_317 = arith.extui %lt3A_316 : i1 to i32
      %cond3A_318 = arith.constant 0 : i32
      %cond3A_319 = arith.cmpi ne, %convert_element_type3A_317, %cond3A_318 : i32
      scf.if %cond3A_319 {
        %dma_wait3A_345 = arith.constant 0 : i32
        %dma_wait3A_346 = arith.constant 0 : i32
        %dma_wait3A_347 = tpu.memref_slice %arg12[%dma_wait3A_345, %dma_wait3A_346] : memref<10240x32xf32, #tpu.memory_space<vmem_shared>> -> memref<128x32xf32, #tpu.memory_space<vmem_shared>>
        %dma_wait3A_348 = arith.constant 0 : i32
        %dma_wait3A_349 = arith.constant 0 : i32
        %dma_wait3A_350 = tpu.memref_slice %arg12[%dma_wait3A_348, %dma_wait3A_349] : memref<10240x32xf32, #tpu.memory_space<vmem_shared>> -> memref<128x32xf32, #tpu.memory_space<vmem_shared>>
        tpu.wait_dma2 semaphore(%arg20 : memref<!tpu.dma_semaphore, #tpu.memory_space<semaphore_mem>>) src(%arg9 : memref<128x32xf32, #tpu.memory_space<vmem>>) dst(%dma_wait3A_350 : memref<128x32xf32, #tpu.memory_space<vmem_shared>>)
        %dma_start3A_351 = arith.constant 0 : i32
        %dma_start3A_352 = tpu.memref_slice %arg5[%add3A_314, %dma_start3A_351] : memref<84x128xi32, #tpu.memory_space<vmem>> -> memref<1x128xi32, #tpu.memory_space<vmem>>
        %dma_start3A_353 = tpu.memref_squeeze %dma_start3A_352 : memref<1x128xi32, #tpu.memory_space<vmem>> -> memref<128xi32, #tpu.memory_space<vmem>>
        %dma_start3A_354 = arith.constant 0 : i32
        %dma_start3A_355 = arith.constant 0 : i32
        %dma_start3A_356 = tpu.memref_slice %arg13[%dma_start3A_354, %dma_start3A_355] : memref<10240x32xf32, #tpu.memory_space<vmem_shared>> -> memref<10240x32xf32, #tpu.memory_space<vmem_shared>>
        tpu.enqueue_indirect_dma source(%dma_start3A_356 : memref<10240x32xf32, #tpu.memory_space<vmem_shared>>) target(%arg9 : memref<128x32xf32, #tpu.memory_space<vmem>>) offsets(%dma_start3A_353 : memref<128xi32, #tpu.memory_space<vmem>>) semaphore(%arg16 : memref<!tpu.dma_semaphore, #tpu.memory_space<semaphore_mem>>)
      } else {
      }
      %mul3A_320 = arith.constant 4 : i32
      %mul3A_321 = arith.muli %while3A_246, %mul3A_320 : i32
      %add3A_322 = arith.addi %sub3A, %mul3A_321 : i32
      %add3A_323 = arith.constant 3 : i32
      %add3A_324 = arith.addi %add3A_322, %add3A_323 : i32
      %dma_wait3A_325 = arith.constant 0 : i32
      %dma_wait3A_326 = arith.constant 0 : i32
      %dma_wait3A_327 = tpu.memref_slice %arg3[%dma_wait3A_325, %dma_wait3A_326] : memref<10240x128xf32, #tpu.memory_space<hbm>> -> memref<128x32xf32, #tpu.memory_space<hbm>>
      %dma_wait3A_328 = arith.constant 0 : i32
      %dma_wait3A_329 = arith.constant 0 : i32
      %dma_wait3A_330 = tpu.memref_slice %arg3[%dma_wait3A_328, %dma_wait3A_329] : memref<10240x128xf32, #tpu.memory_space<hbm>> -> memref<128x32xf32, #tpu.memory_space<hbm>>
      tpu.wait_dma2 semaphore(%arg17 : memref<!tpu.dma_semaphore, #tpu.memory_space<semaphore_mem>>) src(%dma_wait3A_330 : memref<128x32xf32, #tpu.memory_space<hbm>>) dst(%arg10 : memref<128x32xf32, #tpu.memory_space<vmem>>)
      %dma_start3A_331 = arith.constant 0 : i32
      %dma_start3A_332 = tpu.memref_slice %arg6[%add3A_324, %dma_start3A_331] : memref<84x128xi32, #tpu.memory_space<vmem>> -> memref<1x128xi32, #tpu.memory_space<vmem>>
      %dma_start3A_333 = tpu.memref_squeeze %dma_start3A_332 : memref<1x128xi32, #tpu.memory_space<vmem>> -> memref<128xi32, #tpu.memory_space<vmem>>
      %dma_start3A_334 = arith.constant 0 : i32
      %dma_start3A_335 = arith.constant 0 : i32
      %dma_start3A_336 = tpu.memref_slice %arg12[%dma_start3A_334, %dma_start3A_335] : memref<10240x32xf32, #tpu.memory_space<vmem_shared>> -> memref<10240x32xf32, #tpu.memory_space<vmem_shared>>
      tpu.enqueue_indirect_dma source(%arg10 : memref<128x32xf32, #tpu.memory_space<vmem>>) target(%dma_start3A_336 : memref<10240x32xf32, #tpu.memory_space<vmem_shared>>) offsets(%dma_start3A_333 : memref<128xi32, #tpu.memory_space<vmem>>) semaphore(%arg21 : memref<!tpu.dma_semaphore, #tpu.memory_space<semaphore_mem>>) {add = true}
      %add3A_337 = arith.constant 4 : i32
      %add3A_338 = arith.addi %add3A_324, %add3A_337 : i32
      %add3A_339 = arith.addi %sub3A, %mul3A_26 : i32
      %lt3A_340 = arith.cmpi slt, %add3A_338, %add3A_339 : i32
      %convert_element_type3A_341 = arith.extui %lt3A_340 : i1 to i32
      %cond3A_342 = arith.constant 0 : i32
      %cond3A_343 = arith.cmpi ne, %convert_element_type3A_341, %cond3A_342 : i32
      scf.if %cond3A_343 {
        %dma_wait3A_345 = arith.constant 0 : i32
        %dma_wait3A_346 = arith.constant 0 : i32
        %dma_wait3A_347 = tpu.memref_slice %arg12[%dma_wait3A_345, %dma_wait3A_346] : memref<10240x32xf32, #tpu.memory_space<vmem_shared>> -> memref<128x32xf32, #tpu.memory_space<vmem_shared>>
        %dma_wait3A_348 = arith.constant 0 : i32
        %dma_wait3A_349 = arith.constant 0 : i32
        %dma_wait3A_350 = tpu.memref_slice %arg12[%dma_wait3A_348, %dma_wait3A_349] : memref<10240x32xf32, #tpu.memory_space<vmem_shared>> -> memref<128x32xf32, #tpu.memory_space<vmem_shared>>
        tpu.wait_dma2 semaphore(%arg21 : memref<!tpu.dma_semaphore, #tpu.memory_space<semaphore_mem>>) src(%arg10 : memref<128x32xf32, #tpu.memory_space<vmem>>) dst(%dma_wait3A_350 : memref<128x32xf32, #tpu.memory_space<vmem_shared>>)
        %dma_start3A_351 = arith.constant 0 : i32
        %dma_start3A_352 = tpu.memref_slice %arg5[%add3A_338, %dma_start3A_351] : memref<84x128xi32, #tpu.memory_space<vmem>> -> memref<1x128xi32, #tpu.memory_space<vmem>>
        %dma_start3A_353 = tpu.memref_squeeze %dma_start3A_352 : memref<1x128xi32, #tpu.memory_space<vmem>> -> memref<128xi32, #tpu.memory_space<vmem>>
        %dma_start3A_354 = arith.constant 0 : i32
        %dma_start3A_355 = arith.constant 0 : i32
        %dma_start3A_356 = tpu.memref_slice %arg13[%dma_start3A_354, %dma_start3A_355] : memref<10240x32xf32, #tpu.memory_space<vmem_shared>> -> memref<10240x32xf32, #tpu.memory_space<vmem_shared>>
        tpu.enqueue_indirect_dma source(%dma_start3A_356 : memref<10240x32xf32, #tpu.memory_space<vmem_shared>>) target(%arg10 : memref<128x32xf32, #tpu.memory_space<vmem>>) offsets(%dma_start3A_353 : memref<128xi32, #tpu.memory_space<vmem>>) semaphore(%arg17 : memref<!tpu.dma_semaphore, #tpu.memory_space<semaphore_mem>>)
      } else {
      }
      %while3A_344 = arith.constant 0 : i32
      scf.yield %while3A_344 : i32
    }
    %while3A_102 = arith.constant 1 : i32
    %while3A_103 = scf.for %while3A_246 = %while3A_99 to %while3A_95 step %while3A_102 iter_args(%while3A_247 = %while3A_101) -> (i32)  : i32 {
      %mul3A_248 = arith.constant 4 : i32
      %mul3A_249 = arith.muli %while3A_246, %mul3A_248 : i32
      %add3A_250 = arith.addi %sub3A, %mul3A_249 : i32
      %add3A_251 = arith.constant 0 : i32
      %add3A_252 = arith.addi %add3A_250, %add3A_251 : i32
      %dma_wait3A_253 = arith.constant 0 : i32
      %dma_wait3A_254 = arith.constant 0 : i32
      %dma_wait3A_255 = tpu.memref_slice %arg3[%dma_wait3A_253, %dma_wait3A_254] : memref<10240x128xf32, #tpu.memory_space<hbm>> -> memref<128x32xf32, #tpu.memory_space<hbm>>
      %dma_wait3A_256 = arith.constant 0 : i32
      %dma_wait3A_257 = arith.constant 0 : i32
      %dma_wait3A_258 = tpu.memref_slice %arg3[%dma_wait3A_256, %dma_wait3A_257] : memref<10240x128xf32, #tpu.memory_space<hbm>> -> memref<128x32xf32, #tpu.memory_space<hbm>>
      tpu.wait_dma2 semaphore(%arg14 : memref<!tpu.dma_semaphore, #tpu.memory_space<semaphore_mem>>) src(%dma_wait3A_258 : memref<128x32xf32, #tpu.memory_space<hbm>>) dst(%arg7 : memref<128x32xf32, #tpu.memory_space<vmem>>)
      %dma_start3A_259 = arith.constant 0 : i32
      %dma_start3A_260 = tpu.memref_slice %arg6[%add3A_252, %dma_start3A_259] : memref<84x128xi32, #tpu.memory_space<vmem>> -> memref<1x128xi32, #tpu.memory_space<vmem>>
      %dma_start3A_261 = tpu.memref_squeeze %dma_start3A_260 : memref<1x128xi32, #tpu.memory_space<vmem>> -> memref<128xi32, #tpu.memory_space<vmem>>
      %dma_start3A_262 = arith.constant 0 : i32
      %dma_start3A_263 = arith.constant 0 : i32
      %dma_start3A_264 = tpu.memref_slice %arg12[%dma_start3A_262, %dma_start3A_263] : memref<10240x32xf32, #tpu.memory_space<vmem_shared>> -> memref<10240x32xf32, #tpu.memory_space<vmem_shared>>
      tpu.enqueue_indirect_dma source(%arg7 : memref<128x32xf32, #tpu.memory_space<vmem>>) target(%dma_start3A_264 : memref<10240x32xf32, #tpu.memory_space<vmem_shared>>) offsets(%dma_start3A_261 : memref<128xi32, #tpu.memory_space<vmem>>) semaphore(%arg18 : memref<!tpu.dma_semaphore, #tpu.memory_space<semaphore_mem>>) {add = true}
      %add3A_265 = arith.constant 4 : i32
      %add3A_266 = arith.addi %add3A_252, %add3A_265 : i32
      %add3A_267 = arith.addi %sub3A, %mul3A_26 : i32
      %lt3A_268 = arith.cmpi slt, %add3A_266, %add3A_267 : i32
      %convert_element_type3A_269 = arith.extui %lt3A_268 : i1 to i32
      %cond3A_270 = arith.constant 0 : i32
      %cond3A_271 = arith.cmpi ne, %convert_element_type3A_269, %cond3A_270 : i32
      scf.if %cond3A_271 {
        %dma_wait3A_345 = arith.constant 0 : i32
        %dma_wait3A_346 = arith.constant 0 : i32
        %dma_wait3A_347 = tpu.memref_slice %arg12[%dma_wait3A_345, %dma_wait3A_346] : memref<10240x32xf32, #tpu.memory_space<vmem_shared>> -> memref<128x32xf32, #tpu.memory_space<vmem_shared>>
        %dma_wait3A_348 = arith.constant 0 : i32
        %dma_wait3A_349 = arith.constant 0 : i32
        %dma_wait3A_350 = tpu.memref_slice %arg12[%dma_wait3A_348, %dma_wait3A_349] : memref<10240x32xf32, #tpu.memory_space<vmem_shared>> -> memref<128x32xf32, #tpu.memory_space<vmem_shared>>
        tpu.wait_dma2 semaphore(%arg18 : memref<!tpu.dma_semaphore, #tpu.memory_space<semaphore_mem>>) src(%arg7 : memref<128x32xf32, #tpu.memory_space<vmem>>) dst(%dma_wait3A_350 : memref<128x32xf32, #tpu.memory_space<vmem_shared>>)
        %dma_start3A_351 = arith.constant 0 : i32
        %dma_start3A_352 = tpu.memref_slice %arg5[%add3A_266, %dma_start3A_351] : memref<84x128xi32, #tpu.memory_space<vmem>> -> memref<1x128xi32, #tpu.memory_space<vmem>>
        %dma_start3A_353 = tpu.memref_squeeze %dma_start3A_352 : memref<1x128xi32, #tpu.memory_space<vmem>> -> memref<128xi32, #tpu.memory_space<vmem>>
        %dma_start3A_354 = arith.constant 0 : i32
        %dma_start3A_355 = arith.constant 0 : i32
        %dma_start3A_356 = tpu.memref_slice %arg13[%dma_start3A_354, %dma_start3A_355] : memref<10240x32xf32, #tpu.memory_space<vmem_shared>> -> memref<10240x32xf32, #tpu.memory_space<vmem_shared>>
        tpu.enqueue_indirect_dma source(%dma_start3A_356 : memref<10240x32xf32, #tpu.memory_space<vmem_shared>>) target(%arg7 : memref<128x32xf32, #tpu.memory_space<vmem>>) offsets(%dma_start3A_353 : memref<128xi32, #tpu.memory_space<vmem>>) semaphore(%arg14 : memref<!tpu.dma_semaphore, #tpu.memory_space<semaphore_mem>>)
      } else {
      }
      %mul3A_272 = arith.constant 4 : i32
      %mul3A_273 = arith.muli %while3A_246, %mul3A_272 : i32
      %add3A_274 = arith.addi %sub3A, %mul3A_273 : i32
      %add3A_275 = arith.constant 1 : i32
      %add3A_276 = arith.addi %add3A_274, %add3A_275 : i32
      %dma_wait3A_277 = arith.constant 0 : i32
      %dma_wait3A_278 = arith.constant 0 : i32
      %dma_wait3A_279 = tpu.memref_slice %arg3[%dma_wait3A_277, %dma_wait3A_278] : memref<10240x128xf32, #tpu.memory_space<hbm>> -> memref<128x32xf32, #tpu.memory_space<hbm>>
      %dma_wait3A_280 = arith.constant 0 : i32
      %dma_wait3A_281 = arith.constant 0 : i32
      %dma_wait3A_282 = tpu.memref_slice %arg3[%dma_wait3A_280, %dma_wait3A_281] : memref<10240x128xf32, #tpu.memory_space<hbm>> -> memref<128x32xf32, #tpu.memory_space<hbm>>
      tpu.wait_dma2 semaphore(%arg15 : memref<!tpu.dma_semaphore, #tpu.memory_space<semaphore_mem>>) src(%dma_wait3A_282 : memref<128x32xf32, #tpu.memory_space<hbm>>) dst(%arg8 : memref<128x32xf32, #tpu.memory_space<vmem>>)
      %dma_start3A_283 = arith.constant 0 : i32
      %dma_start3A_284 = tpu.memref_slice %arg6[%add3A_276, %dma_start3A_283] : memref<84x128xi32, #tpu.memory_space<vmem>> -> memref<1x128xi32, #tpu.memory_space<vmem>>
      %dma_start3A_285 = tpu.memref_squeeze %dma_start3A_284 : memref<1x128xi32, #tpu.memory_space<vmem>> -> memref<128xi32, #tpu.memory_space<vmem>>
      %dma_start3A_286 = arith.constant 0 : i32
      %dma_start3A_287 = arith.constant 0 : i32
      %dma_start3A_288 = tpu.memref_slice %arg12[%dma_start3A_286, %dma_start3A_287] : memref<10240x32xf32, #tpu.memory_space<vmem_shared>> -> memref<10240x32xf32, #tpu.memory_space<vmem_shared>>
      tpu.enqueue_indirect_dma source(%arg8 : memref<128x32xf32, #tpu.memory_space<vmem>>) target(%dma_start3A_288 : memref<10240x32xf32, #tpu.memory_space<vmem_shared>>) offsets(%dma_start3A_285 : memref<128xi32, #tpu.memory_space<vmem>>) semaphore(%arg19 : memref<!tpu.dma_semaphore, #tpu.memory_space<semaphore_mem>>) {add = true}
      %add3A_289 = arith.constant 4 : i32
      %add3A_290 = arith.addi %add3A_276, %add3A_289 : i32
      %add3A_291 = arith.addi %sub3A, %mul3A_26 : i32
      %lt3A_292 = arith.cmpi slt, %add3A_290, %add3A_291 : i32
      %convert_element_type3A_293 = arith.extui %lt3A_292 : i1 to i32
      %cond3A_294 = arith.constant 0 : i32
      %cond3A_295 = arith.cmpi ne, %convert_element_type3A_293, %cond3A_294 : i32
      scf.if %cond3A_295 {
        %dma_wait3A_345 = arith.constant 0 : i32
        %dma_wait3A_346 = arith.constant 0 : i32
        %dma_wait3A_347 = tpu.memref_slice %arg12[%dma_wait3A_345, %dma_wait3A_346] : memref<10240x32xf32, #tpu.memory_space<vmem_shared>> -> memref<128x32xf32, #tpu.memory_space<vmem_shared>>
        %dma_wait3A_348 = arith.constant 0 : i32
        %dma_wait3A_349 = arith.constant 0 : i32
        %dma_wait3A_350 = tpu.memref_slice %arg12[%dma_wait3A_348, %dma_wait3A_349] : memref<10240x32xf32, #tpu.memory_space<vmem_shared>> -> memref<128x32xf32, #tpu.memory_space<vmem_shared>>
        tpu.wait_dma2 semaphore(%arg19 : memref<!tpu.dma_semaphore, #tpu.memory_space<semaphore_mem>>) src(%arg8 : memref<128x32xf32, #tpu.memory_space<vmem>>) dst(%dma_wait3A_350 : memref<128x32xf32, #tpu.memory_space<vmem_shared>>)
        %dma_start3A_351 = arith.constant 0 : i32
        %dma_start3A_352 = tpu.memref_slice %arg5[%add3A_290, %dma_start3A_351] : memref<84x128xi32, #tpu.memory_space<vmem>> -> memref<1x128xi32, #tpu.memory_space<vmem>>
        %dma_start3A_353 = tpu.memref_squeeze %dma_start3A_352 : memref<1x128xi32, #tpu.memory_space<vmem>> -> memref<128xi32, #tpu.memory_space<vmem>>
        %dma_start3A_354 = arith.constant 0 : i32
        %dma_start3A_355 = arith.constant 0 : i32
        %dma_start3A_356 = tpu.memref_slice %arg13[%dma_start3A_354, %dma_start3A_355] : memref<10240x32xf32, #tpu.memory_space<vmem_shared>> -> memref<10240x32xf32, #tpu.memory_space<vmem_shared>>
        tpu.enqueue_indirect_dma source(%dma_start3A_356 : memref<10240x32xf32, #tpu.memory_space<vmem_shared>>) target(%arg8 : memref<128x32xf32, #tpu.memory_space<vmem>>) offsets(%dma_start3A_353 : memref<128xi32, #tpu.memory_space<vmem>>) semaphore(%arg15 : memref<!tpu.dma_semaphore, #tpu.memory_space<semaphore_mem>>)
      } else {
      }
      %mul3A_296 = arith.constant 4 : i32
      %mul3A_297 = arith.muli %while3A_246, %mul3A_296 : i32
      %add3A_298 = arith.addi %sub3A, %mul3A_297 : i32
      %add3A_299 = arith.constant 2 : i32
      %add3A_300 = arith.addi %add3A_298, %add3A_299 : i32
      %dma_wait3A_301 = arith.constant 0 : i32
      %dma_wait3A_302 = arith.constant 0 : i32
      %dma_wait3A_303 = tpu.memref_slice %arg3[%dma_wait3A_301, %dma_wait3A_302] : memref<10240x128xf32, #tpu.memory_space<hbm>> -> memref<128x32xf32, #tpu.memory_space<hbm>>
      %dma_wait3A_304 = arith.constant 0 : i32
      %dma_wait3A_305 = arith.constant 0 : i32
      %dma_wait3A_306 = tpu.memref_slice %arg3[%dma_wait3A_304, %dma_wait3A_305] : memref<10240x128xf32, #tpu.memory_space<hbm>> -> memref<128x32xf32, #tpu.memory_space<hbm>>
      tpu.wait_dma2 semaphore(%arg16 : memref<!tpu.dma_semaphore, #tpu.memory_space<semaphore_mem>>) src(%dma_wait3A_306 : memref<128x32xf32, #tpu.memory_space<hbm>>) dst(%arg9 : memref<128x32xf32, #tpu.memory_space<vmem>>)
      %dma_start3A_307 = arith.constant 0 : i32
      %dma_start3A_308 = tpu.memref_slice %arg6[%add3A_300, %dma_start3A_307] : memref<84x128xi32, #tpu.memory_space<vmem>> -> memref<1x128xi32, #tpu.memory_space<vmem>>
      %dma_start3A_309 = tpu.memref_squeeze %dma_start3A_308 : memref<1x128xi32, #tpu.memory_space<vmem>> -> memref<128xi32, #tpu.memory_space<vmem>>
      %dma_start3A_310 = arith.constant 0 : i32
      %dma_start3A_311 = arith.constant 0 : i32
      %dma_start3A_312 = tpu.memref_slice %arg12[%dma_start3A_310, %dma_start3A_311] : memref<10240x32xf32, #tpu.memory_space<vmem_shared>> -> memref<10240x32xf32, #tpu.memory_space<vmem_shared>>
      tpu.enqueue_indirect_dma source(%arg9 : memref<128x32xf32, #tpu.memory_space<vmem>>) target(%dma_start3A_312 : memref<10240x32xf32, #tpu.memory_space<vmem_shared>>) offsets(%dma_start3A_309 : memref<128xi32, #tpu.memory_space<vmem>>) semaphore(%arg20 : memref<!tpu.dma_semaphore, #tpu.memory_space<semaphore_mem>>) {add = true}
      %add3A_313 = arith.constant 4 : i32
      %add3A_314 = arith.addi %add3A_300, %add3A_313 : i32
      %add3A_315 = arith.addi %sub3A, %mul3A_26 : i32
      %lt3A_316 = arith.cmpi slt, %add3A_314, %add3A_315 : i32
      %convert_element_type3A_317 = arith.extui %lt3A_316 : i1 to i32
      %cond3A_318 = arith.constant 0 : i32
      %cond3A_319 = arith.cmpi ne, %convert_element_type3A_317, %cond3A_318 : i32
      scf.if %cond3A_319 {
        %dma_wait3A_345 = arith.constant 0 : i32
        %dma_wait3A_346 = arith.constant 0 : i32
        %dma_wait3A_347 = tpu.memref_slice %arg12[%dma_wait3A_345, %dma_wait3A_346] : memref<10240x32xf32, #tpu.memory_space<vmem_shared>> -> memref<128x32xf32, #tpu.memory_space<vmem_shared>>
        %dma_wait3A_348 = arith.constant 0 : i32
        %dma_wait3A_349 = arith.constant 0 : i32
        %dma_wait3A_350 = tpu.memref_slice %arg12[%dma_wait3A_348, %dma_wait3A_349] : memref<10240x32xf32, #tpu.memory_space<vmem_shared>> -> memref<128x32xf32, #tpu.memory_space<vmem_shared>>
        tpu.wait_dma2 semaphore(%arg20 : memref<!tpu.dma_semaphore, #tpu.memory_space<semaphore_mem>>) src(%arg9 : memref<128x32xf32, #tpu.memory_space<vmem>>) dst(%dma_wait3A_350 : memref<128x32xf32, #tpu.memory_space<vmem_shared>>)
        %dma_start3A_351 = arith.constant 0 : i32
        %dma_start3A_352 = tpu.memref_slice %arg5[%add3A_314, %dma_start3A_351] : memref<84x128xi32, #tpu.memory_space<vmem>> -> memref<1x128xi32, #tpu.memory_space<vmem>>
        %dma_start3A_353 = tpu.memref_squeeze %dma_start3A_352 : memref<1x128xi32, #tpu.memory_space<vmem>> -> memref<128xi32, #tpu.memory_space<vmem>>
        %dma_start3A_354 = arith.constant 0 : i32
        %dma_start3A_355 = arith.constant 0 : i32
        %dma_start3A_356 = tpu.memref_slice %arg13[%dma_start3A_354, %dma_start3A_355] : memref<10240x32xf32, #tpu.memory_space<vmem_shared>> -> memref<10240x32xf32, #tpu.memory_space<vmem_shared>>
        tpu.enqueue_indirect_dma source(%dma_start3A_356 : memref<10240x32xf32, #tpu.memory_space<vmem_shared>>) target(%arg9 : memref<128x32xf32, #tpu.memory_space<vmem>>) offsets(%dma_start3A_353 : memref<128xi32, #tpu.memory_space<vmem>>) semaphore(%arg16 : memref<!tpu.dma_semaphore, #tpu.memory_space<semaphore_mem>>)
      } else {
      }
      %mul3A_320 = arith.constant 4 : i32
      %mul3A_321 = arith.muli %while3A_246, %mul3A_320 : i32
      %add3A_322 = arith.addi %sub3A, %mul3A_321 : i32
      %add3A_323 = arith.constant 3 : i32
      %add3A_324 = arith.addi %add3A_322, %add3A_323 : i32
      %dma_wait3A_325 = arith.constant 0 : i32
      %dma_wait3A_326 = arith.constant 0 : i32
      %dma_wait3A_327 = tpu.memref_slice %arg3[%dma_wait3A_325, %dma_wait3A_326] : memref<10240x128xf32, #tpu.memory_space<hbm>> -> memref<128x32xf32, #tpu.memory_space<hbm>>
      %dma_wait3A_328 = arith.constant 0 : i32
      %dma_wait3A_329 = arith.constant 0 : i32
      %dma_wait3A_330 = tpu.memref_slice %arg3[%dma_wait3A_328, %dma_wait3A_329] : memref<10240x128xf32, #tpu.memory_space<hbm>> -> memref<128x32xf32, #tpu.memory_space<hbm>>
      tpu.wait_dma2 semaphore(%arg17 : memref<!tpu.dma_semaphore, #tpu.memory_space<semaphore_mem>>) src(%dma_wait3A_330 : memref<128x32xf32, #tpu.memory_space<hbm>>) dst(%arg10 : memref<128x32xf32, #tpu.memory_space<vmem>>)
      %dma_start3A_331 = arith.constant 0 : i32
      %dma_start3A_332 = tpu.memref_slice %arg6[%add3A_324, %dma_start3A_331] : memref<84x128xi32, #tpu.memory_space<vmem>> -> memref<1x128xi32, #tpu.memory_space<vmem>>
      %dma_start3A_333 = tpu.memref_squeeze %dma_start3A_332 : memref<1x128xi32, #tpu.memory_space<vmem>> -> memref<128xi32, #tpu.memory_space<vmem>>
      %dma_start3A_334 = arith.constant 0 : i32
      %dma_start3A_335 = arith.constant 0 : i32
      %dma_start3A_336 = tpu.memref_slice %arg12[%dma_start3A_334, %dma_start3A_335] : memref<10240x32xf32, #tpu.memory_space<vmem_shared>> -> memref<10240x32xf32, #tpu.memory_space<vmem_shared>>
      tpu.enqueue_indirect_dma source(%arg10 : memref<128x32xf32, #tpu.memory_space<vmem>>) target(%dma_start3A_336 : memref<10240x32xf32, #tpu.memory_space<vmem_shared>>) offsets(%dma_start3A_333 : memref<128xi32, #tpu.memory_space<vmem>>) semaphore(%arg21 : memref<!tpu.dma_semaphore, #tpu.memory_space<semaphore_mem>>) {add = true}
      %add3A_337 = arith.constant 4 : i32
      %add3A_338 = arith.addi %add3A_324, %add3A_337 : i32
      %add3A_339 = arith.addi %sub3A, %mul3A_26 : i32
      %lt3A_340 = arith.cmpi slt, %add3A_338, %add3A_339 : i32
      %convert_element_type3A_341 = arith.extui %lt3A_340 : i1 to i32
      %cond3A_342 = arith.constant 0 : i32
      %cond3A_343 = arith.cmpi ne, %convert_element_type3A_341, %cond3A_342 : i32
      scf.if %cond3A_343 {
        %dma_wait3A_345 = arith.constant 0 : i32
        %dma_wait3A_346 = arith.constant 0 : i32
        %dma_wait3A_347 = tpu.memref_slice %arg12[%dma_wait3A_345, %dma_wait3A_346] : memref<10240x32xf32, #tpu.memory_space<vmem_shared>> -> memref<128x32xf32, #tpu.memory_space<vmem_shared>>
        %dma_wait3A_348 = arith.constant 0 : i32
        %dma_wait3A_349 = arith.constant 0 : i32
        %dma_wait3A_350 = tpu.memref_slice %arg12[%dma_wait3A_348, %dma_wait3A_349] : memref<10240x32xf32, #tpu.memory_space<vmem_shared>> -> memref<128x32xf32, #tpu.memory_space<vmem_shared>>
        tpu.wait_dma2 semaphore(%arg21 : memref<!tpu.dma_semaphore, #tpu.memory_space<semaphore_mem>>) src(%arg10 : memref<128x32xf32, #tpu.memory_space<vmem>>) dst(%dma_wait3A_350 : memref<128x32xf32, #tpu.memory_space<vmem_shared>>)
        %dma_start3A_351 = arith.constant 0 : i32
        %dma_start3A_352 = tpu.memref_slice %arg5[%add3A_338, %dma_start3A_351] : memref<84x128xi32, #tpu.memory_space<vmem>> -> memref<1x128xi32, #tpu.memory_space<vmem>>
        %dma_start3A_353 = tpu.memref_squeeze %dma_start3A_352 : memref<1x128xi32, #tpu.memory_space<vmem>> -> memref<128xi32, #tpu.memory_space<vmem>>
        %dma_start3A_354 = arith.constant 0 : i32
        %dma_start3A_355 = arith.constant 0 : i32
        %dma_start3A_356 = tpu.memref_slice %arg13[%dma_start3A_354, %dma_start3A_355] : memref<10240x32xf32, #tpu.memory_space<vmem_shared>> -> memref<10240x32xf32, #tpu.memory_space<vmem_shared>>
        tpu.enqueue_indirect_dma source(%dma_start3A_356 : memref<10240x32xf32, #tpu.memory_space<vmem_shared>>) target(%arg10 : memref<128x32xf32, #tpu.memory_space<vmem>>) offsets(%dma_start3A_353 : memref<128xi32, #tpu.memory_space<vmem>>) semaphore(%arg17 : memref<!tpu.dma_semaphore, #tpu.memory_space<semaphore_mem>>)
      } else {
      }
      %while3A_344 = arith.constant 0 : i32
      scf.yield %while3A_344 : i32
    }
    %dma_wait3A = arith.constant 0 : i32
    %dma_wait3A_104 = arith.constant 0 : i32
    %dma_wait3A_105 = tpu.memref_slice %arg12[%dma_wait3A, %dma_wait3A_104] : memref<10240x32xf32, #tpu.memory_space<vmem_shared>> -> memref<128x32xf32, #tpu.memory_space<vmem_shared>>
    %dma_wait3A_106 = arith.constant 0 : i32
    %dma_wait3A_107 = arith.constant 0 : i32
    %dma_wait3A_108 = tpu.memref_slice %arg12[%dma_wait3A_106, %dma_wait3A_107] : memref<10240x32xf32, #tpu.memory_space<vmem_shared>> -> memref<128x32xf32, #tpu.memory_space<vmem_shared>>
    tpu.wait_dma2 semaphore(%arg18 : memref<!tpu.dma_semaphore, #tpu.memory_space<semaphore_mem>>) src(%arg7 : memref<128x32xf32, #tpu.memory_space<vmem>>) dst(%dma_wait3A_108 : memref<128x32xf32, #tpu.memory_space<vmem_shared>>)
    %dma_wait3A_109 = arith.constant 0 : i32
    %dma_wait3A_110 = arith.constant 0 : i32
    %dma_wait3A_111 = tpu.memref_slice %arg12[%dma_wait3A_109, %dma_wait3A_110] : memref<10240x32xf32, #tpu.memory_space<vmem_shared>> -> memref<128x32xf32, #tpu.memory_space<vmem_shared>>
    %dma_wait3A_112 = arith.constant 0 : i32
    %dma_wait3A_113 = arith.constant 0 : i32
    %dma_wait3A_114 = tpu.memref_slice %arg12[%dma_wait3A_112, %dma_wait3A_113] : memref<10240x32xf32, #tpu.memory_space<vmem_shared>> -> memref<128x32xf32, #tpu.memory_space<vmem_shared>>
    tpu.wait_dma2 semaphore(%arg19 : memref<!tpu.dma_semaphore, #tpu.memory_space<semaphore_mem>>) src(%arg8 : memref<128x32xf32, #tpu.memory_space<vmem>>) dst(%dma_wait3A_114 : memref<128x32xf32, #tpu.memory_space<vmem_shared>>)
    %dma_wait3A_115 = arith.constant 0 : i32
    %dma_wait3A_116 = arith.constant 0 : i32
    %dma_wait3A_117 = tpu.memref_slice %arg12[%dma_wait3A_115, %dma_wait3A_116] : memref<10240x32xf32, #tpu.memory_space<vmem_shared>> -> memref<128x32xf32, #tpu.memory_space<vmem_shared>>
    %dma_wait3A_118 = arith.constant 0 : i32
    %dma_wait3A_119 = arith.constant 0 : i32
    %dma_wait3A_120 = tpu.memref_slice %arg12[%dma_wait3A_118, %dma_wait3A_119] : memref<10240x32xf32, #tpu.memory_space<vmem_shared>> -> memref<128x32xf32, #tpu.memory_space<vmem_shared>>
    tpu.wait_dma2 semaphore(%arg20 : memref<!tpu.dma_semaphore, #tpu.memory_space<semaphore_mem>>) src(%arg9 : memref<128x32xf32, #tpu.memory_space<vmem>>) dst(%dma_wait3A_120 : memref<128x32xf32, #tpu.memory_space<vmem_shared>>)
    %dma_wait3A_121 = arith.constant 0 : i32
    %dma_wait3A_122 = arith.constant 0 : i32
    %dma_wait3A_123 = tpu.memref_slice %arg12[%dma_wait3A_121, %dma_wait3A_122] : memref<10240x32xf32, #tpu.memory_space<vmem_shared>> -> memref<128x32xf32, #tpu.memory_space<vmem_shared>>
    %dma_wait3A_124 = arith.constant 0 : i32
    %dma_wait3A_125 = arith.constant 0 : i32
    %dma_wait3A_126 = tpu.memref_slice %arg12[%dma_wait3A_124, %dma_wait3A_125] : memref<10240x32xf32, #tpu.memory_space<vmem_shared>> -> memref<128x32xf32, #tpu.memory_space<vmem_shared>>
    tpu.wait_dma2 semaphore(%arg21 : memref<!tpu.dma_semaphore, #tpu.memory_space<semaphore_mem>>) src(%arg10 : memref<128x32xf32, #tpu.memory_space<vmem>>) dst(%dma_wait3A_126 : memref<128x32xf32, #tpu.memory_space<vmem_shared>>)
    %barrier3A_127 = arith.constant 0 : index
    tpu.barrier barrier_id(%barrier3A_127)
    %mul3A_128 = arith.constant 640 : i32
    %mul3A_129 = arith.muli %arg1, %mul3A_128 : i32
    "tpu.region"() ({
      %run_scoped3A_246 = tpu.sem_alloc : memref<!tpu.dma_semaphore, #tpu.memory_space<semaphore_mem>>
      %dma_start3A_247 = arith.constant 0 : i32
      %dma_start3A_248 = tpu.memref_slice %arg12[%mul3A_129, %dma_start3A_247] : memref<10240x32xf32, #tpu.memory_space<vmem_shared>> -> memref<640x32xf32, #tpu.memory_space<vmem_shared>>
      %dma_start3A_249 = arith.constant 0 : i32
      %dma_start3A_250 = tpu.memref_slice %arg12[%mul3A_129, %dma_start3A_249] : memref<10240x32xf32, #tpu.memory_space<vmem_shared>> -> memref<640x32xf32, #tpu.memory_space<vmem_shared>>
      tpu.enqueue_dma source(%dma_start3A_250 : memref<640x32xf32, #tpu.memory_space<vmem_shared>>) target(%arg11 : memref<640x32xf32, #tpu.memory_space<vmem>>) target_semaphore(%run_scoped3A_246 : memref<!tpu.dma_semaphore, #tpu.memory_space<semaphore_mem>>)
      %dma_wait3A_251 = arith.constant 0 : i32
      %dma_wait3A_252 = tpu.memref_slice %arg12[%mul3A_129, %dma_wait3A_251] : memref<10240x32xf32, #tpu.memory_space<vmem_shared>> -> memref<640x32xf32, #tpu.memory_space<vmem_shared>>
      %dma_wait3A_253 = arith.constant 0 : i32
      %dma_wait3A_254 = tpu.memref_slice %arg12[%mul3A_129, %dma_wait3A_253] : memref<10240x32xf32, #tpu.memory_space<vmem_shared>> -> memref<640x32xf32, #tpu.memory_space<vmem_shared>>
      tpu.wait_dma2 semaphore(%run_scoped3A_246 : memref<!tpu.dma_semaphore, #tpu.memory_space<semaphore_mem>>) src(%dma_wait3A_254 : memref<640x32xf32, #tpu.memory_space<vmem_shared>>) dst(%arg11 : memref<640x32xf32, #tpu.memory_space<vmem>>)
      tpu.yield
    }) : () -> ()
    %mul3A_130 = arith.constant 640 : i32
    %mul3A_131 = arith.muli %arg1, %mul3A_130 : i32
    "tpu.region"() ({
      %run_scoped3A_246 = tpu.sem_alloc : memref<!tpu.dma_semaphore, #tpu.memory_space<semaphore_mem>>
      %dma_start3A_247 = arith.constant 0 : i32
      %dma_start3A_248 = tpu.memref_slice %arg4[%arg0, %mul3A_131, %dma_start3A_247] : memref<2x10240x128xf32, #tpu.memory_space<hbm>> -> memref<1x640x32xf32, #tpu.memory_space<hbm>>
      %dma_start3A_249 = tpu.memref_squeeze %dma_start3A_248 : memref<1x640x32xf32, #tpu.memory_space<hbm>> -> memref<640x32xf32, #tpu.memory_space<hbm>>
      %dma_start3A_250 = arith.constant 0 : i32
      %dma_start3A_251 = tpu.memref_slice %arg4[%arg0, %mul3A_131, %dma_start3A_250] : memref<2x10240x128xf32, #tpu.memory_space<hbm>> -> memref<1x640x32xf32, #tpu.memory_space<hbm>>
      %dma_start3A_252 = tpu.memref_squeeze %dma_start3A_251 : memref<1x640x32xf32, #tpu.memory_space<hbm>> -> memref<640x32xf32, #tpu.memory_space<hbm>>
      tpu.enqueue_dma source(%arg11 : memref<640x32xf32, #tpu.memory_space<vmem>>) target(%dma_start3A_252 : memref<640x32xf32, #tpu.memory_space<hbm>>) target_semaphore(%run_scoped3A_246 : memref<!tpu.dma_semaphore, #tpu.memory_space<semaphore_mem>>)
      %dma_wait3A_253 = arith.constant 0 : i32
      %dma_wait3A_254 = tpu.memref_slice %arg4[%arg0, %mul3A_131, %dma_wait3A_253] : memref<2x10240x128xf32, #tpu.memory_space<hbm>> -> memref<1x640x32xf32, #tpu.memory_space<hbm>>
      %dma_wait3A_255 = tpu.memref_squeeze %dma_wait3A_254 : memref<1x640x32xf32, #tpu.memory_space<hbm>> -> memref<640x32xf32, #tpu.memory_space<hbm>>
      %dma_wait3A_256 = arith.constant 0 : i32
      %dma_wait3A_257 = tpu.memref_slice %arg4[%arg0, %mul3A_131, %dma_wait3A_256] : memref<2x10240x128xf32, #tpu.memory_space<hbm>> -> memref<1x640x32xf32, #tpu.memory_space<hbm>>
      %dma_wait3A_258 = tpu.memref_squeeze %dma_wait3A_257 : memref<1x640x32xf32, #tpu.memory_space<hbm>> -> memref<640x32xf32, #tpu.memory_space<hbm>>
      tpu.wait_dma2 semaphore(%run_scoped3A_246 : memref<!tpu.dma_semaphore, #tpu.memory_space<semaphore_mem>>) src(%arg11 : memref<640x32xf32, #tpu.memory_space<vmem>>) dst(%dma_wait3A_258 : memref<640x32xf32, #tpu.memory_space<hbm>>)
      tpu.yield
    }) : () -> ()
    %barrier3A_132 = arith.constant 0 : index
    tpu.barrier barrier_id(%barrier3A_132)
    %eq3A_133 = arith.constant 1 : i32
    %eq3A_134 = arith.cmpi eq, %arg0, %eq3A_133 : i32
    %convert_element_type3A_135 = arith.extui %eq3A_134 : i1 to i32
    %cond3A_136 = arith.constant 0 : i32
    %cond3A_137 = arith.cmpi ne, %convert_element_type3A_135, %cond3A_136 : i32
    scf.if %cond3A_137 {
      %scan3A = arith.constant 0 : i32
      %scan3A_246 = arith.constant 0 : i32
      %scan3A_247 = arith.constant 640 : i32
      %scan3A_248 = arith.addi %scan3A_246, %scan3A_247 : i32
      %scan3A_249 = arith.constant 1 : i32
      %scan3A_250 = scf.for %scan3A_254 = %scan3A_246 to %scan3A_248 step %scan3A_249 iter_args(%scan3A_255 = %scan3A) -> (i32)  : i32 {
        %broadcast_in_dim3A = arith.constant 0.000000e+00 : f32
        %broadcast_in_dim3A_256 = vector.broadcast %broadcast_in_dim3A : f32 to vector<16xf32>
        %swap3A = arith.index_cast %scan3A_254 : i32 to index
        %swap3A_257 = arith.constant 0 : index
        %swap3A_258 = tpu.vector_load %arg11[%swap3A, %swap3A_257] {strides = array<i32>} : memref<640x32xf32, #tpu.memory_space<vmem>>, vector<1x16xf32>,
        %swap3A_259 = vector.shape_cast %swap3A_258 : vector<1x16xf32> to vector<16xf32>
        %swap3A_260 = vector.shape_cast %broadcast_in_dim3A_256 : vector<16xf32> to vector<1x16xf32>
        tpu.vector_store %arg11[%swap3A, %swap3A_257], %swap3A_260 {strides = array<i32>} : memref<640x32xf32, #tpu.memory_space<vmem>>, vector<1x16xf32>,
        %broadcast_in_dim3A_261 = arith.constant 0.000000e+00 : f32
        %broadcast_in_dim3A_262 = vector.broadcast %broadcast_in_dim3A_261 : f32 to vector<16xf32>
        %swap3A_263 = arith.index_cast %scan3A_254 : i32 to index
        %swap3A_264 = arith.constant 16 : index
        %swap3A_265 = tpu.vector_load %arg11[%swap3A_263, %swap3A_264] {strides = array<i32>} : memref<640x32xf32, #tpu.memory_space<vmem>>, vector<1x16xf32>,
        %swap3A_266 = vector.shape_cast %swap3A_265 : vector<1x16xf32> to vector<16xf32>
        %swap3A_267 = vector.shape_cast %broadcast_in_dim3A_262 : vector<16xf32> to vector<1x16xf32>
        tpu.vector_store %arg11[%swap3A_263, %swap3A_264], %swap3A_267 {strides = array<i32>} : memref<640x32xf32, #tpu.memory_space<vmem>>, vector<1x16xf32>,
        %scan3A_268 = arith.constant 0 : i32
        scf.yield %scan3A_268 : i32
      }
      %scan3A_251 = arith.constant 640 : i32
      %mul3A_252 = arith.constant 640 : i32
      %mul3A_253 = arith.muli %arg1, %mul3A_252 : i32
      "tpu.region"() ({
        %run_scoped3A_254 = tpu.sem_alloc : memref<!tpu.dma_semaphore, #tpu.memory_space<semaphore_mem>>
        %dma_start3A_255 = arith.constant 0 : i32
        %dma_start3A_256 = tpu.memref_slice %arg12[%mul3A_253, %dma_start3A_255] : memref<10240x32xf32, #tpu.memory_space<vmem_shared>> -> memref<640x32xf32, #tpu.memory_space<vmem_shared>>
        %dma_start3A_257 = arith.constant 0 : i32
        %dma_start3A_258 = tpu.memref_slice %arg12[%mul3A_253, %dma_start3A_257] : memref<10240x32xf32, #tpu.memory_space<vmem_shared>> -> memref<640x32xf32, #tpu.memory_space<vmem_shared>>
        tpu.enqueue_dma source(%arg11 : memref<640x32xf32, #tpu.memory_space<vmem>>) target(%dma_start3A_258 : memref<640x32xf32, #tpu.memory_space<vmem_shared>>) target_semaphore(%run_scoped3A_254 : memref<!tpu.dma_semaphore, #tpu.memory_space<semaphore_mem>>)
        %dma_wait3A_259 = arith.constant 0 : i32
        %dma_wait3A_260 = tpu.memref_slice %arg12[%mul3A_253, %dma_wait3A_259] : memref<10240x32xf32, #tpu.memory_space<vmem_shared>> -> memref<640x32xf32, #tpu.memory_space<vmem_shared>>
        %dma_wait3A_261 = arith.constant 0 : i32
        %dma_wait3A_262 = tpu.memref_slice %arg12[%mul3A_253, %dma_wait3A_261] : memref<10240x32xf32, #tpu.memory_space<vmem_shared>> -> memref<640x32xf32, #tpu.memory_space<vmem_shared>>
        tpu.wait_dma2 semaphore(%run_scoped3A_254 : memref<!tpu.dma_semaphore, #tpu.memory_space<semaphore_mem>>) src(%arg11 : memref<640x32xf32, #tpu.memory_space<vmem>>) dst(%dma_wait3A_262 : memref<640x32xf32, #tpu.memory_space<vmem_shared>>)
        tpu.yield
      }) : () -> ()
    } else {
    }
    %mul3A_138 = arith.constant 640 : i32
    %mul3A_139 = arith.muli %arg1, %mul3A_138 : i32
    "tpu.region"() ({
      %run_scoped3A_246 = tpu.sem_alloc : memref<!tpu.dma_semaphore, #tpu.memory_space<semaphore_mem>>
      %dma_start3A_247 = arith.constant 32 : i32
      %dma_start3A_248 = tpu.memref_slice %arg3[%mul3A_139, %dma_start3A_247] : memref<10240x128xf32, #tpu.memory_space<hbm>> -> memref<640x32xf32, #tpu.memory_space<hbm>>
      %dma_start3A_249 = arith.constant 32 : i32
      %dma_start3A_250 = tpu.memref_slice %arg3[%mul3A_139, %dma_start3A_249] : memref<10240x128xf32, #tpu.memory_space<hbm>> -> memref<640x32xf32, #tpu.memory_space<hbm>>
      tpu.enqueue_dma source(%dma_start3A_250 : memref<640x32xf32, #tpu.memory_space<hbm>>) target(%arg11 : memref<640x32xf32, #tpu.memory_space<vmem>>) target_semaphore(%run_scoped3A_246 : memref<!tpu.dma_semaphore, #tpu.memory_space<semaphore_mem>>)
      %dma_wait3A_251 = arith.constant 32 : i32
      %dma_wait3A_252 = tpu.memref_slice %arg3[%mul3A_139, %dma_wait3A_251] : memref<10240x128xf32, #tpu.memory_space<hbm>> -> memref<640x32xf32, #tpu.memory_space<hbm>>
      %dma_wait3A_253 = arith.constant 32 : i32
      %dma_wait3A_254 = tpu.memref_slice %arg3[%mul3A_139, %dma_wait3A_253] : memref<10240x128xf32, #tpu.memory_space<hbm>> -> memref<640x32xf32, #tpu.memory_space<hbm>>
      tpu.wait_dma2 semaphore(%run_scoped3A_246 : memref<!tpu.dma_semaphore, #tpu.memory_space<semaphore_mem>>) src(%dma_wait3A_254 : memref<640x32xf32, #tpu.memory_space<hbm>>) dst(%arg11 : memref<640x32xf32, #tpu.memory_space<vmem>>)
      tpu.yield
    }) : () -> ()
    %mul3A_140 = arith.constant 640 : i32
    %mul3A_141 = arith.muli %arg1, %mul3A_140 : i32
    "tpu.region"() ({
      %run_scoped3A_246 = tpu.sem_alloc : memref<!tpu.dma_semaphore, #tpu.memory_space<semaphore_mem>>
      %dma_start3A_247 = arith.constant 0 : i32
      %dma_start3A_248 = tpu.memref_slice %arg13[%mul3A_141, %dma_start3A_247] : memref<10240x32xf32, #tpu.memory_space<vmem_shared>> -> memref<640x32xf32, #tpu.memory_space<vmem_shared>>
      %dma_start3A_249 = arith.constant 0 : i32
      %dma_start3A_250 = tpu.memref_slice %arg13[%mul3A_141, %dma_start3A_249] : memref<10240x32xf32, #tpu.memory_space<vmem_shared>> -> memref<640x32xf32, #tpu.memory_space<vmem_shared>>
      tpu.enqueue_dma source(%arg11 : memref<640x32xf32, #tpu.memory_space<vmem>>) target(%dma_start3A_250 : memref<640x32xf32, #tpu.memory_space<vmem_shared>>) target_semaphore(%run_scoped3A_246 : memref<!tpu.dma_semaphore, #tpu.memory_space<semaphore_mem>>)
      %dma_wait3A_251 = arith.constant 0 : i32
      %dma_wait3A_252 = tpu.memref_slice %arg13[%mul3A_141, %dma_wait3A_251] : memref<10240x32xf32, #tpu.memory_space<vmem_shared>> -> memref<640x32xf32, #tpu.memory_space<vmem_shared>>
      %dma_wait3A_253 = arith.constant 0 : i32
      %dma_wait3A_254 = tpu.memref_slice %arg13[%mul3A_141, %dma_wait3A_253] : memref<10240x32xf32, #tpu.memory_space<vmem_shared>> -> memref<640x32xf32, #tpu.memory_space<vmem_shared>>
      tpu.wait_dma2 semaphore(%run_scoped3A_246 : memref<!tpu.dma_semaphore, #tpu.memory_space<semaphore_mem>>) src(%arg11 : memref<640x32xf32, #tpu.memory_space<vmem>>) dst(%dma_wait3A_254 : memref<640x32xf32, #tpu.memory_space<vmem_shared>>)
      tpu.yield
    }) : () -> ()
    %eq3A_142 = arith.constant 0 : i32
    %eq3A_143 = arith.cmpi eq, %arg0, %eq3A_142 : i32
    %convert_element_type3A_144 = arith.extui %eq3A_143 : i1 to i32
    %cond3A_145 = arith.constant 0 : i32
    %cond3A_146 = arith.cmpi ne, %convert_element_type3A_144, %cond3A_145 : i32
    scf.if %cond3A_146 {
      %mul3A_246 = arith.constant 640 : i32
      %mul3A_247 = arith.muli %arg1, %mul3A_246 : i32
      "tpu.region"() ({
        %run_scoped3A_248 = tpu.sem_alloc : memref<!tpu.dma_semaphore, #tpu.memory_space<semaphore_mem>>
        %dma_start3A_249 = arith.constant 0 : i32
        %dma_start3A_250 = tpu.memref_slice %arg12[%mul3A_247, %dma_start3A_249] : memref<10240x32xf32, #tpu.memory_space<vmem_shared>> -> memref<640x32xf32, #tpu.memory_space<vmem_shared>>
        %dma_start3A_251 = arith.constant 0 : i32
        %dma_start3A_252 = tpu.memref_slice %arg12[%mul3A_247, %dma_start3A_251] : memref<10240x32xf32, #tpu.memory_space<vmem_shared>> -> memref<640x32xf32, #tpu.memory_space<vmem_shared>>
        tpu.enqueue_dma source(%arg11 : memref<640x32xf32, #tpu.memory_space<vmem>>) target(%dma_start3A_252 : memref<640x32xf32, #tpu.memory_space<vmem_shared>>) target_semaphore(%run_scoped3A_248 : memref<!tpu.dma_semaphore, #tpu.memory_space<semaphore_mem>>)
        %dma_wait3A_253 = arith.constant 0 : i32
        %dma_wait3A_254 = tpu.memref_slice %arg12[%mul3A_247, %dma_wait3A_253] : memref<10240x32xf32, #tpu.memory_space<vmem_shared>> -> memref<640x32xf32, #tpu.memory_space<vmem_shared>>
        %dma_wait3A_255 = arith.constant 0 : i32
        %dma_wait3A_256 = tpu.memref_slice %arg12[%mul3A_247, %dma_wait3A_255] : memref<10240x32xf32, #tpu.memory_space<vmem_shared>> -> memref<640x32xf32, #tpu.memory_space<vmem_shared>>
        tpu.wait_dma2 semaphore(%run_scoped3A_248 : memref<!tpu.dma_semaphore, #tpu.memory_space<semaphore_mem>>) src(%arg11 : memref<640x32xf32, #tpu.memory_space<vmem>>) dst(%dma_wait3A_256 : memref<640x32xf32, #tpu.memory_space<vmem_shared>>)
        tpu.yield
      }) : () -> ()
    } else {
    }
    %barrier3A_147 = arith.constant 0 : index
    tpu.barrier barrier_id(%barrier3A_147)
    %add3A_148 = arith.constant 0 : i32
    %add3A_149 = arith.addi %sub3A, %add3A_148 : i32
    %dma_start3A_150 = arith.constant 0 : i32
    %dma_start3A_151 = tpu.memref_slice %arg5[%add3A_149, %dma_start3A_150] : memref<84x128xi32, #tpu.memory_space<vmem>> -> memref<1x128xi32, #tpu.memory_space<vmem>>
    %dma_start3A_152 = tpu.memref_squeeze %dma_start3A_151 : memref<1x128xi32, #tpu.memory_space<vmem>> -> memref<128xi32, #tpu.memory_space<vmem>>
    %dma_start3A_153 = arith.constant 0 : i32
    %dma_start3A_154 = arith.constant 0 : i32
    %dma_start3A_155 = tpu.memref_slice %arg13[%dma_start3A_153, %dma_start3A_154] : memref<10240x32xf32, #tpu.memory_space<vmem_shared>> -> memref<10240x32xf32, #tpu.memory_space<vmem_shared>>
    tpu.enqueue_indirect_dma source(%dma_start3A_155 : memref<10240x32xf32, #tpu.memory_space<vmem_shared>>) target(%arg7 : memref<128x32xf32, #tpu.memory_space<vmem>>) offsets(%dma_start3A_152 : memref<128xi32, #tpu.memory_space<vmem>>) semaphore(%arg14 : memref<!tpu.dma_semaphore, #tpu.memory_space<semaphore_mem>>)
    %add3A_156 = arith.constant 1 : i32
    %add3A_157 = arith.addi %sub3A, %add3A_156 : i32
    %dma_start3A_158 = arith.constant 0 : i32
    %dma_start3A_159 = tpu.memref_slice %arg5[%add3A_157, %dma_start3A_158] : memref<84x128xi32, #tpu.memory_space<vmem>> -> memref<1x128xi32, #tpu.memory_space<vmem>>
    %dma_start3A_160 = tpu.memref_squeeze %dma_start3A_159 : memref<1x128xi32, #tpu.memory_space<vmem>> -> memref<128xi32, #tpu.memory_space<vmem>>
    %dma_start3A_161 = arith.constant 0 : i32
    %dma_start3A_162 = arith.constant 0 : i32
    %dma_start3A_163 = tpu.memref_slice %arg13[%dma_start3A_161, %dma_start3A_162] : memref<10240x32xf32, #tpu.memory_space<vmem_shared>> -> memref<10240x32xf32, #tpu.memory_space<vmem_shared>>
    tpu.enqueue_indirect_dma source(%dma_start3A_163 : memref<10240x32xf32, #tpu.memory_space<vmem_shared>>) target(%arg8 : memref<128x32xf32, #tpu.memory_space<vmem>>) offsets(%dma_start3A_160 : memref<128xi32, #tpu.memory_space<vmem>>) semaphore(%arg15 : memref<!tpu.dma_semaphore, #tpu.memory_space<semaphore_mem>>)
    %add3A_164 = arith.constant 2 : i32
    %add3A_165 = arith.addi %sub3A, %add3A_164 : i32
    %dma_start3A_166 = arith.constant 0 : i32
    %dma_start3A_167 = tpu.memref_slice %arg5[%add3A_165, %dma_start3A_166] : memref<84x128xi32, #tpu.memory_space<vmem>> -> memref<1x128xi32, #tpu.memory_space<vmem>>
    %dma_start3A_168 = tpu.memref_squeeze %dma_start3A_167 : memref<1x128xi32, #tpu.memory_space<vmem>> -> memref<128xi32, #tpu.memory_space<vmem>>
    %dma_start3A_169 = arith.constant 0 : i32
    %dma_start3A_170 = arith.constant 0 : i32
    %dma_start3A_171 = tpu.memref_slice %arg13[%dma_start3A_169, %dma_start3A_170] : memref<10240x32xf32, #tpu.memory_space<vmem_shared>> -> memref<10240x32xf32, #tpu.memory_space<vmem_shared>>
    tpu.enqueue_indirect_dma source(%dma_start3A_171 : memref<10240x32xf32, #tpu.memory_space<vmem_shared>>) target(%arg9 : memref<128x32xf32, #tpu.memory_space<vmem>>) offsets(%dma_start3A_168 : memref<128xi32, #tpu.memory_space<vmem>>) semaphore(%arg16 : memref<!tpu.dma_semaphore, #tpu.memory_space<semaphore_mem>>)
    %add3A_172 = arith.constant 3 : i32
    %add3A_173 = arith.addi %sub3A, %add3A_172 : i32
    %dma_start3A_174 = arith.constant 0 : i32
    %dma_start3A_175 = tpu.memref_slice %arg5[%add3A_173, %dma_start3A_174] : memref<84x128xi32, #tpu.memory_space<vmem>> -> memref<1x128xi32, #tpu.memory_space<vmem>>
    %dma_start3A_176 = tpu.memref_squeeze %dma_start3A_175 : memref<1x128xi32, #tpu.memory_space<vmem>> -> memref<128xi32, #tpu.memory_space<vmem>>
    %dma_start3A_177 = arith.constant 0 : i32
    %dma_start3A_178 = arith.constant 0 : i32
    %dma_start3A_179 = tpu.memref_slice %arg13[%dma_start3A_177, %dma_start3A_178] : memref<10240x32xf32, #tpu.memory_space<vmem_shared>> -> memref<10240x32xf32, #tpu.memory_space<vmem_shared>>
    tpu.enqueue_indirect_dma source(%dma_start3A_179 : memref<10240x32xf32, #tpu.memory_space<vmem_shared>>) target(%arg10 : memref<128x32xf32, #tpu.memory_space<vmem>>) offsets(%dma_start3A_176 : memref<128xi32, #tpu.memory_space<vmem>>) semaphore(%arg17 : memref<!tpu.dma_semaphore, #tpu.memory_space<semaphore_mem>>)
    %jit3A_180 = arith.constant 4 : i32
    %div3A_181 = arith.divsi %mul3A_26, %jit3A_180 : i32
    %sign3A_182 = arith.constant 0 : i32
    %sign3A_183 = arith.cmpi sgt, %mul3A_26, %sign3A_182 : i32
    %sign3A_184 = arith.extui %sign3A_183 : i1 to i32
    %sign3A_185 = arith.constant 0 : i32
    %sign3A_186 = arith.cmpi slt, %mul3A_26, %sign3A_185 : i32
    %sign3A_187 = arith.extui %sign3A_186 : i1 to i32
    %sign3A_188 = arith.subi %sign3A_184, %sign3A_187 : i32
    %sign3A_189 = arith.constant 0 : i32
    %sign3A_190 = arith.cmpi sgt, %jit3A_180, %sign3A_189 : i32
    %sign3A_191 = arith.extui %sign3A_190 : i1 to i32
    %sign3A_192 = arith.constant 0 : i32
    %sign3A_193 = arith.cmpi slt, %jit3A_180, %sign3A_192 : i32
    %sign3A_194 = arith.extui %sign3A_193 : i1 to i32
    %sign3A_195 = arith.subi %sign3A_191, %sign3A_194 : i32
    %ne3A_196 = arith.cmpi ne, %sign3A_188, %sign3A_195 : i32
    %rem3A_197 = arith.remsi %mul3A_26, %jit3A_180 : i32
    %ne3A_198 = arith.constant 0 : i32
    %ne3A_199 = arith.cmpi ne, %rem3A_197, %ne3A_198 : i32
    %and3A_200 = arith.andi %ne3A_196, %ne3A_199 : i1
    %sub3A_201 = arith.constant 1 : i32
    %sub3A_202 = arith.subi %div3A_181, %sub3A_201 : i32
    %select_n3A_203 = arith.select %and3A_200, %sub3A_202, %div3A_181 : i32
    %while3A_204 = arith.constant 0 : i32
    %while3A_205 = arith.constant 0 : i32
    %while3A_206 = arith.subi %select_n3A_203, %while3A_204 : i32
    %while3A_207 = arith.addi %while3A_204, %while3A_206 : i32
    %while3A_208 = arith.constant 1 : i32
    %while3A_209 = arith.divsi %while3A_206, %while3A_208 : i32
    %while3A_210 = arith.muli %while3A_209, %while3A_208 : i32
    %while3A_211 = arith.addi %while3A_204, %while3A_210 : i32
    %while3A_212 = arith.constant 1 : i32
    %while3A_213 = scf.for %while3A_246 = %while3A_204 to %while3A_211 step %while3A_212 iter_args(%while3A_247 = %while3A_205) -> (i32)  : i32 {
      %mul3A_248 = arith.constant 4 : i32
      %mul3A_249 = arith.muli %while3A_246, %mul3A_248 : i32
      %add3A_250 = arith.addi %sub3A, %mul3A_249 : i32
      %add3A_251 = arith.constant 0 : i32
      %add3A_252 = arith.addi %add3A_250, %add3A_251 : i32
      %dma_wait3A_253 = arith.constant 0 : i32
      %dma_wait3A_254 = arith.constant 0 : i32
      %dma_wait3A_255 = tpu.memref_slice %arg3[%dma_wait3A_253, %dma_wait3A_254] : memref<10240x128xf32, #tpu.memory_space<hbm>> -> memref<128x32xf32, #tpu.memory_space<hbm>>
      %dma_wait3A_256 = arith.constant 0 : i32
      %dma_wait3A_257 = arith.constant 0 : i32
      %dma_wait3A_258 = tpu.memref_slice %arg3[%dma_wait3A_256, %dma_wait3A_257] : memref<10240x128xf32, #tpu.memory_space<hbm>> -> memref<128x32xf32, #tpu.memory_space<hbm>>
      tpu.wait_dma2 semaphore(%arg14 : memref<!tpu.dma_semaphore, #tpu.memory_space<semaphore_mem>>) src(%dma_wait3A_258 : memref<128x32xf32, #tpu.memory_space<hbm>>) dst(%arg7 : memref<128x32xf32, #tpu.memory_space<vmem>>)
      %dma_start3A_259 = arith.constant 0 : i32
      %dma_start3A_260 = tpu.memref_slice %arg6[%add3A_252, %dma_start3A_259] : memref<84x128xi32, #tpu.memory_space<vmem>> -> memref<1x128xi32, #tpu.memory_space<vmem>>
      %dma_start3A_261 = tpu.memref_squeeze %dma_start3A_260 : memref<1x128xi32, #tpu.memory_space<vmem>> -> memref<128xi32, #tpu.memory_space<vmem>>
      %dma_start3A_262 = arith.constant 0 : i32
      %dma_start3A_263 = arith.constant 0 : i32
      %dma_start3A_264 = tpu.memref_slice %arg12[%dma_start3A_262, %dma_start3A_263] : memref<10240x32xf32, #tpu.memory_space<vmem_shared>> -> memref<10240x32xf32, #tpu.memory_space<vmem_shared>>
      tpu.enqueue_indirect_dma source(%arg7 : memref<128x32xf32, #tpu.memory_space<vmem>>) target(%dma_start3A_264 : memref<10240x32xf32, #tpu.memory_space<vmem_shared>>) offsets(%dma_start3A_261 : memref<128xi32, #tpu.memory_space<vmem>>) semaphore(%arg18 : memref<!tpu.dma_semaphore, #tpu.memory_space<semaphore_mem>>) {add = true}
      %add3A_265 = arith.constant 4 : i32
      %add3A_266 = arith.addi %add3A_252, %add3A_265 : i32
      %add3A_267 = arith.addi %sub3A, %mul3A_26 : i32
      %lt3A_268 = arith.cmpi slt, %add3A_266, %add3A_267 : i32
      %convert_element_type3A_269 = arith.extui %lt3A_268 : i1 to i32
      %cond3A_270 = arith.constant 0 : i32
      %cond3A_271 = arith.cmpi ne, %convert_element_type3A_269, %cond3A_270 : i32
      scf.if %cond3A_271 {
        %dma_wait3A_345 = arith.constant 0 : i32
        %dma_wait3A_346 = arith.constant 0 : i32
        %dma_wait3A_347 = tpu.memref_slice %arg12[%dma_wait3A_345, %dma_wait3A_346] : memref<10240x32xf32, #tpu.memory_space<vmem_shared>> -> memref<128x32xf32, #tpu.memory_space<vmem_shared>>
        %dma_wait3A_348 = arith.constant 0 : i32
        %dma_wait3A_349 = arith.constant 0 : i32
        %dma_wait3A_350 = tpu.memref_slice %arg12[%dma_wait3A_348, %dma_wait3A_349] : memref<10240x32xf32, #tpu.memory_space<vmem_shared>> -> memref<128x32xf32, #tpu.memory_space<vmem_shared>>
        tpu.wait_dma2 semaphore(%arg18 : memref<!tpu.dma_semaphore, #tpu.memory_space<semaphore_mem>>) src(%arg7 : memref<128x32xf32, #tpu.memory_space<vmem>>) dst(%dma_wait3A_350 : memref<128x32xf32, #tpu.memory_space<vmem_shared>>)
        %dma_start3A_351 = arith.constant 0 : i32
        %dma_start3A_352 = tpu.memref_slice %arg5[%add3A_266, %dma_start3A_351] : memref<84x128xi32, #tpu.memory_space<vmem>> -> memref<1x128xi32, #tpu.memory_space<vmem>>
        %dma_start3A_353 = tpu.memref_squeeze %dma_start3A_352 : memref<1x128xi32, #tpu.memory_space<vmem>> -> memref<128xi32, #tpu.memory_space<vmem>>
        %dma_start3A_354 = arith.constant 0 : i32
        %dma_start3A_355 = arith.constant 0 : i32
        %dma_start3A_356 = tpu.memref_slice %arg13[%dma_start3A_354, %dma_start3A_355] : memref<10240x32xf32, #tpu.memory_space<vmem_shared>> -> memref<10240x32xf32, #tpu.memory_space<vmem_shared>>
        tpu.enqueue_indirect_dma source(%dma_start3A_356 : memref<10240x32xf32, #tpu.memory_space<vmem_shared>>) target(%arg7 : memref<128x32xf32, #tpu.memory_space<vmem>>) offsets(%dma_start3A_353 : memref<128xi32, #tpu.memory_space<vmem>>) semaphore(%arg14 : memref<!tpu.dma_semaphore, #tpu.memory_space<semaphore_mem>>)
      } else {
      }
      %mul3A_272 = arith.constant 4 : i32
      %mul3A_273 = arith.muli %while3A_246, %mul3A_272 : i32
      %add3A_274 = arith.addi %sub3A, %mul3A_273 : i32
      %add3A_275 = arith.constant 1 : i32
      %add3A_276 = arith.addi %add3A_274, %add3A_275 : i32
      %dma_wait3A_277 = arith.constant 0 : i32
      %dma_wait3A_278 = arith.constant 0 : i32
      %dma_wait3A_279 = tpu.memref_slice %arg3[%dma_wait3A_277, %dma_wait3A_278] : memref<10240x128xf32, #tpu.memory_space<hbm>> -> memref<128x32xf32, #tpu.memory_space<hbm>>
      %dma_wait3A_280 = arith.constant 0 : i32
      %dma_wait3A_281 = arith.constant 0 : i32
      %dma_wait3A_282 = tpu.memref_slice %arg3[%dma_wait3A_280, %dma_wait3A_281] : memref<10240x128xf32, #tpu.memory_space<hbm>> -> memref<128x32xf32, #tpu.memory_space<hbm>>
      tpu.wait_dma2 semaphore(%arg15 : memref<!tpu.dma_semaphore, #tpu.memory_space<semaphore_mem>>) src(%dma_wait3A_282 : memref<128x32xf32, #tpu.memory_space<hbm>>) dst(%arg8 : memref<128x32xf32, #tpu.memory_space<vmem>>)
      %dma_start3A_283 = arith.constant 0 : i32
      %dma_start3A_284 = tpu.memref_slice %arg6[%add3A_276, %dma_start3A_283] : memref<84x128xi32, #tpu.memory_space<vmem>> -> memref<1x128xi32, #tpu.memory_space<vmem>>
      %dma_start3A_285 = tpu.memref_squeeze %dma_start3A_284 : memref<1x128xi32, #tpu.memory_space<vmem>> -> memref<128xi32, #tpu.memory_space<vmem>>
      %dma_start3A_286 = arith.constant 0 : i32
      %dma_start3A_287 = arith.constant 0 : i32
      %dma_start3A_288 = tpu.memref_slice %arg12[%dma_start3A_286, %dma_start3A_287] : memref<10240x32xf32, #tpu.memory_space<vmem_shared>> -> memref<10240x32xf32, #tpu.memory_space<vmem_shared>>
      tpu.enqueue_indirect_dma source(%arg8 : memref<128x32xf32, #tpu.memory_space<vmem>>) target(%dma_start3A_288 : memref<10240x32xf32, #tpu.memory_space<vmem_shared>>) offsets(%dma_start3A_285 : memref<128xi32, #tpu.memory_space<vmem>>) semaphore(%arg19 : memref<!tpu.dma_semaphore, #tpu.memory_space<semaphore_mem>>) {add = true}
      %add3A_289 = arith.constant 4 : i32
      %add3A_290 = arith.addi %add3A_276, %add3A_289 : i32
      %add3A_291 = arith.addi %sub3A, %mul3A_26 : i32
      %lt3A_292 = arith.cmpi slt, %add3A_290, %add3A_291 : i32
      %convert_element_type3A_293 = arith.extui %lt3A_292 : i1 to i32
      %cond3A_294 = arith.constant 0 : i32
      %cond3A_295 = arith.cmpi ne, %convert_element_type3A_293, %cond3A_294 : i32
      scf.if %cond3A_295 {
        %dma_wait3A_345 = arith.constant 0 : i32
        %dma_wait3A_346 = arith.constant 0 : i32
        %dma_wait3A_347 = tpu.memref_slice %arg12[%dma_wait3A_345, %dma_wait3A_346] : memref<10240x32xf32, #tpu.memory_space<vmem_shared>> -> memref<128x32xf32, #tpu.memory_space<vmem_shared>>
        %dma_wait3A_348 = arith.constant 0 : i32
        %dma_wait3A_349 = arith.constant 0 : i32
        %dma_wait3A_350 = tpu.memref_slice %arg12[%dma_wait3A_348, %dma_wait3A_349] : memref<10240x32xf32, #tpu.memory_space<vmem_shared>> -> memref<128x32xf32, #tpu.memory_space<vmem_shared>>
        tpu.wait_dma2 semaphore(%arg19 : memref<!tpu.dma_semaphore, #tpu.memory_space<semaphore_mem>>) src(%arg8 : memref<128x32xf32, #tpu.memory_space<vmem>>) dst(%dma_wait3A_350 : memref<128x32xf32, #tpu.memory_space<vmem_shared>>)
        %dma_start3A_351 = arith.constant 0 : i32
        %dma_start3A_352 = tpu.memref_slice %arg5[%add3A_290, %dma_start3A_351] : memref<84x128xi32, #tpu.memory_space<vmem>> -> memref<1x128xi32, #tpu.memory_space<vmem>>
        %dma_start3A_353 = tpu.memref_squeeze %dma_start3A_352 : memref<1x128xi32, #tpu.memory_space<vmem>> -> memref<128xi32, #tpu.memory_space<vmem>>
        %dma_start3A_354 = arith.constant 0 : i32
        %dma_start3A_355 = arith.constant 0 : i32
        %dma_start3A_356 = tpu.memref_slice %arg13[%dma_start3A_354, %dma_start3A_355] : memref<10240x32xf32, #tpu.memory_space<vmem_shared>> -> memref<10240x32xf32, #tpu.memory_space<vmem_shared>>
        tpu.enqueue_indirect_dma source(%dma_start3A_356 : memref<10240x32xf32, #tpu.memory_space<vmem_shared>>) target(%arg8 : memref<128x32xf32, #tpu.memory_space<vmem>>) offsets(%dma_start3A_353 : memref<128xi32, #tpu.memory_space<vmem>>) semaphore(%arg15 : memref<!tpu.dma_semaphore, #tpu.memory_space<semaphore_mem>>)
      } else {
      }
      %mul3A_296 = arith.constant 4 : i32
      %mul3A_297 = arith.muli %while3A_246, %mul3A_296 : i32
      %add3A_298 = arith.addi %sub3A, %mul3A_297 : i32
      %add3A_299 = arith.constant 2 : i32
      %add3A_300 = arith.addi %add3A_298, %add3A_299 : i32
      %dma_wait3A_301 = arith.constant 0 : i32
      %dma_wait3A_302 = arith.constant 0 : i32
      %dma_wait3A_303 = tpu.memref_slice %arg3[%dma_wait3A_301, %dma_wait3A_302] : memref<10240x128xf32, #tpu.memory_space<hbm>> -> memref<128x32xf32, #tpu.memory_space<hbm>>
      %dma_wait3A_304 = arith.constant 0 : i32
      %dma_wait3A_305 = arith.constant 0 : i32
      %dma_wait3A_306 = tpu.memref_slice %arg3[%dma_wait3A_304, %dma_wait3A_305] : memref<10240x128xf32, #tpu.memory_space<hbm>> -> memref<128x32xf32, #tpu.memory_space<hbm>>
      tpu.wait_dma2 semaphore(%arg16 : memref<!tpu.dma_semaphore, #tpu.memory_space<semaphore_mem>>) src(%dma_wait3A_306 : memref<128x32xf32, #tpu.memory_space<hbm>>) dst(%arg9 : memref<128x32xf32, #tpu.memory_space<vmem>>)
      %dma_start3A_307 = arith.constant 0 : i32
      %dma_start3A_308 = tpu.memref_slice %arg6[%add3A_300, %dma_start3A_307] : memref<84x128xi32, #tpu.memory_space<vmem>> -> memref<1x128xi32, #tpu.memory_space<vmem>>
      %dma_start3A_309 = tpu.memref_squeeze %dma_start3A_308 : memref<1x128xi32, #tpu.memory_space<vmem>> -> memref<128xi32, #tpu.memory_space<vmem>>
      %dma_start3A_310 = arith.constant 0 : i32
      %dma_start3A_311 = arith.constant 0 : i32
      %dma_start3A_312 = tpu.memref_slice %arg12[%dma_start3A_310, %dma_start3A_311] : memref<10240x32xf32, #tpu.memory_space<vmem_shared>> -> memref<10240x32xf32, #tpu.memory_space<vmem_shared>>
      tpu.enqueue_indirect_dma source(%arg9 : memref<128x32xf32, #tpu.memory_space<vmem>>) target(%dma_start3A_312 : memref<10240x32xf32, #tpu.memory_space<vmem_shared>>) offsets(%dma_start3A_309 : memref<128xi32, #tpu.memory_space<vmem>>) semaphore(%arg20 : memref<!tpu.dma_semaphore, #tpu.memory_space<semaphore_mem>>) {add = true}
      %add3A_313 = arith.constant 4 : i32
      %add3A_314 = arith.addi %add3A_300, %add3A_313 : i32
      %add3A_315 = arith.addi %sub3A, %mul3A_26 : i32
      %lt3A_316 = arith.cmpi slt, %add3A_314, %add3A_315 : i32
      %convert_element_type3A_317 = arith.extui %lt3A_316 : i1 to i32
      %cond3A_318 = arith.constant 0 : i32
      %cond3A_319 = arith.cmpi ne, %convert_element_type3A_317, %cond3A_318 : i32
      scf.if %cond3A_319 {
        %dma_wait3A_345 = arith.constant 0 : i32
        %dma_wait3A_346 = arith.constant 0 : i32
        %dma_wait3A_347 = tpu.memref_slice %arg12[%dma_wait3A_345, %dma_wait3A_346] : memref<10240x32xf32, #tpu.memory_space<vmem_shared>> -> memref<128x32xf32, #tpu.memory_space<vmem_shared>>
        %dma_wait3A_348 = arith.constant 0 : i32
        %dma_wait3A_349 = arith.constant 0 : i32
        %dma_wait3A_350 = tpu.memref_slice %arg12[%dma_wait3A_348, %dma_wait3A_349] : memref<10240x32xf32, #tpu.memory_space<vmem_shared>> -> memref<128x32xf32, #tpu.memory_space<vmem_shared>>
        tpu.wait_dma2 semaphore(%arg20 : memref<!tpu.dma_semaphore, #tpu.memory_space<semaphore_mem>>) src(%arg9 : memref<128x32xf32, #tpu.memory_space<vmem>>) dst(%dma_wait3A_350 : memref<128x32xf32, #tpu.memory_space<vmem_shared>>)
        %dma_start3A_351 = arith.constant 0 : i32
        %dma_start3A_352 = tpu.memref_slice %arg5[%add3A_314, %dma_start3A_351] : memref<84x128xi32, #tpu.memory_space<vmem>> -> memref<1x128xi32, #tpu.memory_space<vmem>>
        %dma_start3A_353 = tpu.memref_squeeze %dma_start3A_352 : memref<1x128xi32, #tpu.memory_space<vmem>> -> memref<128xi32, #tpu.memory_space<vmem>>
        %dma_start3A_354 = arith.constant 0 : i32
        %dma_start3A_355 = arith.constant 0 : i32
        %dma_start3A_356 = tpu.memref_slice %arg13[%dma_start3A_354, %dma_start3A_355] : memref<10240x32xf32, #tpu.memory_space<vmem_shared>> -> memref<10240x32xf32, #tpu.memory_space<vmem_shared>>
        tpu.enqueue_indirect_dma source(%dma_start3A_356 : memref<10240x32xf32, #tpu.memory_space<vmem_shared>>) target(%arg9 : memref<128x32xf32, #tpu.memory_space<vmem>>) offsets(%dma_start3A_353 : memref<128xi32, #tpu.memory_space<vmem>>) semaphore(%arg16 : memref<!tpu.dma_semaphore, #tpu.memory_space<semaphore_mem>>)
      } else {
      }
      %mul3A_320 = arith.constant 4 : i32
      %mul3A_321 = arith.muli %while3A_246, %mul3A_320 : i32
      %add3A_322 = arith.addi %sub3A, %mul3A_321 : i32
      %add3A_323 = arith.constant 3 : i32
      %add3A_324 = arith.addi %add3A_322, %add3A_323 : i32
      %dma_wait3A_325 = arith.constant 0 : i32
      %dma_wait3A_326 = arith.constant 0 : i32
      %dma_wait3A_327 = tpu.memref_slice %arg3[%dma_wait3A_325, %dma_wait3A_326] : memref<10240x128xf32, #tpu.memory_space<hbm>> -> memref<128x32xf32, #tpu.memory_space<hbm>>
      %dma_wait3A_328 = arith.constant 0 : i32
      %dma_wait3A_329 = arith.constant 0 : i32
      %dma_wait3A_330 = tpu.memref_slice %arg3[%dma_wait3A_328, %dma_wait3A_329] : memref<10240x128xf32, #tpu.memory_space<hbm>> -> memref<128x32xf32, #tpu.memory_space<hbm>>
      tpu.wait_dma2 semaphore(%arg17 : memref<!tpu.dma_semaphore, #tpu.memory_space<semaphore_mem>>) src(%dma_wait3A_330 : memref<128x32xf32, #tpu.memory_space<hbm>>) dst(%arg10 : memref<128x32xf32, #tpu.memory_space<vmem>>)
      %dma_start3A_331 = arith.constant 0 : i32
      %dma_start3A_332 = tpu.memref_slice %arg6[%add3A_324, %dma_start3A_331] : memref<84x128xi32, #tpu.memory_space<vmem>> -> memref<1x128xi32, #tpu.memory_space<vmem>>
      %dma_start3A_333 = tpu.memref_squeeze %dma_start3A_332 : memref<1x128xi32, #tpu.memory_space<vmem>> -> memref<128xi32, #tpu.memory_space<vmem>>
      %dma_start3A_334 = arith.constant 0 : i32
      %dma_start3A_335 = arith.constant 0 : i32
      %dma_start3A_336 = tpu.memref_slice %arg12[%dma_start3A_334, %dma_start3A_335] : memref<10240x32xf32, #tpu.memory_space<vmem_shared>> -> memref<10240x32xf32, #tpu.memory_space<vmem_shared>>
      tpu.enqueue_indirect_dma source(%arg10 : memref<128x32xf32, #tpu.memory_space<vmem>>) target(%dma_start3A_336 : memref<10240x32xf32, #tpu.memory_space<vmem_shared>>) offsets(%dma_start3A_333 : memref<128xi32, #tpu.memory_space<vmem>>) semaphore(%arg21 : memref<!tpu.dma_semaphore, #tpu.memory_space<semaphore_mem>>) {add = true}
      %add3A_337 = arith.constant 4 : i32
      %add3A_338 = arith.addi %add3A_324, %add3A_337 : i32
      %add3A_339 = arith.addi %sub3A, %mul3A_26 : i32
      %lt3A_340 = arith.cmpi slt, %add3A_338, %add3A_339 : i32
      %convert_element_type3A_341 = arith.extui %lt3A_340 : i1 to i32
      %cond3A_342 = arith.constant 0 : i32
      %cond3A_343 = arith.cmpi ne, %convert_element_type3A_341, %cond3A_342 : i32
      scf.if %cond3A_343 {
        %dma_wait3A_345 = arith.constant 0 : i32
        %dma_wait3A_346 = arith.constant 0 : i32
        %dma_wait3A_347 = tpu.memref_slice %arg12[%dma_wait3A_345, %dma_wait3A_346] : memref<10240x32xf32, #tpu.memory_space<vmem_shared>> -> memref<128x32xf32, #tpu.memory_space<vmem_shared>>
        %dma_wait3A_348 = arith.constant 0 : i32
        %dma_wait3A_349 = arith.constant 0 : i32
        %dma_wait3A_350 = tpu.memref_slice %arg12[%dma_wait3A_348, %dma_wait3A_349] : memref<10240x32xf32, #tpu.memory_space<vmem_shared>> -> memref<128x32xf32, #tpu.memory_space<vmem_shared>>
        tpu.wait_dma2 semaphore(%arg21 : memref<!tpu.dma_semaphore, #tpu.memory_space<semaphore_mem>>) src(%arg10 : memref<128x32xf32, #tpu.memory_space<vmem>>) dst(%dma_wait3A_350 : memref<128x32xf32, #tpu.memory_space<vmem_shared>>)
        %dma_start3A_351 = arith.constant 0 : i32
        %dma_start3A_352 = tpu.memref_slice %arg5[%add3A_338, %dma_start3A_351] : memref<84x128xi32, #tpu.memory_space<vmem>> -> memref<1x128xi32, #tpu.memory_space<vmem>>
        %dma_start3A_353 = tpu.memref_squeeze %dma_start3A_352 : memref<1x128xi32, #tpu.memory_space<vmem>> -> memref<128xi32, #tpu.memory_space<vmem>>
        %dma_start3A_354 = arith.constant 0 : i32
        %dma_start3A_355 = arith.constant 0 : i32
        %dma_start3A_356 = tpu.memref_slice %arg13[%dma_start3A_354, %dma_start3A_355] : memref<10240x32xf32, #tpu.memory_space<vmem_shared>> -> memref<10240x32xf32, #tpu.memory_space<vmem_shared>>
        tpu.enqueue_indirect_dma source(%dma_start3A_356 : memref<10240x32xf32, #tpu.memory_space<vmem_shared>>) target(%arg10 : memref<128x32xf32, #tpu.memory_space<vmem>>) offsets(%dma_start3A_353 : memref<128xi32, #tpu.memory_space<vmem>>) semaphore(%arg17 : memref<!tpu.dma_semaphore, #tpu.memory_space<semaphore_mem>>)
      } else {
      }
      %while3A_344 = arith.constant 0 : i32
      scf.yield %while3A_344 : i32
    }
    %while3A_214 = arith.constant 1 : i32
    %while3A_215 = scf.for %while3A_246 = %while3A_211 to %while3A_207 step %while3A_214 iter_args(%while3A_247 = %while3A_213) -> (i32)  : i32 {
      %mul3A_248 = arith.constant 4 : i32
      %mul3A_249 = arith.muli %while3A_246, %mul3A_248 : i32
      %add3A_250 = arith.addi %sub3A, %mul3A_249 : i32
      %add3A_251 = arith.constant 0 : i32
      %add3A_252 = arith.addi %add3A_250, %add3A_251 : i32
      %dma_wait3A_253 = arith.constant 0 : i32
      %dma_wait3A_254 = arith.constant 0 : i32
      %dma_wait3A_255 = tpu.memref_slice %arg3[%dma_wait3A_253, %dma_wait3A_254] : memref<10240x128xf32, #tpu.memory_space<hbm>> -> memref<128x32xf32, #tpu.memory_space<hbm>>
      %dma_wait3A_256 = arith.constant 0 : i32
      %dma_wait3A_257 = arith.constant 0 : i32
      %dma_wait3A_258 = tpu.memref_slice %arg3[%dma_wait3A_256, %dma_wait3A_257] : memref<10240x128xf32, #tpu.memory_space<hbm>> -> memref<128x32xf32, #tpu.memory_space<hbm>>
      tpu.wait_dma2 semaphore(%arg14 : memref<!tpu.dma_semaphore, #tpu.memory_space<semaphore_mem>>) src(%dma_wait3A_258 : memref<128x32xf32, #tpu.memory_space<hbm>>) dst(%arg7 : memref<128x32xf32, #tpu.memory_space<vmem>>)
      %dma_start3A_259 = arith.constant 0 : i32
      %dma_start3A_260 = tpu.memref_slice %arg6[%add3A_252, %dma_start3A_259] : memref<84x128xi32, #tpu.memory_space<vmem>> -> memref<1x128xi32, #tpu.memory_space<vmem>>
      %dma_start3A_261 = tpu.memref_squeeze %dma_start3A_260 : memref<1x128xi32, #tpu.memory_space<vmem>> -> memref<128xi32, #tpu.memory_space<vmem>>
      %dma_start3A_262 = arith.constant 0 : i32
      %dma_start3A_263 = arith.constant 0 : i32
      %dma_start3A_264 = tpu.memref_slice %arg12[%dma_start3A_262, %dma_start3A_263] : memref<10240x32xf32, #tpu.memory_space<vmem_shared>> -> memref<10240x32xf32, #tpu.memory_space<vmem_shared>>
      tpu.enqueue_indirect_dma source(%arg7 : memref<128x32xf32, #tpu.memory_space<vmem>>) target(%dma_start3A_264 : memref<10240x32xf32, #tpu.memory_space<vmem_shared>>) offsets(%dma_start3A_261 : memref<128xi32, #tpu.memory_space<vmem>>) semaphore(%arg18 : memref<!tpu.dma_semaphore, #tpu.memory_space<semaphore_mem>>) {add = true}
      %add3A_265 = arith.constant 4 : i32
      %add3A_266 = arith.addi %add3A_252, %add3A_265 : i32
      %add3A_267 = arith.addi %sub3A, %mul3A_26 : i32
      %lt3A_268 = arith.cmpi slt, %add3A_266, %add3A_267 : i32
      %convert_element_type3A_269 = arith.extui %lt3A_268 : i1 to i32
      %cond3A_270 = arith.constant 0 : i32
      %cond3A_271 = arith.cmpi ne, %convert_element_type3A_269, %cond3A_270 : i32
      scf.if %cond3A_271 {
        %dma_wait3A_345 = arith.constant 0 : i32
        %dma_wait3A_346 = arith.constant 0 : i32
        %dma_wait3A_347 = tpu.memref_slice %arg12[%dma_wait3A_345, %dma_wait3A_346] : memref<10240x32xf32, #tpu.memory_space<vmem_shared>> -> memref<128x32xf32, #tpu.memory_space<vmem_shared>>
        %dma_wait3A_348 = arith.constant 0 : i32
        %dma_wait3A_349 = arith.constant 0 : i32
        %dma_wait3A_350 = tpu.memref_slice %arg12[%dma_wait3A_348, %dma_wait3A_349] : memref<10240x32xf32, #tpu.memory_space<vmem_shared>> -> memref<128x32xf32, #tpu.memory_space<vmem_shared>>
        tpu.wait_dma2 semaphore(%arg18 : memref<!tpu.dma_semaphore, #tpu.memory_space<semaphore_mem>>) src(%arg7 : memref<128x32xf32, #tpu.memory_space<vmem>>) dst(%dma_wait3A_350 : memref<128x32xf32, #tpu.memory_space<vmem_shared>>)
        %dma_start3A_351 = arith.constant 0 : i32
        %dma_start3A_352 = tpu.memref_slice %arg5[%add3A_266, %dma_start3A_351] : memref<84x128xi32, #tpu.memory_space<vmem>> -> memref<1x128xi32, #tpu.memory_space<vmem>>
        %dma_start3A_353 = tpu.memref_squeeze %dma_start3A_352 : memref<1x128xi32, #tpu.memory_space<vmem>> -> memref<128xi32, #tpu.memory_space<vmem>>
        %dma_start3A_354 = arith.constant 0 : i32
        %dma_start3A_355 = arith.constant 0 : i32
        %dma_start3A_356 = tpu.memref_slice %arg13[%dma_start3A_354, %dma_start3A_355] : memref<10240x32xf32, #tpu.memory_space<vmem_shared>> -> memref<10240x32xf32, #tpu.memory_space<vmem_shared>>
        tpu.enqueue_indirect_dma source(%dma_start3A_356 : memref<10240x32xf32, #tpu.memory_space<vmem_shared>>) target(%arg7 : memref<128x32xf32, #tpu.memory_space<vmem>>) offsets(%dma_start3A_353 : memref<128xi32, #tpu.memory_space<vmem>>) semaphore(%arg14 : memref<!tpu.dma_semaphore, #tpu.memory_space<semaphore_mem>>)
      } else {
      }
      %mul3A_272 = arith.constant 4 : i32
      %mul3A_273 = arith.muli %while3A_246, %mul3A_272 : i32
      %add3A_274 = arith.addi %sub3A, %mul3A_273 : i32
      %add3A_275 = arith.constant 1 : i32
      %add3A_276 = arith.addi %add3A_274, %add3A_275 : i32
      %dma_wait3A_277 = arith.constant 0 : i32
      %dma_wait3A_278 = arith.constant 0 : i32
      %dma_wait3A_279 = tpu.memref_slice %arg3[%dma_wait3A_277, %dma_wait3A_278] : memref<10240x128xf32, #tpu.memory_space<hbm>> -> memref<128x32xf32, #tpu.memory_space<hbm>>
      %dma_wait3A_280 = arith.constant 0 : i32
      %dma_wait3A_281 = arith.constant 0 : i32
      %dma_wait3A_282 = tpu.memref_slice %arg3[%dma_wait3A_280, %dma_wait3A_281] : memref<10240x128xf32, #tpu.memory_space<hbm>> -> memref<128x32xf32, #tpu.memory_space<hbm>>
      tpu.wait_dma2 semaphore(%arg15 : memref<!tpu.dma_semaphore, #tpu.memory_space<semaphore_mem>>) src(%dma_wait3A_282 : memref<128x32xf32, #tpu.memory_space<hbm>>) dst(%arg8 : memref<128x32xf32, #tpu.memory_space<vmem>>)
      %dma_start3A_283 = arith.constant 0 : i32
      %dma_start3A_284 = tpu.memref_slice %arg6[%add3A_276, %dma_start3A_283] : memref<84x128xi32, #tpu.memory_space<vmem>> -> memref<1x128xi32, #tpu.memory_space<vmem>>
      %dma_start3A_285 = tpu.memref_squeeze %dma_start3A_284 : memref<1x128xi32, #tpu.memory_space<vmem>> -> memref<128xi32, #tpu.memory_space<vmem>>
      %dma_start3A_286 = arith.constant 0 : i32
      %dma_start3A_287 = arith.constant 0 : i32
      %dma_start3A_288 = tpu.memref_slice %arg12[%dma_start3A_286, %dma_start3A_287] : memref<10240x32xf32, #tpu.memory_space<vmem_shared>> -> memref<10240x32xf32, #tpu.memory_space<vmem_shared>>
      tpu.enqueue_indirect_dma source(%arg8 : memref<128x32xf32, #tpu.memory_space<vmem>>) target(%dma_start3A_288 : memref<10240x32xf32, #tpu.memory_space<vmem_shared>>) offsets(%dma_start3A_285 : memref<128xi32, #tpu.memory_space<vmem>>) semaphore(%arg19 : memref<!tpu.dma_semaphore, #tpu.memory_space<semaphore_mem>>) {add = true}
      %add3A_289 = arith.constant 4 : i32
      %add3A_290 = arith.addi %add3A_276, %add3A_289 : i32
      %add3A_291 = arith.addi %sub3A, %mul3A_26 : i32
      %lt3A_292 = arith.cmpi slt, %add3A_290, %add3A_291 : i32
      %convert_element_type3A_293 = arith.extui %lt3A_292 : i1 to i32
      %cond3A_294 = arith.constant 0 : i32
      %cond3A_295 = arith.cmpi ne, %convert_element_type3A_293, %cond3A_294 : i32
      scf.if %cond3A_295 {
        %dma_wait3A_345 = arith.constant 0 : i32
        %dma_wait3A_346 = arith.constant 0 : i32
        %dma_wait3A_347 = tpu.memref_slice %arg12[%dma_wait3A_345, %dma_wait3A_346] : memref<10240x32xf32, #tpu.memory_space<vmem_shared>> -> memref<128x32xf32, #tpu.memory_space<vmem_shared>>
        %dma_wait3A_348 = arith.constant 0 : i32
        %dma_wait3A_349 = arith.constant 0 : i32
        %dma_wait3A_350 = tpu.memref_slice %arg12[%dma_wait3A_348, %dma_wait3A_349] : memref<10240x32xf32, #tpu.memory_space<vmem_shared>> -> memref<128x32xf32, #tpu.memory_space<vmem_shared>>
        tpu.wait_dma2 semaphore(%arg19 : memref<!tpu.dma_semaphore, #tpu.memory_space<semaphore_mem>>) src(%arg8 : memref<128x32xf32, #tpu.memory_space<vmem>>) dst(%dma_wait3A_350 : memref<128x32xf32, #tpu.memory_space<vmem_shared>>)
        %dma_start3A_351 = arith.constant 0 : i32
        %dma_start3A_352 = tpu.memref_slice %arg5[%add3A_290, %dma_start3A_351] : memref<84x128xi32, #tpu.memory_space<vmem>> -> memref<1x128xi32, #tpu.memory_space<vmem>>
        %dma_start3A_353 = tpu.memref_squeeze %dma_start3A_352 : memref<1x128xi32, #tpu.memory_space<vmem>> -> memref<128xi32, #tpu.memory_space<vmem>>
        %dma_start3A_354 = arith.constant 0 : i32
        %dma_start3A_355 = arith.constant 0 : i32
        %dma_start3A_356 = tpu.memref_slice %arg13[%dma_start3A_354, %dma_start3A_355] : memref<10240x32xf32, #tpu.memory_space<vmem_shared>> -> memref<10240x32xf32, #tpu.memory_space<vmem_shared>>
        tpu.enqueue_indirect_dma source(%dma_start3A_356 : memref<10240x32xf32, #tpu.memory_space<vmem_shared>>) target(%arg8 : memref<128x32xf32, #tpu.memory_space<vmem>>) offsets(%dma_start3A_353 : memref<128xi32, #tpu.memory_space<vmem>>) semaphore(%arg15 : memref<!tpu.dma_semaphore, #tpu.memory_space<semaphore_mem>>)
      } else {
      }
      %mul3A_296 = arith.constant 4 : i32
      %mul3A_297 = arith.muli %while3A_246, %mul3A_296 : i32
      %add3A_298 = arith.addi %sub3A, %mul3A_297 : i32
      %add3A_299 = arith.constant 2 : i32
      %add3A_300 = arith.addi %add3A_298, %add3A_299 : i32
      %dma_wait3A_301 = arith.constant 0 : i32
      %dma_wait3A_302 = arith.constant 0 : i32
      %dma_wait3A_303 = tpu.memref_slice %arg3[%dma_wait3A_301, %dma_wait3A_302] : memref<10240x128xf32, #tpu.memory_space<hbm>> -> memref<128x32xf32, #tpu.memory_space<hbm>>
      %dma_wait3A_304 = arith.constant 0 : i32
      %dma_wait3A_305 = arith.constant 0 : i32
      %dma_wait3A_306 = tpu.memref_slice %arg3[%dma_wait3A_304, %dma_wait3A_305] : memref<10240x128xf32, #tpu.memory_space<hbm>> -> memref<128x32xf32, #tpu.memory_space<hbm>>
      tpu.wait_dma2 semaphore(%arg16 : memref<!tpu.dma_semaphore, #tpu.memory_space<semaphore_mem>>) src(%dma_wait3A_306 : memref<128x32xf32, #tpu.memory_space<hbm>>) dst(%arg9 : memref<128x32xf32, #tpu.memory_space<vmem>>)
      %dma_start3A_307 = arith.constant 0 : i32
      %dma_start3A_308 = tpu.memref_slice %arg6[%add3A_300, %dma_start3A_307] : memref<84x128xi32, #tpu.memory_space<vmem>> -> memref<1x128xi32, #tpu.memory_space<vmem>>
      %dma_start3A_309 = tpu.memref_squeeze %dma_start3A_308 : memref<1x128xi32, #tpu.memory_space<vmem>> -> memref<128xi32, #tpu.memory_space<vmem>>
      %dma_start3A_310 = arith.constant 0 : i32
      %dma_start3A_311 = arith.constant 0 : i32
      %dma_start3A_312 = tpu.memref_slice %arg12[%dma_start3A_310, %dma_start3A_311] : memref<10240x32xf32, #tpu.memory_space<vmem_shared>> -> memref<10240x32xf32, #tpu.memory_space<vmem_shared>>
      tpu.enqueue_indirect_dma source(%arg9 : memref<128x32xf32, #tpu.memory_space<vmem>>) target(%dma_start3A_312 : memref<10240x32xf32, #tpu.memory_space<vmem_shared>>) offsets(%dma_start3A_309 : memref<128xi32, #tpu.memory_space<vmem>>) semaphore(%arg20 : memref<!tpu.dma_semaphore, #tpu.memory_space<semaphore_mem>>) {add = true}
      %add3A_313 = arith.constant 4 : i32
      %add3A_314 = arith.addi %add3A_300, %add3A_313 : i32
      %add3A_315 = arith.addi %sub3A, %mul3A_26 : i32
      %lt3A_316 = arith.cmpi slt, %add3A_314, %add3A_315 : i32
      %convert_element_type3A_317 = arith.extui %lt3A_316 : i1 to i32
      %cond3A_318 = arith.constant 0 : i32
      %cond3A_319 = arith.cmpi ne, %convert_element_type3A_317, %cond3A_318 : i32
      scf.if %cond3A_319 {
        %dma_wait3A_345 = arith.constant 0 : i32
        %dma_wait3A_346 = arith.constant 0 : i32
        %dma_wait3A_347 = tpu.memref_slice %arg12[%dma_wait3A_345, %dma_wait3A_346] : memref<10240x32xf32, #tpu.memory_space<vmem_shared>> -> memref<128x32xf32, #tpu.memory_space<vmem_shared>>
        %dma_wait3A_348 = arith.constant 0 : i32
        %dma_wait3A_349 = arith.constant 0 : i32
        %dma_wait3A_350 = tpu.memref_slice %arg12[%dma_wait3A_348, %dma_wait3A_349] : memref<10240x32xf32, #tpu.memory_space<vmem_shared>> -> memref<128x32xf32, #tpu.memory_space<vmem_shared>>
        tpu.wait_dma2 semaphore(%arg20 : memref<!tpu.dma_semaphore, #tpu.memory_space<semaphore_mem>>) src(%arg9 : memref<128x32xf32, #tpu.memory_space<vmem>>) dst(%dma_wait3A_350 : memref<128x32xf32, #tpu.memory_space<vmem_shared>>)
        %dma_start3A_351 = arith.constant 0 : i32
        %dma_start3A_352 = tpu.memref_slice %arg5[%add3A_314, %dma_start3A_351] : memref<84x128xi32, #tpu.memory_space<vmem>> -> memref<1x128xi32, #tpu.memory_space<vmem>>
        %dma_start3A_353 = tpu.memref_squeeze %dma_start3A_352 : memref<1x128xi32, #tpu.memory_space<vmem>> -> memref<128xi32, #tpu.memory_space<vmem>>
        %dma_start3A_354 = arith.constant 0 : i32
        %dma_start3A_355 = arith.constant 0 : i32
        %dma_start3A_356 = tpu.memref_slice %arg13[%dma_start3A_354, %dma_start3A_355] : memref<10240x32xf32, #tpu.memory_space<vmem_shared>> -> memref<10240x32xf32, #tpu.memory_space<vmem_shared>>
        tpu.enqueue_indirect_dma source(%dma_start3A_356 : memref<10240x32xf32, #tpu.memory_space<vmem_shared>>) target(%arg9 : memref<128x32xf32, #tpu.memory_space<vmem>>) offsets(%dma_start3A_353 : memref<128xi32, #tpu.memory_space<vmem>>) semaphore(%arg16 : memref<!tpu.dma_semaphore, #tpu.memory_space<semaphore_mem>>)
      } else {
      }
      %mul3A_320 = arith.constant 4 : i32
      %mul3A_321 = arith.muli %while3A_246, %mul3A_320 : i32
      %add3A_322 = arith.addi %sub3A, %mul3A_321 : i32
      %add3A_323 = arith.constant 3 : i32
      %add3A_324 = arith.addi %add3A_322, %add3A_323 : i32
      %dma_wait3A_325 = arith.constant 0 : i32
      %dma_wait3A_326 = arith.constant 0 : i32
      %dma_wait3A_327 = tpu.memref_slice %arg3[%dma_wait3A_325, %dma_wait3A_326] : memref<10240x128xf32, #tpu.memory_space<hbm>> -> memref<128x32xf32, #tpu.memory_space<hbm>>
      %dma_wait3A_328 = arith.constant 0 : i32
      %dma_wait3A_329 = arith.constant 0 : i32
      %dma_wait3A_330 = tpu.memref_slice %arg3[%dma_wait3A_328, %dma_wait3A_329] : memref<10240x128xf32, #tpu.memory_space<hbm>> -> memref<128x32xf32, #tpu.memory_space<hbm>>
      tpu.wait_dma2 semaphore(%arg17 : memref<!tpu.dma_semaphore, #tpu.memory_space<semaphore_mem>>) src(%dma_wait3A_330 : memref<128x32xf32, #tpu.memory_space<hbm>>) dst(%arg10 : memref<128x32xf32, #tpu.memory_space<vmem>>)
      %dma_start3A_331 = arith.constant 0 : i32
      %dma_start3A_332 = tpu.memref_slice %arg6[%add3A_324, %dma_start3A_331] : memref<84x128xi32, #tpu.memory_space<vmem>> -> memref<1x128xi32, #tpu.memory_space<vmem>>
      %dma_start3A_333 = tpu.memref_squeeze %dma_start3A_332 : memref<1x128xi32, #tpu.memory_space<vmem>> -> memref<128xi32, #tpu.memory_space<vmem>>
      %dma_start3A_334 = arith.constant 0 : i32
      %dma_start3A_335 = arith.constant 0 : i32
      %dma_start3A_336 = tpu.memref_slice %arg12[%dma_start3A_334, %dma_start3A_335] : memref<10240x32xf32, #tpu.memory_space<vmem_shared>> -> memref<10240x32xf32, #tpu.memory_space<vmem_shared>>
      tpu.enqueue_indirect_dma source(%arg10 : memref<128x32xf32, #tpu.memory_space<vmem>>) target(%dma_start3A_336 : memref<10240x32xf32, #tpu.memory_space<vmem_shared>>) offsets(%dma_start3A_333 : memref<128xi32, #tpu.memory_space<vmem>>) semaphore(%arg21 : memref<!tpu.dma_semaphore, #tpu.memory_space<semaphore_mem>>) {add = true}
      %add3A_337 = arith.constant 4 : i32
      %add3A_338 = arith.addi %add3A_324, %add3A_337 : i32
      %add3A_339 = arith.addi %sub3A, %mul3A_26 : i32
      %lt3A_340 = arith.cmpi slt, %add3A_338, %add3A_339 : i32
      %convert_element_type3A_341 = arith.extui %lt3A_340 : i1 to i32
      %cond3A_342 = arith.constant 0 : i32
      %cond3A_343 = arith.cmpi ne, %convert_element_type3A_341, %cond3A_342 : i32
      scf.if %cond3A_343 {
        %dma_wait3A_345 = arith.constant 0 : i32
        %dma_wait3A_346 = arith.constant 0 : i32
        %dma_wait3A_347 = tpu.memref_slice %arg12[%dma_wait3A_345, %dma_wait3A_346] : memref<10240x32xf32, #tpu.memory_space<vmem_shared>> -> memref<128x32xf32, #tpu.memory_space<vmem_shared>>
        %dma_wait3A_348 = arith.constant 0 : i32
        %dma_wait3A_349 = arith.constant 0 : i32
        %dma_wait3A_350 = tpu.memref_slice %arg12[%dma_wait3A_348, %dma_wait3A_349] : memref<10240x32xf32, #tpu.memory_space<vmem_shared>> -> memref<128x32xf32, #tpu.memory_space<vmem_shared>>
        tpu.wait_dma2 semaphore(%arg21 : memref<!tpu.dma_semaphore, #tpu.memory_space<semaphore_mem>>) src(%arg10 : memref<128x32xf32, #tpu.memory_space<vmem>>) dst(%dma_wait3A_350 : memref<128x32xf32, #tpu.memory_space<vmem_shared>>)
        %dma_start3A_351 = arith.constant 0 : i32
        %dma_start3A_352 = tpu.memref_slice %arg5[%add3A_338, %dma_start3A_351] : memref<84x128xi32, #tpu.memory_space<vmem>> -> memref<1x128xi32, #tpu.memory_space<vmem>>
        %dma_start3A_353 = tpu.memref_squeeze %dma_start3A_352 : memref<1x128xi32, #tpu.memory_space<vmem>> -> memref<128xi32, #tpu.memory_space<vmem>>
        %dma_start3A_354 = arith.constant 0 : i32
        %dma_start3A_355 = arith.constant 0 : i32
        %dma_start3A_356 = tpu.memref_slice %arg13[%dma_start3A_354, %dma_start3A_355] : memref<10240x32xf32, #tpu.memory_space<vmem_shared>> -> memref<10240x32xf32, #tpu.memory_space<vmem_shared>>
        tpu.enqueue_indirect_dma source(%dma_start3A_356 : memref<10240x32xf32, #tpu.memory_space<vmem_shared>>) target(%arg10 : memref<128x32xf32, #tpu.memory_space<vmem>>) offsets(%dma_start3A_353 : memref<128xi32, #tpu.memory_space<vmem>>) semaphore(%arg17 : memref<!tpu.dma_semaphore, #tpu.memory_space<semaphore_mem>>)
      } else {
      }
      %while3A_344 = arith.constant 0 : i32
      scf.yield %while3A_344 : i32
    }
    %dma_wait3A_216 = arith.constant 0 : i32
    %dma_wait3A_217 = arith.constant 0 : i32
    %dma_wait3A_218 = tpu.memref_slice %arg12[%dma_wait3A_216, %dma_wait3A_217] : memref<10240x32xf32, #tpu.memory_space<vmem_shared>> -> memref<128x32xf32, #tpu.memory_space<vmem_shared>>
    %dma_wait3A_219 = arith.constant 0 : i32
    %dma_wait3A_220 = arith.constant 0 : i32
    %dma_wait3A_221 = tpu.memref_slice %arg12[%dma_wait3A_219, %dma_wait3A_220] : memref<10240x32xf32, #tpu.memory_space<vmem_shared>> -> memref<128x32xf32, #tpu.memory_space<vmem_shared>>
    tpu.wait_dma2 semaphore(%arg18 : memref<!tpu.dma_semaphore, #tpu.memory_space<semaphore_mem>>) src(%arg7 : memref<128x32xf32, #tpu.memory_space<vmem>>) dst(%dma_wait3A_221 : memref<128x32xf32, #tpu.memory_space<vmem_shared>>)
    %dma_wait3A_222 = arith.constant 0 : i32
    %dma_wait3A_223 = arith.constant 0 : i32
    %dma_wait3A_224 = tpu.memref_slice %arg12[%dma_wait3A_222, %dma_wait3A_223] : memref<10240x32xf32, #tpu.memory_space<vmem_shared>> -> memref<128x32xf32, #tpu.memory_space<vmem_shared>>
    %dma_wait3A_225 = arith.constant 0 : i32
    %dma_wait3A_226 = arith.constant 0 : i32
    %dma_wait3A_227 = tpu.memref_slice %arg12[%dma_wait3A_225, %dma_wait3A_226] : memref<10240x32xf32, #tpu.memory_space<vmem_shared>> -> memref<128x32xf32, #tpu.memory_space<vmem_shared>>
    tpu.wait_dma2 semaphore(%arg19 : memref<!tpu.dma_semaphore, #tpu.memory_space<semaphore_mem>>) src(%arg8 : memref<128x32xf32, #tpu.memory_space<vmem>>) dst(%dma_wait3A_227 : memref<128x32xf32, #tpu.memory_space<vmem_shared>>)
    %dma_wait3A_228 = arith.constant 0 : i32
    %dma_wait3A_229 = arith.constant 0 : i32
    %dma_wait3A_230 = tpu.memref_slice %arg12[%dma_wait3A_228, %dma_wait3A_229] : memref<10240x32xf32, #tpu.memory_space<vmem_shared>> -> memref<128x32xf32, #tpu.memory_space<vmem_shared>>
    %dma_wait3A_231 = arith.constant 0 : i32
    %dma_wait3A_232 = arith.constant 0 : i32
    %dma_wait3A_233 = tpu.memref_slice %arg12[%dma_wait3A_231, %dma_wait3A_232] : memref<10240x32xf32, #tpu.memory_space<vmem_shared>> -> memref<128x32xf32, #tpu.memory_space<vmem_shared>>
    tpu.wait_dma2 semaphore(%arg20 : memref<!tpu.dma_semaphore, #tpu.memory_space<semaphore_mem>>) src(%arg9 : memref<128x32xf32, #tpu.memory_space<vmem>>) dst(%dma_wait3A_233 : memref<128x32xf32, #tpu.memory_space<vmem_shared>>)
    %dma_wait3A_234 = arith.constant 0 : i32
    %dma_wait3A_235 = arith.constant 0 : i32
    %dma_wait3A_236 = tpu.memref_slice %arg12[%dma_wait3A_234, %dma_wait3A_235] : memref<10240x32xf32, #tpu.memory_space<vmem_shared>> -> memref<128x32xf32, #tpu.memory_space<vmem_shared>>
    %dma_wait3A_237 = arith.constant 0 : i32
    %dma_wait3A_238 = arith.constant 0 : i32
    %dma_wait3A_239 = tpu.memref_slice %arg12[%dma_wait3A_237, %dma_wait3A_238] : memref<10240x32xf32, #tpu.memory_space<vmem_shared>> -> memref<128x32xf32, #tpu.memory_space<vmem_shared>>
    tpu.wait_dma2 semaphore(%arg21 : memref<!tpu.dma_semaphore, #tpu.memory_space<semaphore_mem>>) src(%arg10 : memref<128x32xf32, #tpu.memory_space<vmem>>) dst(%dma_wait3A_239 : memref<128x32xf32, #tpu.memory_space<vmem_shared>>)
    %barrier3A_240 = arith.constant 0 : index
    tpu.barrier barrier_id(%barrier3A_240)
    %mul3A_241 = arith.constant 640 : i32
    %mul3A_242 = arith.muli %arg1, %mul3A_241 : i32
    "tpu.region"() ({
      %run_scoped3A_246 = tpu.sem_alloc : memref<!tpu.dma_semaphore, #tpu.memory_space<semaphore_mem>>
      %dma_start3A_247 = arith.constant 0 : i32
      %dma_start3A_248 = tpu.memref_slice %arg12[%mul3A_242, %dma_start3A_247] : memref<10240x32xf32, #tpu.memory_space<vmem_shared>> -> memref<640x32xf32, #tpu.memory_space<vmem_shared>>
      %dma_start3A_249 = arith.constant 0 : i32
      %dma_start3A_250 = tpu.memref_slice %arg12[%mul3A_242, %dma_start3A_249] : memref<10240x32xf32, #tpu.memory_space<vmem_shared>> -> memref<640x32xf32, #tpu.memory_space<vmem_shared>>
      tpu.enqueue_dma source(%dma_start3A_250 : memref<640x32xf32, #tpu.memory_space<vmem_shared>>) target(%arg11 : memref<640x32xf32, #tpu.memory_space<vmem>>) target_semaphore(%run_scoped3A_246 : memref<!tpu.dma_semaphore, #tpu.memory_space<semaphore_mem>>)
      %dma_wait3A_251 = arith.constant 0 : i32
      %dma_wait3A_252 = tpu.memref_slice %arg12[%mul3A_242, %dma_wait3A_251] : memref<10240x32xf32, #tpu.memory_space<vmem_shared>> -> memref<640x32xf32, #tpu.memory_space<vmem_shared>>
      %dma_wait3A_253 = arith.constant 0 : i32
      %dma_wait3A_254 = tpu.memref_slice %arg12[%mul3A_242, %dma_wait3A_253] : memref<10240x32xf32, #tpu.memory_space<vmem_shared>> -> memref<640x32xf32, #tpu.memory_space<vmem_shared>>
      tpu.wait_dma2 semaphore(%run_scoped3A_246 : memref<!tpu.dma_semaphore, #tpu.memory_space<semaphore_mem>>) src(%dma_wait3A_254 : memref<640x32xf32, #tpu.memory_space<vmem_shared>>) dst(%arg11 : memref<640x32xf32, #tpu.memory_space<vmem>>)
      tpu.yield
    }) : () -> ()
    %mul3A_243 = arith.constant 640 : i32
    %mul3A_244 = arith.muli %arg1, %mul3A_243 : i32
    "tpu.region"() ({
      %run_scoped3A_246 = tpu.sem_alloc : memref<!tpu.dma_semaphore, #tpu.memory_space<semaphore_mem>>
      %dma_start3A_247 = arith.constant 32 : i32
      %dma_start3A_248 = tpu.memref_slice %arg4[%arg0, %mul3A_244, %dma_start3A_247] : memref<2x10240x128xf32, #tpu.memory_space<hbm>> -> memref<1x640x32xf32, #tpu.memory_space<hbm>>
      %dma_start3A_249 = tpu.memref_squeeze %dma_start3A_248 : memref<1x640x32xf32, #tpu.memory_space<hbm>> -> memref<640x32xf32, #tpu.memory_space<hbm>>
      %dma_start3A_250 = arith.constant 32 : i32
      %dma_start3A_251 = tpu.memref_slice %arg4[%arg0, %mul3A_244, %dma_start3A_250] : memref<2x10240x128xf32, #tpu.memory_space<hbm>> -> memref<1x640x32xf32, #tpu.memory_space<hbm>>
      %dma_start3A_252 = tpu.memref_squeeze %dma_start3A_251 : memref<1x640x32xf32, #tpu.memory_space<hbm>> -> memref<640x32xf32, #tpu.memory_space<hbm>>
      tpu.enqueue_dma source(%arg11 : memref<640x32xf32, #tpu.memory_space<vmem>>) target(%dma_start3A_252 : memref<640x32xf32, #tpu.memory_space<hbm>>) target_semaphore(%run_scoped3A_246 : memref<!tpu.dma_semaphore, #tpu.memory_space<semaphore_mem>>)
      %dma_wait3A_253 = arith.constant 32 : i32
      %dma_wait3A_254 = tpu.memref_slice %arg4[%arg0, %mul3A_244, %dma_wait3A_253] : memref<2x10240x128xf32, #tpu.memory_space<hbm>> -> memref<1x640x32xf32, #tpu.memory_space<hbm>>
      %dma_wait3A_255 = tpu.memref_squeeze %dma_wait3A_254 : memref<1x640x32xf32, #tpu.memory_space<hbm>> -> memref<640x32xf32, #tpu.memory_space<hbm>>
      %dma_wait3A_256 = arith.constant 32 : i32
      %dma_wait3A_257 = tpu.memref_slice %arg4[%arg0, %mul3A_244, %dma_wait3A_256] : memref<2x10240x128xf32, #tpu.memory_space<hbm>> -> memref<1x640x32xf32, #tpu.memory_space<hbm>>
      %dma_wait3A_258 = tpu.memref_squeeze %dma_wait3A_257 : memref<1x640x32xf32, #tpu.memory_space<hbm>> -> memref<640x32xf32, #tpu.memory_space<hbm>>
      tpu.wait_dma2 semaphore(%run_scoped3A_246 : memref<!tpu.dma_semaphore, #tpu.memory_space<semaphore_mem>>) src(%arg11 : memref<640x32xf32, #tpu.memory_space<vmem>>) dst(%dma_wait3A_258 : memref<640x32xf32, #tpu.memory_space<hbm>>)
      tpu.yield
    }) : () -> ()
    %barrier3A_245 = arith.constant 0 : index
    tpu.barrier barrier_id(%barrier3A_245)
    return
  }
}

module attributes {stable_mosaic.version = 14 : i64} {
  func.func @_finish_body(%arg0: i32, %arg1: memref<2x1024x128xf32, #tpu.memory_space<vmem>>, %arg2: memref<2x8x128xf32, #tpu.memory_space<vmem>>, %arg3: memref<1024x64xf32, #tpu.memory_space<vmem>>) attributes {dimension_semantics = [#tpu.dimension_semantics<arbitrary>], iteration_bounds = array<i64: 10>, scalar_prefetch = 0 : i64, scratch_operands = 0 : i64, tpu.core_type = #tpu.core_type<tc>, window_params = [{transform_indices = @transform_0, window_bounds = array<i64: 2, 1024, 128>}, {transform_indices = @transform_1, window_bounds = array<i64: 2, 8, 128>}, {transform_indices = @transform_2, window_bounds = array<i64: 1024, 64>}]} {
    %get3A = arith.constant 0 : index
    %get3A_0 = arith.constant 0 : index
    %get3A_1 = arith.constant 0 : index
    %get3A_2 = vector.load %arg2[%get3A, %get3A_0, %get3A_1] : memref<2x8x128xf32, #tpu.memory_space<vmem>>, vector<2x8x128xf32>
    %slice3A = vector.extract_strided_slice %get3A_2 {offsets = [0, 0, 0], sizes = [1, 8, 128], strides = [1, 1, 1]} : vector<2x8x128xf32> to vector<1x8x128xf32>
    %squeeze3A = vector.shape_cast %slice3A : vector<1x8x128xf32> to vector<8x128xf32>
    %slice3A_3 = vector.extract_strided_slice %get3A_2 {offsets = [1, 0, 0], sizes = [1, 8, 128], strides = [1, 1, 1]} : vector<2x8x128xf32> to vector<1x8x128xf32>
    %squeeze3A_4 = vector.shape_cast %slice3A_3 : vector<1x8x128xf32> to vector<8x128xf32>
    %add3A = arith.addf %squeeze3A, %squeeze3A_4 : vector<8x128xf32>
    %iota3A = tpu.iota {dimensions = array<i32: 0>} : vector<1024x1xi32>
    %iota3A_5 = tpu.iota {dimensions = array<i32: 1>} : vector<1024x8xi32>
    %shift_right_arithmetic3A = arith.constant 7 : i32
    %shift_right_arithmetic3A_6 = vector.broadcast %shift_right_arithmetic3A : i32 to vector<1024x1xi32>
    %shift_right_arithmetic3A_7 = arith.shrsi %iota3A, %shift_right_arithmetic3A_6 : vector<1024x1xi32>
    %eq3A = vector.broadcast %shift_right_arithmetic3A_7 : vector<1024x1xi32> to vector<1024x8xi32>
    %eq3A_8 = arith.cmpi eq, %iota3A_5, %eq3A : vector<1024x8xi32>
    %convert_element_type3A = arith.extui %eq3A_8 : vector<1024x8xi1> to vector<1024x8xi32>
    %convert_element_type3A_9 = arith.sitofp %convert_element_type3A : vector<1024x8xi32> to vector<1024x8xf32>
    %dot_general3A = arith.constant dense<0.000000e+00> : vector<1024x128xf32>
    %dot_general3A_10 = tpu.matmul %convert_element_type3A_9, %add3A, %dot_general3A {dimension_numbers = #tpu.dot_dimension_numbers<[1], [0], [0], [1], [0, 0, 1, 1], [], []>, transpose_lhs_hint = false} : vector<1024x8xf32>, vector<8x128xf32>, vector<1024x128xf32> -> vector<1024x128xf32>
    %iota3A_11 = tpu.iota {dimensions = array<i32: 1>} : vector<1024x128xi32>
    %and3A = arith.constant 127 : i32
    %and3A_12 = vector.broadcast %and3A : i32 to vector<1024x1xi32>
    %and3A_13 = arith.andi %iota3A, %and3A_12 : vector<1024x1xi32>
    %eq3A_14 = vector.broadcast %and3A_13 : vector<1024x1xi32> to vector<1024x128xi32>
    %eq3A_15 = arith.cmpi eq, %iota3A_11, %eq3A_14 : vector<1024x128xi32>
    %jit3A = arith.constant 0.000000e+00 : f32
    %broadcast_in_dim3A = vector.broadcast %jit3A : f32 to vector<1024x128xf32>
    %select_n3A = arith.select %eq3A_15, %dot_general3A_10, %broadcast_in_dim3A : vector<1024x128xi1>, vector<1024x128xf32>
    %reduce_sum3A = arith.constant dense<0.000000e+00> : vector<1024xf32>
    %reduce_sum3A_16 = vector.multi_reduction <add>, %select_n3A, %reduce_sum3A [1] : vector<1024x128xf32> to vector<1024xf32>
    %broadcast_in_dim3A_17 = vector.shape_cast %reduce_sum3A_16 : vector<1024xf32> to vector<1024x1xf32>
    %add3A_18 = arith.constant 1.000000e+00 : f32
    %add3A_19 = vector.broadcast %add3A_18 : f32 to vector<1024x1xf32>
    %add3A_20 = arith.addf %broadcast_in_dim3A_17, %add3A_19 : vector<1024x1xf32>
    %rsqrt3A = math.rsqrt %add3A_20 : vector<1024x1xf32>
    %get3A_21 = arith.constant 0 : index
    %get3A_22 = arith.constant 0 : index
    %get3A_23 = arith.constant 0 : index
    %get3A_24 = vector.load %arg1[%get3A_21, %get3A_22, %get3A_23] : memref<2x1024x128xf32, #tpu.memory_space<vmem>>, vector<1x1024x128xf32>
    %get3A_25 = vector.shape_cast %get3A_24 : vector<1x1024x128xf32> to vector<1024x128xf32>
    %slice3A_26 = vector.extract_strided_slice %get3A_25 {offsets = [0, 0], sizes = [1024, 64], strides = [1, 1]} : vector<1024x128xf32> to vector<1024x64xf32>
    %get3A_27 = arith.constant 1 : index
    %get3A_28 = arith.constant 0 : index
    %get3A_29 = arith.constant 0 : index
    %get3A_30 = vector.load %arg1[%get3A_27, %get3A_28, %get3A_29] : memref<2x1024x128xf32, #tpu.memory_space<vmem>>, vector<1x1024x128xf32>
    %get3A_31 = vector.shape_cast %get3A_30 : vector<1x1024x128xf32> to vector<1024x128xf32>
    %slice3A_32 = vector.extract_strided_slice %get3A_31 {offsets = [0, 0], sizes = [1024, 64], strides = [1, 1]} : vector<1024x128xf32> to vector<1024x64xf32>
    %add3A_33 = arith.addf %slice3A_26, %slice3A_32 : vector<1024x64xf32>
    %mul3A = vector.broadcast %rsqrt3A : vector<1024x1xf32> to vector<1024x64xf32>
    %mul3A_34 = arith.mulf %mul3A, %add3A_33 : vector<1024x64xf32>
    %reduce_max3A = arith.constant dense<0xFF800000> : vector<1024xf32>
    %reduce_max3A_35 = vector.multi_reduction <maximumf>, %mul3A_34, %reduce_max3A [1] : vector<1024x64xf32> to vector<1024xf32>
    %broadcast_in_dim3A_36 = vector.shape_cast %reduce_max3A_35 : vector<1024xf32> to vector<1024x1xf32>
    %sub3A = vector.broadcast %broadcast_in_dim3A_36 : vector<1024x1xf32> to vector<1024x64xf32>
    %sub3A_37 = arith.subf %mul3A_34, %sub3A : vector<1024x64xf32>
    %exp3A = math.exp %sub3A_37 : vector<1024x64xf32>
    %reduce_sum3A_38 = arith.constant dense<0.000000e+00> : vector<1024xf32>
    %reduce_sum3A_39 = vector.multi_reduction <add>, %exp3A, %reduce_sum3A_38 [1] : vector<1024x64xf32> to vector<1024xf32>
    %broadcast_in_dim3A_40 = vector.shape_cast %reduce_sum3A_39 : vector<1024xf32> to vector<1024x1xf32>
    %sub3A_41 = vector.broadcast %broadcast_in_dim3A_36 : vector<1024x1xf32> to vector<1024x64xf32>
    %sub3A_42 = arith.subf %mul3A_34, %sub3A_41 : vector<1024x64xf32>
    %log3A = math.log %broadcast_in_dim3A_40 : vector<1024x1xf32>
    %sub3A_43 = vector.broadcast %log3A : vector<1024x1xf32> to vector<1024x64xf32>
    %sub3A_44 = arith.subf %sub3A_42, %sub3A_43 : vector<1024x64xf32>
    %swap3A = arith.constant 0 : index
    %swap3A_45 = arith.constant 0 : index
    %swap3A_46 = vector.load %arg3[%swap3A, %swap3A_45] : memref<1024x64xf32, #tpu.memory_space<vmem>>, vector<1024x64xf32>
    tpu.vector_store %arg3[%swap3A, %swap3A_45], %sub3A_44 {strides = array<i32>} : memref<1024x64xf32, #tpu.memory_space<vmem>>, vector<1024x64xf32>,
    return
  }
  func.func @transform_0(%arg0: i32) -> (i32, i32, i32) {
    %c0_i32 = arith.constant 0 : i32
    %c0_i32_0 = arith.constant 0 : i32
    %c0_i32_1 = arith.constant 0 : i32
    return %c0_i32, %arg0, %c0_i32_0 : i32, i32, i32
  }
  func.func @transform_1(%arg0: i32) -> (i32, i32, i32) {
    %c0_i32 = arith.constant 0 : i32
    %c0_i32_0 = arith.constant 0 : i32
    %c0_i32_1 = arith.constant 0 : i32
    return %c0_i32, %arg0, %c0_i32_0 : i32, i32, i32
  }
  func.func @transform_2(%arg0: i32) -> (i32, i32) {
    %c0_i32 = arith.constant 0 : i32
    %c0_i32_0 = arith.constant 0 : i32
    return %arg0, %c0_i32 : i32, i32
  }
}

module attributes {stable_mosaic.version = 14 : i64} {
  func.func @_linear_body(%arg0: i32, %arg1: memref<1024x128xf32, #tpu.memory_space<vmem>>, %arg2: memref<128x128xf32, #tpu.memory_space<vmem>>, %arg3: memref<1x128xf32, #tpu.memory_space<vmem>>, %arg4: memref<2x8x128xf32, #tpu.memory_space<vmem>>, %arg5: memref<1024x128xf32, #tpu.memory_space<vmem>>) attributes {dimension_semantics = [#tpu.dimension_semantics<arbitrary>], iteration_bounds = array<i64: 10>, scalar_prefetch = 0 : i64, scratch_operands = 0 : i64, tpu.core_type = #tpu.core_type<tc>, window_params = [{transform_indices = @transform_0, window_bounds = array<i64: 1024, 128>}, {pipeline_mode = #tpu.pipeline_mode<synchronous>, transform_indices = @transform_1, window_bounds = array<i64: 128, 128>}, {pipeline_mode = #tpu.pipeline_mode<synchronous>, transform_indices = @transform_2, window_bounds = array<i64: 1, 128>}, {transform_indices = @transform_3, window_bounds = array<i64: 2, 8, 128>}, {transform_indices = @transform_4, window_bounds = array<i64: 1024, 128>}]} {
    %get3A = arith.constant 0 : index
    %get3A_0 = arith.constant 0 : index
    %get3A_1 = arith.constant 0 : index
    %get3A_2 = vector.load %arg4[%get3A, %get3A_0, %get3A_1] : memref<2x8x128xf32, #tpu.memory_space<vmem>>, vector<2x8x128xf32>
    %slice3A = vector.extract_strided_slice %get3A_2 {offsets = [0, 0, 0], sizes = [1, 8, 128], strides = [1, 1, 1]} : vector<2x8x128xf32> to vector<1x8x128xf32>
    %squeeze3A = vector.shape_cast %slice3A : vector<1x8x128xf32> to vector<8x128xf32>
    %slice3A_3 = vector.extract_strided_slice %get3A_2 {offsets = [1, 0, 0], sizes = [1, 8, 128], strides = [1, 1, 1]} : vector<2x8x128xf32> to vector<1x8x128xf32>
    %squeeze3A_4 = vector.shape_cast %slice3A_3 : vector<1x8x128xf32> to vector<8x128xf32>
    %add3A = arith.addf %squeeze3A, %squeeze3A_4 : vector<8x128xf32>
    %iota3A = tpu.iota {dimensions = array<i32: 0>} : vector<1024x1xi32>
    %iota3A_5 = tpu.iota {dimensions = array<i32: 1>} : vector<1024x8xi32>
    %shift_right_arithmetic3A = arith.constant 7 : i32
    %shift_right_arithmetic3A_6 = vector.broadcast %shift_right_arithmetic3A : i32 to vector<1024x1xi32>
    %shift_right_arithmetic3A_7 = arith.shrsi %iota3A, %shift_right_arithmetic3A_6 : vector<1024x1xi32>
    %eq3A = vector.broadcast %shift_right_arithmetic3A_7 : vector<1024x1xi32> to vector<1024x8xi32>
    %eq3A_8 = arith.cmpi eq, %iota3A_5, %eq3A : vector<1024x8xi32>
    %convert_element_type3A = arith.extui %eq3A_8 : vector<1024x8xi1> to vector<1024x8xi32>
    %convert_element_type3A_9 = arith.sitofp %convert_element_type3A : vector<1024x8xi32> to vector<1024x8xf32>
    %dot_general3A = arith.constant dense<0.000000e+00> : vector<1024x128xf32>
    %dot_general3A_10 = tpu.matmul %convert_element_type3A_9, %add3A, %dot_general3A {dimension_numbers = #tpu.dot_dimension_numbers<[1], [0], [0], [1], [0, 0, 1, 1], [], []>, transpose_lhs_hint = false} : vector<1024x8xf32>, vector<8x128xf32>, vector<1024x128xf32> -> vector<1024x128xf32>
    %iota3A_11 = tpu.iota {dimensions = array<i32: 1>} : vector<1024x128xi32>
    %and3A = arith.constant 127 : i32
    %and3A_12 = vector.broadcast %and3A : i32 to vector<1024x1xi32>
    %and3A_13 = arith.andi %iota3A, %and3A_12 : vector<1024x1xi32>
    %eq3A_14 = vector.broadcast %and3A_13 : vector<1024x1xi32> to vector<1024x128xi32>
    %eq3A_15 = arith.cmpi eq, %iota3A_11, %eq3A_14 : vector<1024x128xi32>
    %jit3A = arith.constant 0.000000e+00 : f32
    %broadcast_in_dim3A = vector.broadcast %jit3A : f32 to vector<1024x128xf32>
    %select_n3A = arith.select %eq3A_15, %dot_general3A_10, %broadcast_in_dim3A : vector<1024x128xi1>, vector<1024x128xf32>
    %reduce_sum3A = arith.constant dense<0.000000e+00> : vector<1024xf32>
    %reduce_sum3A_16 = vector.multi_reduction <add>, %select_n3A, %reduce_sum3A [1] : vector<1024x128xf32> to vector<1024xf32>
    %broadcast_in_dim3A_17 = vector.shape_cast %reduce_sum3A_16 : vector<1024xf32> to vector<1024x1xf32>
    %add3A_18 = arith.constant 1.000000e+00 : f32
    %add3A_19 = vector.broadcast %add3A_18 : f32 to vector<1024x1xf32>
    %add3A_20 = arith.addf %broadcast_in_dim3A_17, %add3A_19 : vector<1024x1xf32>
    %rsqrt3A = math.rsqrt %add3A_20 : vector<1024x1xf32>
    %get3A_21 = arith.constant 0 : index
    %get3A_22 = arith.constant 0 : index
    %get3A_23 = vector.load %arg1[%get3A_21, %get3A_22] : memref<1024x128xf32, #tpu.memory_space<vmem>>, vector<1024x128xf32>
    %get3A_24 = arith.constant 0 : index
    %get3A_25 = arith.constant 0 : index
    %get3A_26 = vector.load %arg2[%get3A_24, %get3A_25] : memref<128x128xf32, #tpu.memory_space<vmem>>, vector<128x128xf32>
    %dot_general3A_27 = arith.constant dense<0.000000e+00> : vector<1024x128xf32>
    %dot_general3A_28 = tpu.matmul %get3A_23, %get3A_26, %dot_general3A_27 {dimension_numbers = #tpu.dot_dimension_numbers<[1], [1], [0], [0], [0, 0, 1, 0], [], []>, transpose_lhs_hint = false} : vector<1024x128xf32>, vector<128x128xf32>, vector<1024x128xf32> -> vector<1024x128xf32>
    %get3A_29 = arith.constant 0 : index
    %get3A_30 = arith.constant 0 : index
    %get3A_31 = vector.load %arg3[%get3A_29, %get3A_30] : memref<1x128xf32, #tpu.memory_space<vmem>>, vector<1x128xf32>
    %add3A_32 = vector.broadcast %get3A_31 : vector<1x128xf32> to vector<1024x128xf32>
    %add3A_33 = arith.addf %dot_general3A_28, %add3A_32 : vector<1024x128xf32>
    %mul3A = arith.constant 1024 : i32
    %mul3A_34 = arith.muli %arg0, %mul3A : i32
    %iota3A_35 = tpu.iota {dimensions = array<i32: 0>} : vector<1024x1xi32>
    %add3A_36 = vector.broadcast %mul3A_34 : i32 to vector<1024x1xi32>
    %add3A_37 = arith.addi %add3A_36, %iota3A_35 : vector<1024x1xi32>
    %lt3A = arith.constant 10000 : i32
    %lt3A_38 = vector.broadcast %lt3A : i32 to vector<1024x1xi32>
    %lt3A_39 = arith.cmpi slt, %add3A_37, %lt3A_38 : vector<1024x1xi32>
    %mul3A_40 = vector.broadcast %rsqrt3A : vector<1024x1xf32> to vector<1024x128xf32>
    %mul3A_41 = arith.mulf %mul3A_40, %add3A_33 : vector<1024x128xf32>
    %jit3A_42 = arith.constant 0.000000e+00 : f32
    %broadcast_in_dim3A_43 = vector.shape_cast %lt3A_39 : vector<1024x1xi1> to vector<1024x1xi1>
    %broadcast_in_dim3A_44 = vector.broadcast %broadcast_in_dim3A_43 : vector<1024x1xi1> to vector<1024x128xi1>
    %broadcast_in_dim3A_45 = vector.broadcast %jit3A_42 : f32 to vector<1024x128xf32>
    %select_n3A_46 = arith.select %broadcast_in_dim3A_44, %mul3A_41, %broadcast_in_dim3A_45 : vector<1024x128xi1>, vector<1024x128xf32>
    %swap3A = arith.constant 0 : index
    %swap3A_47 = arith.constant 0 : index
    %swap3A_48 = vector.load %arg5[%swap3A, %swap3A_47] : memref<1024x128xf32, #tpu.memory_space<vmem>>, vector<1024x128xf32>
    tpu.vector_store %arg5[%swap3A, %swap3A_47], %select_n3A_46 {strides = array<i32>} : memref<1024x128xf32, #tpu.memory_space<vmem>>, vector<1024x128xf32>,
    return
  }
  func.func @transform_0(%arg0: i32) -> (i32, i32) {
    %c0_i32 = arith.constant 0 : i32
    %c0_i32_0 = arith.constant 0 : i32
    return %arg0, %c0_i32 : i32, i32
  }
  func.func @transform_1(%arg0: i32) -> (i32, i32) {
    %c0_i32 = arith.constant 0 : i32
    %c0_i32_0 = arith.constant 0 : i32
    %c0_i32_1 = arith.constant 0 : i32
    return %c0_i32, %c0_i32_0 : i32, i32
  }
  func.func @transform_2(%arg0: i32) -> (i32, i32) {
    %c0_i32 = arith.constant 0 : i32
    %c0_i32_0 = arith.constant 0 : i32
    %c0_i32_1 = arith.constant 0 : i32
    return %c0_i32, %c0_i32_0 : i32, i32
  }
  func.func @transform_3(%arg0: i32) -> (i32, i32, i32) {
    %c0_i32 = arith.constant 0 : i32
    %c0_i32_0 = arith.constant 0 : i32
    %c0_i32_1 = arith.constant 0 : i32
    return %c0_i32, %arg0, %c0_i32_0 : i32, i32, i32
  }
  func.func @transform_4(%arg0: i32) -> (i32, i32) {
    %c0_i32 = arith.constant 0 : i32
    %c0_i32_0 = arith.constant 0 : i32
    return %arg0, %c0_i32 : i32, i32
  }
}

</mosaic_0001>

<sc_bundles>
// kernel: kernel.6.cloned.1.call-start
scs
__scs_entry_jumppad:
0x0: {  	(pc) =	sbr.rel $0x88, $3  }
0x1: {  	(tag) =	ssettag $0x0;
	lr =	simm.s32 $0x1  }
0x2: {  	[smem:$0x3F9D] =	sst lr;
	_ =	strace $0xD0000000  }
0x3: {  	_ = 	snop  }
0x4: {  	_ = 	snop  }
0x5: {  	_ = 	snop  }
0x6: {  	_ = 	snop  }
0x7: {  	_ = 	snop  }
__scs_overlays_trampoline_lowered:
0x8: {  	[smem:$0x3FAC] =	sst s0  }
0x9: {  	[smem:$0x3FAD] =	sst s1  }
0xa: {  	[smem:$0x3FAE] =	sst s2  }
0xb: {  	[smem:$0x3FAF] =	sst s3  }
0xc: {  	[smem:$0x3FB0] =	sst s4  }
0xd: {  	[smem:$0x3FB1] =	sst s5  }
0xe: {  	[smem:$0x3FB2] =	sst s6  }
0xf: {  	[smem:$0x3FB3] =	sst s7  }
0x10: {  	[smem:$0x3FB4] =	sst s8  }
0x11: {  	[smem:$0x3FB5] =	sst s9;
	s0 =	simm.s32 @!p0 $0x0  }
0x12: {  	s1 =	sld [smem:$0x3F9B];
	s0 =	simm.s32 @p0 $0x1  }
0x13: {  	[smem:$0x3FB6] =	sst s0;
	s0 =	simm.s32 @!p1 $0x0  }
0x14: {  	s2 =	sld [smem:$0x3F9A];
	s0 =	simm.s32 @p1 $0x1  }
0x15: {  	[smem:$0x3FB7] =	sst s0;
	s0 =	simm.s32 @!p2 $0x0  }
0x16: {  	s3 =	sld [smem:$0x3FDB];
	s0 =	simm.s32 @p2 $0x1  }
0x17: {  	s4 =	simm.s32 $0x1BF5;
	[smem:$0x3FB9] =	sst s0  }
0x18: {  	s0 =	sld [smem:$0x3F9C];
	_ =	swait.ge [sflag:s4], $0x0  }
0x19: {  	s7 =	sld [smem:$0x3F9D]  }
0x1a: {  	s8 =	sadd.s32 $0xFFFFE003, lr  }
0x1b: {  	s9 =	sadd.s32 $0xFFFFFEF7, lr;
	s5 =	simm.s32 $0xFFFFFFFF;
	p2 =	slt.u32 s8, $0xFFFFF086  }
0x1c: {  	p1 =	slt.u32 s9, $0xF7A;
	s5 =	simm.s32 @!p2 $0x0  }
0x1d: {  	s5 =	simm.s32 @p1 $0x1;
	p0 =	seq.s32 s7, s2  }
0x1e: {  	s7 =	smul.u32 @!p0 $0xF7A, s2;
	p2 =	seq.s32 @!p0 s5, $0x0  }
0x1f: {  	s9 =	smul.u32 $0xF7A, s1;
	s8 =	simm.s32 @!p0 $0x1BF5;
	p2 =	por !p2, p0  }
0x20: {  	[sflag:s8] =	ssyncset.s32 @!p0 $0xFFFFF086;
	s6 =	sadd.s32 @!p0 s3, s7;
	s7 =	simm.s32 @!p0 $0x108  }
0x21: {  	s3 =	sadd.s32 s3, s9;
	s6 =	sadd.s32 @!p0 $0x88, s6;
	s7 =	simm.s32 @p2 $0x1082  }
0x22: {  	[simem:s7], [sflag:s8] =	dma.local @!p0 [hbm:s6], $0xF7A  }
0x23: {  	s9 =	sor.u32 $0xD0000000, s2;
	s6 =	simm.s32 $0x108;
	_ =	swait.ge @!p0 [sflag:s8], $0x0  }
0x24: {  	s3 =	sadd.s32 $0x88, s3;
	s6 =	simm.s32 @!p1 $0x1082;
	[sflag:s4] =	ssyncset.s32 $0xFFFFF086  }
0x25: {  	[simem:s6], [sflag:s4] =	dma.local [hbm:s3], $0xF7A  }
0x26: {  	[smem:$0x3F9D] =	sst s1;
	(tag) =	ssettag s2;
	_ =	strace s9  }
0x27: {  	s1 =	sld [smem:$0x3FAD]  }
0x28: {  	s2 =	sld [smem:$0x3FAE]  }
0x29: {  	s4 =	sld [smem:$0x3FB0]  }
0x2a: {  	p0 =	seq.s32 s5, $0x0;
	s5 =	sld [smem:$0x3FB1]  }
0x2b: {  	s6 =	sld [smem:$0x3FB2]  }
0x2c: {  	s7 =	sld [smem:$0x3FB3]  }
0x2d: {  	s3 =	simm.s32 $0x108;
	s8 =	sld [smem:$0x3FB4]  }
0x2e: {  	s3 =	simm.s32 @!p0 $0x1082;
	s9 =	sld [smem:$0x3FB5]  }
0x2f: {  	lr =	sadd.s32 s0, s3;
	s0 =	sld [smem:$0x3FAC]  }
0x30: {  	s3 =	sld [smem:$0x3FAF]  }
0x31: {  	[smem:$0x3FB8] =	sst s10  }
0x32: {  	s10 =	sld [smem:$0x3FB6];
	_ =	sdelay $0x3  }
0x33: {  	p0 =	seq.s32 s10, $0x1;
	s10 =	sld [smem:$0x3FB8];
	_ =	sdelay $0x3  }
0x34: {  	[smem:$0x3FB8] =	sst s10  }
0x35: {  	s10 =	sld [smem:$0x3FB7];
	_ =	sdelay $0x3  }
0x36: {  	p1 =	seq.s32 s10, $0x1;
	s10 =	sld [smem:$0x3FB8];
	_ =	sdelay $0x3  }
0x37: {  	[smem:$0x3FB8] =	sst s10  }
0x38: {  	s10 =	sld [smem:$0x3FB9]  }
0x39: {  	_ = 	snop;
	(pc) =	sbr.ind lr, $3  }
0x3a: {  	_ = 	snop  }
0x3b: {  	_ = 	snop  }
0x3c: {  	p2 =	seq.s32 s10, $0x1;
	s10 =	sld [smem:$0x3FB8]  }
0x3d: {  	_ =	shalt  }
0x3e: {  	_ =	shalt  }
0x3f: {  	_ =	shalt  }
0x40: {  	_ =	shalt  }
0x41: {  	_ =	shalt  }
0x42: {  	_ =	shalt  }
0x43: {  	_ =	shalt  }
0x44: {  	_ =	shalt  }
0x45: {  	_ =	shalt  }
0x46: {  	_ =	shalt  }
0x47: {  	_ =	shalt  }
0x48: {  	_ =	shalt  }
0x49: {  	_ =	shalt  }
0x4a: {  	_ =	shalt  }
0x4b: {  	_ =	shalt  }
0x4c: {  	_ =	shalt  }
0x4d: {  	_ =	shalt  }
0x4e: {  	_ =	shalt  }
0x4f: {  	_ =	shalt  }
0x50: {  	_ =	shalt  }
0x51: {  	_ =	shalt  }
0x52: {  	_ =	shalt  }
0x53: {  	_ =	shalt  }
0x54: {  	_ =	shalt  }
0x55: {  	_ =	shalt  }
0x56: {  	_ =	shalt  }
0x57: {  	_ =	shalt  }
0x58: {  	_ =	shalt  }
0x59: {  	_ =	shalt  }
0x5a: {  	_ =	shalt  }
0x5b: {  	_ =	shalt  }
0x5c: {  	_ =	shalt  }
0x5d: {  	_ =	shalt  }
0x5e: {  	_ =	shalt  }
0x5f: {  	_ =	shalt  }
0x60: {  	_ =	shalt  }
0x61: {  	_ =	shalt  }
0x62: {  	_ =	shalt  }
0x63: {  	_ =	shalt  }
0x64: {  	_ =	shalt  }
0x65: {  	_ =	shalt  }
0x66: {  	_ =	shalt  }
0x67: {  	_ =	shalt  }
0x68: {  	_ =	shalt  }
0x69: {  	_ =	shalt  }
0x6a: {  	_ =	shalt  }
0x6b: {  	_ =	shalt  }
0x6c: {  	_ =	shalt  }
0x6d: {  	_ =	shalt  }
0x6e: {  	_ =	shalt  }
0x6f: {  	_ =	shalt  }
0x70: {  	_ =	shalt  }
0x71: {  	_ =	shalt  }
0x72: {  	_ =	shalt  }
0x73: {  	_ =	shalt  }
0x74: {  	_ =	shalt  }
0x75: {  	_ =	shalt  }
0x76: {  	_ =	shalt  }
0x77: {  	_ =	shalt  }
0x78: {  	_ =	shalt  }
0x79: {  	_ =	shalt  }
0x7a: {  	_ =	shalt  }
0x7b: {  	_ =	shalt  }
0x7c: {  	_ =	shalt  }
0x7d: {  	_ =	shalt  }
0x7e: {  	_ =	shalt  }
0x7f: {  	_ =	shalt  }
0x80: {  	_ =	shalt  }
0x81: {  	_ =	shalt  }
0x82: {  	_ =	shalt  }
0x83: {  	_ =	shalt  }
0x84: {  	_ =	shalt  }
0x85: {  	_ =	shalt  }
0x86: {  	_ =	shalt  }
0x87: {  	_ =	shalt  }
.Lfunc_end0:
.L_simem_size_0:
called_computation_lowered:
.L_overlay_start_0:
0x88: {  	s2 =	sld [smem:$0x3FD9]  }
0x89: {  	s3 =	sld [smem:$0x3FFE];
	_ =	sdelay $0x1  }
0x8a: {  	s1 =	srdreg.scid  }
0x8b: {  	s0 =	sand.u32 $0x1, s1  }
0x8c: {  	s17 =	sshll.u32 s0, $0xA;
	s2 =	sadd.s32 s3, s2  }
0x8d: {  	s2 =	sadd.s32 s2, s17  }
0x8e: {  	[smem:$0x3FC4] =	sst s2  }
0x8f: {  	_ = 	snop  }
0x90: {  	s2 =	sld [smem:$0x3FD0];
	(tm) =	ssettm $0x1  }
0x91: {  	s18 =	sld [smem:$0x3FFB];
	_ =	sdelay $0x3  }
0x92: {  	_ =	strace s18  }
0x93: {  	s3 =	sld [smem:$0x3FFC];
	_ =	sdelay $0x3  }
0x94: {  	_ =	strace s3  }
0x95: {  	s3 =	sld [smem:$0x3FFD];
	_ =	sdelay $0x3  }
0x96: {  	_ =	strace s3  }
0x97: {  	_ =	strace $0x8FFFFFFF  }
0x98: {  	s19 =	sld [smem:$0x3FDB];
	_ =	sdelay $0x1  }
0x99: {  	s4 =	simm.s32 $_scs_section_size  }
0x9a: {  	s5 =	simm.s32 $_size__tile_overlayer_lowered;
	s6 =	simm.s32 $_tile_overlayer_lowered  }
0x9b: {  	s22 =	simm.s32 $0x1BFF;
	s21 =	sshll.u32 s6, $0x1;
	s3 =	sadd.s32 s4, s19  }
0x9c: {  	s7 =	simm.s32 $0x0;
	s20 =	sshll.u32 s5, $0x1;
	s5 =	sadd.s32 s21, s3  }
0x9d: {  	[timem:s7], [sflag:s22] =	dma.local [hbm:s5], s20  }
0x9e: {  	_ =	swait.ge [sflag:s22], s20  }
0x9f: {  	s4 =	ssub.s32 $0x0, s20;
	[sflag:s22] =	ssyncset.done $0x0  }
0xa0: {  	[sflag:s22] =	ssyncadd.s32 s4;
	_ =	sdelay $0x1  }
0xa1: {  	s23 =	simm.s32 $0x1B8B  }
0xa2: {  	_ =	swait.ge [sflag:s23], $0x1  }
0xa3: {  	[sflag:s23] =	ssyncset.done $0x0  }
0xa4: {  	s25 =	simm.s32 $0x1B8E;
	s24 =	sld [smem:$0x3FFE];
	[sflag:s23] =	ssyncadd.s32 $0xFFFFFFFF  }
0xa5: {  	s26 =	simm.s32 $execute0_lowered;
	[smem:$0x3FD2] =	sst s25  }
0xa6: {  	s5 =	sshll.u32 s26, $0x1;
	_ =	strace $0x80000046;
	[dreg:$0x1] =	wrdreg $0xFFFFFFFF  }
0xa7: {  	s28 =	simm.s32 $_size_execute0_lowered;
	s3 =	sadd.s32 s3, s5;
	[dreg:$0x0] =	wrdreg $0x0  }
0xa8: {  	s5 =	sshll.u32 s28, $0x1;
	[dreg:$0x2] =	wrdreg s3  }
0xa9: {  	[dreg:$0x3] =	wrdreg s5  }
0xaa: {  	[dreg:$0x4] =	wrdreg $0xC0  }
0xab: {  	_ =	task [dreg:s7], $0x5FFFF  }
0xac: {  	[dreg:$0x1] =	wrdreg $0xFFFFFFFF  }
0xad: {  	[dreg:$0x0] =	wrdreg $0x60  }
0xae: {  	[dreg:$0x2] =	wrdreg s2  }
0xaf: {  	[dreg:$0x3] =	wrdreg s24  }
0xb0: {  	[dreg:$0x4] =	wrdreg $0x7A500  }
0xb1: {  	[dreg:$0x5] =	wrdreg $0x9  }
0xb2: {  	_ =	task.clear_ibuf [dreg:s7], $0x6FFFF;
	_ =	strace $0x90000046  }
0xb3: {  	s29 =	simm.s32 $0x9;
	_ =	strace $0x80000048  }
0xb4: {  	_ =	swait.ge [sflag:s29], $0x1  }
0xb5: {  	[sflag:s29] =	ssyncadd.s32 $0xFFFFFFFF  }
0xb6: {  	_ =	strace $0x90000048  }
0xb7: {  	_ =	sfence  }
0xb8: {  	s30 =	sld [smem:$0x0];
	_ =	sdelay $0x2  }
0xb9: {  	s31 =	sshll.u32 s1, $0xD;
	s1 =	sshrl.u32 s1, $0x2  }
0xba: {  	s3 =	sand.u32 $0x4000, s31;
	s1 =	sadd.s32 s1, s30  }
0xbb: {  	s0 =	sor.u32 s3, s0;
	s1 =	sshll.u32 s1, $0x11  }
0xbc: {  	s0 =	sor.u32 s1, s0  }
0xbd: {  	s0 =	sadd.s32 $0x8F2B, s0  }
0xbe: {  	[sflag:s0] =	ssyncadd.remote.s32 $0x1  }
0xbf: {  	_ =	sfence.sel $0xFFFF  }
0xc0: {  	[dreg:$0x0] =	wrdreg $0xFFFFFFFF;
	(pc) =	sbr.abs _section_cstart, $3  }
0xc1: {  	[dreg:$0x1] =	wrdreg $0xFFFFFFFF  }
0xc2: {  	_ =	task.clear_ibuf [dreg:s7], $0x2FFFF;
	_ =	strace $0x9FFFFFFF  }
0xc3: {  	(tm) =	ssettm $0x7FFFFFFF  }
tec
execute0_lowered:
.L_overlay_start_1:
0x0: {  	(tag) =	ssettag $0x1  }
0x1: {  	s6 =	rddreg [dreg:$0x0]  }
0x2: {  	s1 =	srdreg.scid;
	s4 =	rddreg [dreg:$0x1]  }
0x3: {  	s0 =	stileid.u32;
	s2 =	rddreg [dreg:$0x2]  }
0x4: {  	s3 =	simm.s32 $0x0;
	s13 =	simm.s32 $0x4C;
	s14 =	simm.s32 $0x50  }
0x5: {  	s15 =	simm.s32 $0x7A00;
	s16 =	simm.s32 $0x0;
	s7 =	smul.u32 $0x280, s0  }
0x6: {  	s5 =	sand.u32 $0x1, s1;
	s1 =	rddreg [dreg:$0x3];
	s9 =	smul.u32 $0x12, s0  }
0x7: {  	[smem:$0x7FF] =	sst s3;
	s10 =	smul.u32 $0x14, s0;
	s11 =	smin.u32 s0, $0xC  }
0x8: {  	s12 =	smin.u32 s0, $0x5;
	p1 =	slt.u32 s0, $0x5;
	s8 =	smul.u32 $0x2800, s5  }
0x9: {  	_ =	strace $0x80000047;
	p0 =	seq.s32 s5, $0x0;
	s5 =	ssub.s32 $0x2, s5  }
0xa: {  	s9 =	sadd.s32 s11, s9;
	s10 =	sadd.s32 s12, s10;
	s29 =	sshrl.u32 s5, $0x1  }
0xb: {  	s12 =	simm.s32 $0x54;
	s11 =	simm.s32 $0x5200;
	s8 =	sadd.s32 s7, s8  }
0xc: {  	s9 =	sshll.u32 s9, $0x2;
	s10 =	sshll.u32 s10, $0x2;
	s30 =	ssub.s32 s5, s29  }
0xd: {  	s12 =	simm.s32 @!p1 $0x50;
	p1 =	slt.u32 s0, $0xC;
	s9 =	sadd.s32 $0x514, s9  }
0xe: {  	s8 =	sshrl.u32 s8, $0x3;
	s13 =	simm.s32 @!p1 $0x48;
	s9 =	smov.u32 @p0 s10  }
0xf: {  	s8 =	sadd.s32 s8, s4;
	s4 =	sadd.s32 s7, s2;
	s10 =	smin.u32 s9, $0x970  }
0x10: {  	s13 =	smov.u32 @p0 s12;
	s12 =	simm.s32 $0x1;
	s31 =	sshll.u32 s10, $0x4  }
0x11: {  	s5 =	ssub.s32 s9, s10;
	s9 =	sshll.u32 s9, $0x9;
	s10 =	sshll.u32 s10, $0x9  }
0x12: {  	v0 =	vlaneseq.u32;
	s8 =	sadd.s32 $0x1A00, s8;
	s6 =	sadd.s32 s31, s6;
	s9 =	ssub.s32 s9, s10  }
0x13: {  	v1 =	vimm.f32 $0.0e+00;
	v6 =	vimm.f32 $1.000000000e+00;
	v2 =	vor.u32 $0x10, v0;
	s7 =	sadd.s32 s13, s5;
	s13 =	simm.s32 $0x2A00;
	s10 =	sor.u32 $0x100, s9  }
0x14: {  	v3 =	vor.u32 $0x20, v0;
	v4 =	vor.u32 $0x30, v0;
	v5 =	vor.u32 $0x40, v0;
	s6 =	sadd.s32 $0x9C40, s6;
	s9 =	smax.u32 s30, $0x1;
	s10 =	sshra.s32 s10, $0x2  }
.LBB2_1:
0x15: {  	s17 =	simm.s32 $0x0;
	s18 =	simm.s32 $0x200  }
.LBB2_2:
0x16: {  	p0 =	sne.s32 s18, $0x9E00;
	[tilespmem:s17+$0x5270] =	vst v1  }
0x17: {  	[tilespmem:s17+$0x2A00] =	vst v1  }
0x18: {  	[tilespmem:s17+$0x5200] =	vst v1  }
0x19: {  	[tilespmem:s17+$0x2A10] =	vst v1  }
0x1a: {  	[tilespmem:s17+$0x5210] =	vst v1  }
0x1b: {  	[tilespmem:s17+$0x2A20] =	vst v1  }
0x1c: {  	[tilespmem:s17+$0x5220] =	vst v1  }
0x1d: {  	[tilespmem:s17+$0x2A30] =	vst v1  }
0x1e: {  	[tilespmem:s17+$0x5230] =	vst v1  }
0x1f: {  	[tilespmem:s17+$0x2A40] =	vst v1  }
0x20: {  	[tilespmem:s17+$0x5240] =	vst v1  }
.Ltmp0:
0x21: {  	[tilespmem:s17+$0x2A50] =	vst v1;
	(pc) =	sbr.rel @p0 .LBB2_2-.Ltmp0, $4  }
0x22: {  	[tilespmem:s17+$0x5250] =	vst v1  }
0x23: {  	[tilespmem:s17+$0x2A60] =	vst v1  }
0x24: {  	[tilespmem:s17+$0x5260] =	vst v1  }
0x25: {  	[tilespmem:s17+$0x2A70] =	vst v1;
	s17 =	sshra.s32 s18, $0x2;
	s18 =	sadd.s32 $0x200, s18  }
0x26: {  	[tilespmem:s17+$0x5270] =	vst v1  }
0x27: {  	[tilespmem:s17+$0x2A00] =	vst v1  }
0x28: {  	[tilespmem:s17+$0x5200] =	vst v1  }
0x29: {  	[tilespmem:s17+$0x2A10] =	vst v1  }
0x2a: {  	[tilespmem:s17+$0x5210] =	vst v1  }
0x2b: {  	[tilespmem:s17+$0x2A20] =	vst v1  }
0x2c: {  	[tilespmem:s17+$0x5220] =	vst v1  }
0x2d: {  	[tilespmem:s17+$0x2A30] =	vst v1  }
0x2e: {  	[tilespmem:s17+$0x5230] =	vst v1  }
0x2f: {  	[tilespmem:s17+$0x2A40] =	vst v1  }
0x30: {  	[tilespmem:s17+$0x5240] =	vst v1  }
0x31: {  	[tilespmem:s17+$0x2A50] =	vst v1  }
0x32: {  	[tilespmem:s17+$0x5250] =	vst v1  }
0x33: {  	[tilespmem:s17+$0x2A60] =	vst v1  }
0x34: {  	[tilespmem:s17+$0x5260] =	vst v1  }
0x35: {  	[tilespmem:s17+$0x2A70] =	vst v1  }
0x36: {  	[tilespmem:$0x7A00] =	vst v0  }
0x37: {  	[tilespmem:$0x7A10] =	vst v2  }
0x38: {  	[tilespmem:$0x7A20] =	vst v3  }
0x39: {  	[tilespmem:$0x7A30] =	vst v4  }
0x3a: {  	[tilespmem:$0x7A40] =	vst v5  }
0x3b: {  	[spmem:s4] =	stream.linear.scatter [tilespmem:s11], [sflag:$0x1], $0x280, $0x38;
	[tilespmem:$0x7CD0] =	vst v63  }
0x3c: {  	_ =	swait.ge [sflag:s12], $0x280  }
0x3d: {  	[sflag:s12] =	ssyncset.done $0x0  }
0x3e: {  	[sflag:s12] =	ssyncadd.s32 $0xFFFFFD80  }
0x3f: {  	[tilespmem:s3], [sflag:$0x1] =	stream.linear.gather [hbm4b:s6+s3], $0x2A00, $0x38;
	[tilespmem:$0x7CD0] =	vst v63  }
0x40: {  	_ =	swait.ge [sflag:s12], $0x2A00  }
0x41: {  	[sflag:s12] =	ssyncset.done $0x0  }
0x42: {  	[sflag:s12] =	ssyncadd.s32 $0xFFFFD600  }
0x43: {  	s17 =	smov.u32 s10;
	s18 =	smov.u32 s5;
	[bflag:$0x0] =	sbarrier.arrive $0xFFFF  }
.LBB2_4:
0x44: {  	v7 =	vld [tilespmem:s17+$0xFFFFFFC0];
	_ =	sdelay $0x7  }
0x45: {  	[tilespmem:v7+s13+$0x0] =	vst.idx.add.f32.msk $0xffff, v6  }
0x46: {  	v7 =	vld [tilespmem:s17+$0xFFFFFFD0];
	_ =	sdelay $0x7  }
0x47: {  	[tilespmem:v7+s13+$0x0] =	vst.idx.add.f32.msk $0xffff, v6  }
0x48: {  	v7 =	vld [tilespmem:s17+$0xFFFFFFE0];
	_ =	sdelay $0x7  }
0x49: {  	[tilespmem:v7+s13+$0x0] =	vst.idx.add.f32.msk $0xffff, v6  }
0x4a: {  	v7 =	vld [tilespmem:s17+$0xFFFFFFF0];
	_ =	sdelay $0x7  }
0x4b: {  	[tilespmem:v7+s13+$0x0] =	vst.idx.add.f32.msk $0xffff, v6  }
0x4c: {  	v7 =	vld [tilespmem:s17+$0x0];
	_ =	sdelay $0x7  }
0x4d: {  	[tilespmem:v7+s13+$0x0] =	vst.idx.add.f32.msk $0xffff, v6  }
0x4e: {  	v7 =	vld [tilespmem:s17+$0x10];
	_ =	sdelay $0x7  }
0x4f: {  	[tilespmem:v7+s13+$0x0] =	vst.idx.add.f32.msk $0xffff, v6  }
0x50: {  	v7 =	vld [tilespmem:s17+$0x20];
	_ =	sdelay $0x7  }
0x51: {  	[tilespmem:v7+s13+$0x0] =	vst.idx.add.f32.msk $0xffff, v6  }
0x52: {  	v7 =	vld [tilespmem:s17+$0x30];
	_ =	sdelay $0x1  }
0x53: {  	s18 =	sadd.s32 $0x1, s18  }
0x54: {  	p0 =	slt.s32 s18, s7  }
.Ltmp1:
0x55: {  	_ = 	snop;
	(pc) =	sbr.rel @p0 .LBB2_4-.Ltmp1, $2  }
0x56: {  	_ =	sdelay $0x2  }
0x57: {  	s17 =	sadd.s32 $0x80, s17;
	[tilespmem:v7+s13+$0x0] =	vst.idx.add.f32.msk $0xffff, v6  }
0x58: {  	s17 =	simm.s32 $0x0  }
0x59: {  	v10 =	vld [tilespmem:s17+$0x2A70]  }
0x5a: {  	v11 =	vld [tilespmem:s17+$0x2A00]  }
0x5b: {  	v12 =	vld [tilespmem:s17+$0x2A10]  }
0x5c: {  	v9 =	vld [tilespmem:s17+$0x2A20]  }
0x5d: {  	v7 =	vld [tilespmem:s17+$0x2A30]  }
0x5e: {  	v8 =	vld [tilespmem:s17+$0x2A40];
	[tilespmem:s17+$0x5270] =	vst v10  }
0x5f: {  	[tilespmem:s17+$0x5200] =	vst v11;
	v10 =	vld [tilespmem:s17+$0x2A50]  }
0x60: {  	s18 =	simm.s32 $0x80;
	s19 =	simm.s32 $0x400;
	[tilespmem:s17+$0x5210] =	vst v12;
	v11 =	vld [tilespmem:s17+$0x2A60]  }
.LBB2_6:
0x61: {  	p0 =	sne.s32 s19, $0x9E00;
	v12 =	vld [tilespmem:s18+$0x2A70];
	[tilespmem:s17+$0x5220] =	vst v9  }
0x62: {  	v13 =	vld [tilespmem:s18+$0x2A00];
	[tilespmem:s17+$0x5230] =	vst v7  }
0x63: {  	v14 =	vld [tilespmem:s18+$0x2A10];
	[tilespmem:s17+$0x5240] =	vst v8  }
.Ltmp2:
0x64: {  	v9 =	vld [tilespmem:s18+$0x2A20];
	[tilespmem:s17+$0x5250] =	vst v10;
	(pc) =	sbr.rel @p0 .LBB2_6-.Ltmp2, $4  }
0x65: {  	v7 =	vld [tilespmem:s18+$0x2A30];
	[tilespmem:s17+$0x5260] =	vst v11;
	s17 =	smov.u32 s18  }
0x66: {  	v8 =	vld [tilespmem:s17+$0x2A40];
	[tilespmem:s17+$0x5270] =	vst v12  }
0x67: {  	[tilespmem:s17+$0x5200] =	vst v13;
	v10 =	vld [tilespmem:s17+$0x2A50]  }
0x68: {  	s18 =	sshra.s32 s19, $0x2;
	s19 =	sadd.s32 $0x200, s19;
	[tilespmem:s17+$0x5210] =	vst v14;
	v11 =	vld [tilespmem:s17+$0x2A60]  }
0x69: {  	v12 =	vld [tilespmem:s18+$0x2A70];
	[tilespmem:s17+$0x5220] =	vst v9  }
0x6a: {  	v9 =	vld [tilespmem:s18+$0x2A00];
	[tilespmem:s17+$0x5230] =	vst v7  }
0x6b: {  	v7 =	vld [tilespmem:s18+$0x2A10];
	[tilespmem:s17+$0x5240] =	vst v8  }
0x6c: {  	v8 =	vld [tilespmem:s18+$0x2A20];
	[tilespmem:s17+$0x5250] =	vst v10  }
0x6d: {  	v10 =	vld [tilespmem:s18+$0x2A30];
	[tilespmem:s17+$0x5260] =	vst v11  }
0x6e: {  	v11 =	vld [tilespmem:s18+$0x2A40];
	[tilespmem:s18+$0x5270] =	vst v12  }
0x6f: {  	v63 =	vld [tilespmem:s18+$0x2A50];
	[tilespmem:s18+$0x5200] =	vst v9  }
0x70: {  	[tilespmem:s18+$0x5210] =	vst v7;
	v7 =	vld [tilespmem:s18+$0x2A60]  }
0x71: {  	[tilespmem:s18+$0x5220] =	vst v8  }
0x72: {  	[tilespmem:s18+$0x5230] =	vst v10  }
0x73: {  	[tilespmem:s18+$0x5240] =	vst v11  }
0x74: {  	[tilespmem:s18+$0x5250] =	vst v63  }
0x75: {  	[tilespmem:s18+$0x5260] =	vst v7  }
0x76: {  	[spmem:s2] =	stream.indirect.scatter.add.f32 [tilespmem:s11], [sflag:$0x1], $0x80, s15, s14, $0xb8;
	[tilespmem:$0x7CD0] =	vst v63  }
0x77: {  	_ =	swait.ge [sflag:s12], $0x2800  }
0x78: {  	[sflag:s12] =	ssyncset.done $0x0  }
0x79: {  	[sflag:s12] =	ssyncadd.s32 $0xFFFFD800  }
0x7a: {  	[bflag:$0x0] =	sbarrier.arrive $0xFFFF  }
0x7b: {  	[tilespmem:s11], [sflag:$0x1] =	stream.linear.gather [spmem:s4], $0x280, $0x38;
	[tilespmem:$0x7CD0] =	vst v63  }
0x7c: {  	s16 =	sadd.s32 $0x1, s16;
	_ =	swait.ge [sflag:s12], $0x280  }
0x7d: {  	p0 =	sne.s32 s16, s9;
	[sflag:s12] =	ssyncset.done $0x0  }
.Ltmp3:
0x7e: {  	[sflag:s12] =	ssyncadd.s32 $0xFFFFFD80;
	(pc) =	sbr.rel @p0 .LBB2_1-.Ltmp3, $4  }
0x7f: {  	[hbm4b:s8+s3] =	stream.linear.scatter [tilespmem:s11], [sflag:$0x1], $0x280, $0x38;
	[tilespmem:$0x7CD0] =	vst v63  }
0x80: {  	_ =	swait.ge [sflag:s12], $0x280  }
0x81: {  	[sflag:s12] =	ssyncset.done $0x0  }
0x82: {  	[sflag:s12] =	ssyncadd.s32 $0xFFFFFD80  }
0x83: {  	_ =	sfence.sel $0x180000  }
0x84: {  	[bflag:$0x0] =	sbarrier.arrive $0xFFFF  }
0x85: {  	p0 =	sne.s32 s0, $0x0;
	_ =	strace $0x90000047  }
0x86: {  	s0 =	sadd.s32 @!p0 $0x100000, s1;
	[bflag:$0x2] =	sbarrier.arrive $0xFFFF  }
0x87: {  	[sflag:s0] =	ssyncadd.tile.s32 @!p0 $0x1;
	_ =	shalt  }
.Lfunc_end2:
_tile_overlayer_lowered:
.L_overlay_start_2:
0x88: {  	(tag) =	ssettag $0x2  }
0x89: {  	s0 =	rddreg [dreg:$0x0];
	s2 =	stileid.u32  }
0x8a: {  	s1 =	rddreg [dreg:$0x1];
	p0 =	sne.s32 s2, $0x0  }
0x8b: {  	s3 =	rddreg [dreg:$0x2];
	[bflag:$0x3] =	sbarrier.arrive $0xFFFF;
	s2 =	simm.s32 @!p0 $0x1C01  }
0x8c: {  	[timem:s3], [sflag:s2] =	dma.local @!p0 [hbm:s0], s1  }
0x8d: {  	s0 =	simm.s32 @!p0 $0x1  }
0x8e: {  	_ =	swait.ge @!p0 [sflag:s0], s1  }
0x8f: {  	s1 =	ssub.s32 @!p0 $0x0, s1;
	[sflag:s0] =	ssyncset.done @!p0 $0x0  }
0x90: {  	[sflag:s0] =	ssyncadd.s32 @!p0 s1  }
0x91: {  	[bflag:$0x3] =	sbarrier.arrive $0xFFFF  }
0x92: {  	_ =	shalt  }

// kernel: kernel.9.cloned.1.call-start
scs
__scs_entry_jumppad:
0x0: {  	(pc) =	sbr.rel $0x88, $3  }
0x1: {  	(tag) =	ssettag $0x0;
	lr =	simm.s32 $0x1  }
0x2: {  	[smem:$0x3F9D] =	sst lr;
	_ =	strace $0xD0000000  }
0x3: {  	_ = 	snop  }
0x4: {  	_ = 	snop  }
0x5: {  	_ = 	snop  }
0x6: {  	_ = 	snop  }
0x7: {  	_ = 	snop  }
__scs_overlays_trampoline_lowered:
0x8: {  	[smem:$0x3FAC] =	sst s0  }
0x9: {  	[smem:$0x3FAD] =	sst s1  }
0xa: {  	[smem:$0x3FAE] =	sst s2  }
0xb: {  	[smem:$0x3FAF] =	sst s3  }
0xc: {  	[smem:$0x3FB0] =	sst s4  }
0xd: {  	[smem:$0x3FB1] =	sst s5  }
0xe: {  	[smem:$0x3FB2] =	sst s6  }
0xf: {  	[smem:$0x3FB3] =	sst s7  }
0x10: {  	[smem:$0x3FB4] =	sst s8  }
0x11: {  	[smem:$0x3FB5] =	sst s9;
	s0 =	simm.s32 @!p0 $0x0  }
0x12: {  	s1 =	sld [smem:$0x3F9B];
	s0 =	simm.s32 @p0 $0x1  }
0x13: {  	[smem:$0x3FB6] =	sst s0;
	s0 =	simm.s32 @!p1 $0x0  }
0x14: {  	s2 =	sld [smem:$0x3F9A];
	s0 =	simm.s32 @p1 $0x1  }
0x15: {  	[smem:$0x3FB7] =	sst s0;
	s0 =	simm.s32 @!p2 $0x0  }
0x16: {  	s3 =	sld [smem:$0x3FDB];
	s0 =	simm.s32 @p2 $0x1  }
0x17: {  	s4 =	simm.s32 $0x1BF5;
	[smem:$0x3FB9] =	sst s0  }
0x18: {  	s0 =	sld [smem:$0x3F9C];
	_ =	swait.ge [sflag:s4], $0x0  }
0x19: {  	s7 =	sld [smem:$0x3F9D]  }
0x1a: {  	s8 =	sadd.s32 $0xFFFFE003, lr  }
0x1b: {  	s9 =	sadd.s32 $0xFFFFFEF7, lr;
	s5 =	simm.s32 $0xFFFFFFFF;
	p2 =	slt.u32 s8, $0xFFFFF086  }
0x1c: {  	p1 =	slt.u32 s9, $0xF7A;
	s5 =	simm.s32 @!p2 $0x0  }
0x1d: {  	s5 =	simm.s32 @p1 $0x1;
	p0 =	seq.s32 s7, s2  }
0x1e: {  	s7 =	smul.u32 @!p0 $0xF7A, s2;
	p2 =	seq.s32 @!p0 s5, $0x0  }
0x1f: {  	s9 =	smul.u32 $0xF7A, s1;
	s8 =	simm.s32 @!p0 $0x1BF5;
	p2 =	por !p2, p0  }
0x20: {  	[sflag:s8] =	ssyncset.s32 @!p0 $0xFFFFF086;
	s6 =	sadd.s32 @!p0 s3, s7;
	s7 =	simm.s32 @!p0 $0x108  }
0x21: {  	s3 =	sadd.s32 s3, s9;
	s6 =	sadd.s32 @!p0 $0x88, s6;
	s7 =	simm.s32 @p2 $0x1082  }
0x22: {  	[simem:s7], [sflag:s8] =	dma.local @!p0 [hbm:s6], $0xF7A  }
0x23: {  	s9 =	sor.u32 $0xD0000000, s2;
	s6 =	simm.s32 $0x108;
	_ =	swait.ge @!p0 [sflag:s8], $0x0  }
0x24: {  	s3 =	sadd.s32 $0x88, s3;
	s6 =	simm.s32 @!p1 $0x1082;
	[sflag:s4] =	ssyncset.s32 $0xFFFFF086  }
0x25: {  	[simem:s6], [sflag:s4] =	dma.local [hbm:s3], $0xF7A  }
0x26: {  	[smem:$0x3F9D] =	sst s1;
	(tag) =	ssettag s2;
	_ =	strace s9  }
0x27: {  	s1 =	sld [smem:$0x3FAD]  }
0x28: {  	s2 =	sld [smem:$0x3FAE]  }
0x29: {  	s4 =	sld [smem:$0x3FB0]  }
0x2a: {  	p0 =	seq.s32 s5, $0x0;
	s5 =	sld [smem:$0x3FB1]  }
0x2b: {  	s6 =	sld [smem:$0x3FB2]  }
0x2c: {  	s7 =	sld [smem:$0x3FB3]  }
0x2d: {  	s3 =	simm.s32 $0x108;
	s8 =	sld [smem:$0x3FB4]  }
0x2e: {  	s3 =	simm.s32 @!p0 $0x1082;
	s9 =	sld [smem:$0x3FB5]  }
0x2f: {  	lr =	sadd.s32 s0, s3;
	s0 =	sld [smem:$0x3FAC]  }
0x30: {  	s3 =	sld [smem:$0x3FAF]  }
0x31: {  	[smem:$0x3FB8] =	sst s10  }
0x32: {  	s10 =	sld [smem:$0x3FB6];
	_ =	sdelay $0x3  }
0x33: {  	p0 =	seq.s32 s10, $0x1;
	s10 =	sld [smem:$0x3FB8];
	_ =	sdelay $0x3  }
0x34: {  	[smem:$0x3FB8] =	sst s10  }
0x35: {  	s10 =	sld [smem:$0x3FB7];
	_ =	sdelay $0x3  }
0x36: {  	p1 =	seq.s32 s10, $0x1;
	s10 =	sld [smem:$0x3FB8];
	_ =	sdelay $0x3  }
0x37: {  	[smem:$0x3FB8] =	sst s10  }
0x38: {  	s10 =	sld [smem:$0x3FB9]  }
0x39: {  	_ = 	snop;
	(pc) =	sbr.ind lr, $3  }
0x3a: {  	_ = 	snop  }
0x3b: {  	_ = 	snop  }
0x3c: {  	p2 =	seq.s32 s10, $0x1;
	s10 =	sld [smem:$0x3FB8]  }
0x3d: {  	_ =	shalt  }
0x3e: {  	_ =	shalt  }
0x3f: {  	_ =	shalt  }
0x40: {  	_ =	shalt  }
0x41: {  	_ =	shalt  }
0x42: {  	_ =	shalt  }
0x43: {  	_ =	shalt  }
0x44: {  	_ =	shalt  }
0x45: {  	_ =	shalt  }
0x46: {  	_ =	shalt  }
0x47: {  	_ =	shalt  }
0x48: {  	_ =	shalt  }
0x49: {  	_ =	shalt  }
0x4a: {  	_ =	shalt  }
0x4b: {  	_ =	shalt  }
0x4c: {  	_ =	shalt  }
0x4d: {  	_ =	shalt  }
0x4e: {  	_ =	shalt  }
0x4f: {  	_ =	shalt  }
0x50: {  	_ =	shalt  }
0x51: {  	_ =	shalt  }
0x52: {  	_ =	shalt  }
0x53: {  	_ =	shalt  }
0x54: {  	_ =	shalt  }
0x55: {  	_ =	shalt  }
0x56: {  	_ =	shalt  }
0x57: {  	_ =	shalt  }
0x58: {  	_ =	shalt  }
0x59: {  	_ =	shalt  }
0x5a: {  	_ =	shalt  }
0x5b: {  	_ =	shalt  }
0x5c: {  	_ =	shalt  }
0x5d: {  	_ =	shalt  }
0x5e: {  	_ =	shalt  }
0x5f: {  	_ =	shalt  }
0x60: {  	_ =	shalt  }
0x61: {  	_ =	shalt  }
0x62: {  	_ =	shalt  }
0x63: {  	_ =	shalt  }
0x64: {  	_ =	shalt  }
0x65: {  	_ =	shalt  }
0x66: {  	_ =	shalt  }
0x67: {  	_ =	shalt  }
0x68: {  	_ =	shalt  }
0x69: {  	_ =	shalt  }
0x6a: {  	_ =	shalt  }
0x6b: {  	_ =	shalt  }
0x6c: {  	_ =	shalt  }
0x6d: {  	_ =	shalt  }
0x6e: {  	_ =	shalt  }
0x6f: {  	_ =	shalt  }
0x70: {  	_ =	shalt  }
0x71: {  	_ =	shalt  }
0x72: {  	_ =	shalt  }
0x73: {  	_ =	shalt  }
0x74: {  	_ =	shalt  }
0x75: {  	_ =	shalt  }
0x76: {  	_ =	shalt  }
0x77: {  	_ =	shalt  }
0x78: {  	_ =	shalt  }
0x79: {  	_ =	shalt  }
0x7a: {  	_ =	shalt  }
0x7b: {  	_ =	shalt  }
0x7c: {  	_ =	shalt  }
0x7d: {  	_ =	shalt  }
0x7e: {  	_ =	shalt  }
0x7f: {  	_ =	shalt  }
0x80: {  	_ =	shalt  }
0x81: {  	_ =	shalt  }
0x82: {  	_ =	shalt  }
0x83: {  	_ =	shalt  }
0x84: {  	_ =	shalt  }
0x85: {  	_ =	shalt  }
0x86: {  	_ =	shalt  }
0x87: {  	_ =	shalt  }
.Lfunc_end0:
.L_simem_size_0:
called_computation.1_lowered:
.L_overlay_start_0:
0x88: {  	s2 =	sld [smem:$0x3FD9]  }
0x89: {  	s3 =	sld [smem:$0x3FFE];
	_ =	sdelay $0x1  }
0x8a: {  	s1 =	srdreg.scid  }
0x8b: {  	s0 =	sand.u32 $0x1, s1  }
0x8c: {  	s17 =	sshll.u32 s0, $0xA;
	s2 =	sadd.s32 s3, s2  }
0x8d: {  	s2 =	sadd.s32 s2, s17  }
0x8e: {  	[smem:$0x3FC4] =	sst s2  }
0x8f: {  	_ = 	snop  }
0x90: {  	s2 =	sld [smem:$0x3FD0];
	(tm) =	ssettm $0x1  }
0x91: {  	s18 =	sld [smem:$0x3FFB];
	_ =	sdelay $0x3  }
0x92: {  	_ =	strace s18  }
0x93: {  	s3 =	sld [smem:$0x3FFC];
	_ =	sdelay $0x3  }
0x94: {  	_ =	strace s3  }
0x95: {  	s3 =	sld [smem:$0x3FFD];
	_ =	sdelay $0x3  }
0x96: {  	_ =	strace s3  }
0x97: {  	_ =	strace $0x8FFFFFFF  }
0x98: {  	s19 =	sld [smem:$0x3FDB];
	_ =	sdelay $0x1  }
0x99: {  	s4 =	simm.s32 $_scs_section_size  }
0x9a: {  	s5 =	simm.s32 $_size__tile_overlayer_lowered;
	s6 =	simm.s32 $_tile_overlayer_lowered  }
0x9b: {  	s22 =	simm.s32 $0x1BFF;
	s21 =	sshll.u32 s6, $0x1;
	s3 =	sadd.s32 s4, s19  }
0x9c: {  	s7 =	simm.s32 $0x0;
	s20 =	sshll.u32 s5, $0x1;
	s5 =	sadd.s32 s21, s3  }
0x9d: {  	[timem:s7], [sflag:s22] =	dma.local [hbm:s5], s20  }
0x9e: {  	_ =	swait.ge [sflag:s22], s20  }
0x9f: {  	s4 =	ssub.s32 $0x0, s20;
	[sflag:s22] =	ssyncset.done $0x0  }
0xa0: {  	[sflag:s22] =	ssyncadd.s32 s4;
	_ =	sdelay $0x1  }
0xa1: {  	s23 =	simm.s32 $0x1B8B  }
0xa2: {  	_ =	swait.ge [sflag:s23], $0x1  }
0xa3: {  	[sflag:s23] =	ssyncset.done $0x0  }
0xa4: {  	s25 =	simm.s32 $0x1B8E;
	s24 =	sld [smem:$0x3FFE];
	[sflag:s23] =	ssyncadd.s32 $0xFFFFFFFF  }
0xa5: {  	s26 =	simm.s32 $execute0_lowered;
	[smem:$0x3FD2] =	sst s25  }
0xa6: {  	s5 =	sshll.u32 s26, $0x1;
	_ =	strace $0x80000049;
	[dreg:$0x1] =	wrdreg $0xFFFFFFFF  }
0xa7: {  	s28 =	simm.s32 $_size_execute0_lowered;
	s3 =	sadd.s32 s3, s5;
	[dreg:$0x0] =	wrdreg $0x0  }
0xa8: {  	s5 =	sshll.u32 s28, $0x1;
	[dreg:$0x2] =	wrdreg s3  }
0xa9: {  	[dreg:$0x3] =	wrdreg s5  }
0xaa: {  	[dreg:$0x4] =	wrdreg $0xC0  }
0xab: {  	_ =	task [dreg:s7], $0x5FFFF  }
0xac: {  	[dreg:$0x1] =	wrdreg $0xFFFFFFFF  }
0xad: {  	[dreg:$0x0] =	wrdreg $0x60  }
0xae: {  	[dreg:$0x2] =	wrdreg s2  }
0xaf: {  	[dreg:$0x3] =	wrdreg s24  }
0xb0: {  	[dreg:$0x4] =	wrdreg $0xE4000  }
0xb1: {  	[dreg:$0x5] =	wrdreg $0x134000  }
0xb2: {  	[dreg:$0x6] =	wrdreg $0x9  }
0xb3: {  	_ =	task.clear_ibuf [dreg:s7], $0x7FFFF;
	_ =	strace $0x90000049  }
0xb4: {  	s29 =	simm.s32 $0x9;
	_ =	strace $0x8000004B  }
0xb5: {  	_ =	swait.ge [sflag:s29], $0x1  }
0xb6: {  	[sflag:s29] =	ssyncadd.s32 $0xFFFFFFFF  }
0xb7: {  	_ =	strace $0x9000004B  }
0xb8: {  	_ =	sfence  }
0xb9: {  	s30 =	sld [smem:$0x0];
	_ =	sdelay $0x2  }
0xba: {  	s31 =	sshll.u32 s1, $0xD;
	s1 =	sshrl.u32 s1, $0x2  }
0xbb: {  	s3 =	sand.u32 $0x4000, s31;
	s1 =	sadd.s32 s1, s30  }
0xbc: {  	s0 =	sor.u32 s3, s0;
	s1 =	sshll.u32 s1, $0x11  }
0xbd: {  	s0 =	sor.u32 s1, s0  }
0xbe: {  	s0 =	sadd.s32 $0x8F2B, s0  }
0xbf: {  	[sflag:s0] =	ssyncadd.remote.s32 $0x1  }
0xc0: {  	_ =	sfence.sel $0xFFFF  }
0xc1: {  	[dreg:$0x0] =	wrdreg $0xFFFFFFFF;
	(pc) =	sbr.abs _section_cstart, $3  }
0xc2: {  	[dreg:$0x1] =	wrdreg $0xFFFFFFFF  }
0xc3: {  	_ =	task.clear_ibuf [dreg:s7], $0x2FFFF;
	_ =	strace $0x9FFFFFFF  }
0xc4: {  	(tm) =	ssettm $0x7FFFFFFF  }
0xc5: {  	_ =	shalt  }
tec
execute0_lowered:
.L_overlay_start_1:
0x0: {  	(tag) =	ssettag $0x1  }
0x1: {  	s0 =	rddreg [dreg:$0x0]  }
0x2: {  	s1 =	rddreg [dreg:$0x1]  }
0x3: {  	s2 =	rddreg [dreg:$0x2];
	s13 =	stileid.u32  }
0x4: {  	s4 =	srdreg.scid;
	s3 =	rddreg [dreg:$0x3];
	s7 =	simm.s32 $0x0  }
0x5: {  	s28 =	simm.s32 $0x80;
	s29 =	simm.s32 $0x9400;
	s5 =	smul.u32 $0x14000, s13  }
0x6: {  	s30 =	simm.s32 $0x5400;
	s31 =	simm.s32 $0x6400;
	s8 =	smul.u32 $0x12, s13  }
0x7: {  	s4 =	sand.u32 $0x1, s4;
	[smem:$0x7FF] =	sst s7;
	s24 =	smul.u32 $0x14, s13  }
0x8: {  	s9 =	smin.u32 s13, $0xC;
	s11 =	smin.u32 s13, $0x5;
	s15 =	smul.u32 $0x5000, s13  }
0x9: {  	p1 =	slt.u32 s13, $0x5;
	s6 =	smul.u32 $0x140000, s4;
	_ =	strace $0x8000004A  }
0xa: {  	s10 =	ssub.s32 $0x2, s4;
	p0 =	seq.s32 s4, $0x0;
	s23 =	sshrl.u32 s5, $0x3  }
0xb: {  	s8 =	sadd.s32 s9, s8;
	s25 =	sshrl.u32 s10, $0x1;
	s14 =	sshrl.u32 s5, $0x2  }
0xc: {  	s6 =	sadd.s32 s5, s6;
	s7 =	sadd.s32 s23, s1;
	s8 =	sshll.u32 s8, $0x2  }
0xd: {  	s9 =	ssub.s32 s10, s25;
	s6 =	sshrl.u32 s6, $0x3;
	s16 =	sadd.s32 $0x1A00, s7  }
0xe: {  	s8 =	sadd.s32 $0x514, s8;
	s7 =	sadd.s32 $0x1A04, s7;
	[dreg:$0x8] =	wrdreg s16  }
0xf: {  	s25 =	smax.u32 s9, $0x1;
	s1 =	sadd.s32 s6, s1;
	[dreg:$0xe] =	wrdreg s7  }
0x10: {  	s6 =	sadd.s32 s11, s24;
	s11 =	simm.s32 $0x4C;
	[dreg:$0x10] =	wrdreg s25  }
0x11: {  	s7 =	simm.s32 $0x1;
	s25 =	simm.s32 $0x2;
	s22 =	sadd.s32 $0x29A00, s1  }
0x12: {  	s6 =	sshll.u32 s6, $0x2;
	s1 =	sadd.s32 $0x29A04, s1;
	[dreg:$0xd] =	wrdreg s22  }
0x13: {  	s8 =	smov.u32 @p0 s6;
	s6 =	simm.s32 $0x54;
	[dreg:$0xf] =	wrdreg s1  }
0x14: {  	s1 =	simm.s32 $0x7400;
	s6 =	simm.s32 @!p1 $0x50;
	p1 =	slt.u32 s13, $0xC  }
0x15: {  	s12 =	smin.u32 s8, $0x970;
	s23 =	sshll.u32 s8, $0x9;
	s13 =	simm.s32 $0x20  }
0x16: {  	s11 =	simm.s32 @!p1 $0x48;
	s26 =	sshll.u32 s12, $0x4;
	s24 =	sshll.u32 s12, $0x9  }
0x17: {  	p1 =	sne.s32 s4, $0x0;
	s4 =	simm.s32 $0x3;
	s11 =	smov.u32 @p0 s6  }
0x18: {  	s6 =	ssub.s32 s8, s12;
	s10 =	sadd.s32 s0, s26;
	s0 =	sadd.s32 s14, s2  }
0x19: {  	s26 =	sadd.s32 s15, s3;
	[dreg:$0x5] =	wrdreg s10;
	s10 =	sadd.s32 $0x9C40, s10  }
0x1a: {  	[dreg:$0x7] =	wrdreg s0;
	s17 =	sshll.u32 s6, $0x9;
	s18 =	sshll.u32 s6, $0x7  }
0x1b: {  	[dreg:$0x6] =	wrdreg s10;
	s10 =	sadd.s32 s15, s2;
	s0 =	sshra.s32 s17, $0x2  }
0x1c: {  	s19 =	sor.u32 $0x80, s18;
	s20 =	sor.u32 $0x100, s18;
	[dreg:$0x9] =	wrdreg s0  }
0x1d: {  	s21 =	sor.u32 $0x180, s18;
	s15 =	sadd.s32 s11, s6;
	[dreg:$0xa] =	wrdreg s19  }
0x1e: {  	s17 =	simm.s32 $0x8;
	s18 =	simm.s32 $0x0;
	[dreg:$0xb] =	wrdreg s20  }
0x1f: {  	[dreg:$0xc] =	wrdreg s21;
	s0 =	ssub.s32 s23, s24;
	s20 =	sshll.u32 s11, $0x9  }
0x20: {  	s11 =	sadd.s32 $0x7, s6;
	s24 =	simm.s32 $0x9;
	s21 =	sshra.s32 s0, $0x2  }
0x21: {  	v0 =	vimm.f32 $0.0e+00;
	s6 =	simm.s32 $0x4;
	s0 =	simm.s32 $0x8400;
	s22 =	sadd.s32 $0x2A00, s21  }
.LBB2_1:
0x22: {  	s8 =	simm.s32 $0x0;
	s9 =	rddreg [dreg:$0x6]  }
0x23: {  	[tilespmem:s8], [sflag:$0x9] =	stream.linear.gather [hbm4b:s9+s8], $0x2A00, $0x38;
	[tilespmem:$0x18400] =	vst v63  }
0x24: {  	_ =	swait.ge [sflag:s24], $0x2A00  }
0x25: {  	s5 =	simm.s32 $0x2A00;
	[sflag:s24] =	ssyncset.done $0x0  }
.Ltmp0:
0x26: {  	s23 =	rddreg [dreg:$0x5];
	[sflag:s24] =	ssyncadd.s32 $0xFFFFD600;
	(pc) =	sbr.rel @p0 .LBB2_5-.Ltmp0, $4  }
0x27: {  	[tilespmem:s5], [sflag:$0x9] =	stream.linear.gather [hbm4b:s23+s8], $0x2A00, $0x38;
	[tilespmem:$0x18400] =	vst v63  }
0x28: {  	_ =	swait.ge [sflag:s24], $0x2A00  }
0x29: {  	[sflag:s24] =	ssyncset.done $0x0  }
0x2a: {  	[sflag:s24] =	ssyncadd.s32 $0xFFFFD600  }
0x2b: {  	s9 =	simm.s32 $0x80;
	s8 =	simm.s32 $0x0  }
.LBB2_3:
0x2c: {  	p2 =	sne.s32 s9, $0x13F80;
	[tilespmem:s8+$0x9400] =	vst v0;
	s12 =	smov.u32 s9;
	s9 =	sadd.s32 $0x80, s9  }
.Ltmp1:
0x2d: {  	[tilespmem:s8+$0x9410] =	vst v0;
	(pc) =	sbr.rel @p2 .LBB2_3-.Ltmp1, $2  }
0x2e: {  	_ =	sdelay $0x2  }
0x2f: {  	s8 =	sshra.s32 s12, $0x2  }
0x30: {  	[tilespmem:s8+$0x9400] =	vst v0  }
0x31: {  	[tilespmem:s8+$0x9410] =	vst v0;
	s23 =	rddreg [dreg:$0x7]  }
0x32: {  	[spmem:s23] =	stream.linear.scatter [tilespmem:s29], [sflag:$0x9], $0x5000, $0x38;
	[tilespmem:$0x18400] =	vst v63  }
0x33: {  	_ =	swait.ge [sflag:s24], $0x5000  }
0x34: {  	[sflag:s24] =	ssyncset.done $0x0  }
0x35: {  	[sflag:s24] =	ssyncadd.s32 $0xFFFFB000  }
.LBB2_5:
0x36: {  	s8 =	rddreg [dreg:$0x8]  }
0x37: {  	[tilespmem:s29], [sflag:$0x9] =	stream.strided.gather [hbm4b:s8+s13], $0x5000, s28, s13, $0x38;
	[tilespmem:$0x18400] =	vst v63  }
0x38: {  	_ =	swait.ge [sflag:s24], $0x5000  }
0x39: {  	[sflag:s24] =	ssyncset.done $0x0  }
0x3a: {  	[sflag:s24] =	ssyncadd.s32 $0xFFFFB000  }
0x3b: {  	[spmem:s26] =	stream.linear.scatter [tilespmem:s29], [sflag:$0x9], $0x5000, $0x38;
	[tilespmem:$0x18400] =	vst v63  }
0x3c: {  	_ =	swait.ge [sflag:s24], $0x5000  }
0x3d: {  	[sflag:s24] =	ssyncset.done $0x0  }
0x3e: {  	s8 =	simm.s32 @!p1 $0x9400;
	[sflag:s24] =	ssyncadd.s32 $0xFFFFB000  }
0x3f: {  	[spmem:s10] =	stream.linear.scatter @!p1 [tilespmem:s8], [sflag:$0x9], $0x5000, $0x38;
	[tilespmem:$0x18400] =	vst v63  }
0x40: {  	s8 =	simm.s32 @!p1 $0x9  }
0x41: {  	_ =	swait.ge @!p1 [sflag:s8], $0x5000  }
0x42: {  	[sflag:s8] =	ssyncset.done @!p1 $0x0  }
0x43: {  	[sflag:s8] =	ssyncadd.s32 @!p1 $0xFFFFB000  }
0x44: {  	[bflag:$0x0] =	sbarrier.arrive $0xFFFF  }
0x45: {  	s5 =	smov.u32 s26;
	s26 =	rddreg [dreg:$0x9]  }
0x46: {  	[tilespmem:s30], [sflag:$0x1] =	stream.indirect.gather [spmem:s3], $0x20, s26, s28, $0xb8;
	[tilespmem:$0x18400] =	vst v63  }
0x47: {  	s9 =	rddreg [dreg:$0xa]  }
0x48: {  	[tilespmem:s31], [sflag:$0x2] =	stream.indirect.gather [spmem:s3], $0x20, s9, s28, $0xb8;
	[tilespmem:$0x18400] =	vst v63  }
0x49: {  	s12 =	rddreg [dreg:$0xb]  }
0x4a: {  	[tilespmem:s1], [sflag:$0x3] =	stream.indirect.gather [spmem:s3], $0x20, s12, s28, $0xb8;
	[tilespmem:$0x18400] =	vst v63  }
0x4b: {  	s13 =	rddreg [dreg:$0xc]  }
0x4c: {  	[tilespmem:s0], [sflag:$0x4] =	stream.indirect.gather [spmem:s3], $0x20, s13, s28, $0xb8;
	[tilespmem:$0x18400] =	vst v63  }
0x4d: {  	s14 =	sadd.s32 $0xFFFFFFFD, s11;
	_ =	swait.ge [sflag:s7], $0x1000  }
0x4e: {  	p2 =	sge.s32 s14, s15;
	[sflag:s7] =	ssyncset.done $0x0  }
0x4f: {  	s8 =	sadd.s32 $0x0, s22;
	s9 =	simm.s32 @!p2 $0x5;
	[sflag:s7] =	ssyncadd.s32 $0xFFFFF000  }
0x50: {  	[spmem:s2] =	stream.indirect.scatter.add.f32 [tilespmem:s30], [sflag:$0x5], $0x20, s8, s28, $0xb8;
	[tilespmem:$0x18400] =	vst v63  }
0x51: {  	_ =	swait.ge @!p2 [sflag:s9], $0x1000  }
0x52: {  	s14 =	simm.s32 @!p2 $0x80;
	s12 =	sadd.s32 @!p2 $0x0, s21;
	[sflag:s9] =	ssyncset.done @!p2 $0x0  }
0x53: {  	s12 =	sadd.s32 @!p2 $0x200, s12;
	s13 =	simm.s32 @!p2 $0x5400;
	[sflag:s9] =	ssyncadd.s32 @!p2 $0xFFFFF000  }
0x54: {  	[tilespmem:s13], [sflag:$0x1] =	stream.indirect.gather @!p2 [spmem:s3], $0x20, s12, s14, $0xb8;
	[tilespmem:$0x18400] =	vst v63  }
0x55: {  	s16 =	sadd.s32 $0xFFFFFFFE, s11;
	_ =	swait.ge [sflag:s25], $0x1000  }
0x56: {  	p3 =	sge.s32 s16, s15;
	[sflag:s25] =	ssyncset.done $0x0  }
0x57: {  	s19 =	sadd.s32 $0x80, s8;
	s12 =	simm.s32 @!p3 $0x6;
	[sflag:s25] =	ssyncadd.s32 $0xFFFFF000  }
0x58: {  	[spmem:s2] =	stream.indirect.scatter.add.f32 [tilespmem:s31], [sflag:$0x6], $0x20, s19, s28, $0xb8;
	[tilespmem:$0x18400] =	vst v63  }
0x59: {  	_ =	swait.ge @!p3 [sflag:s12], $0x1000  }
0x5a: {  	s9 =	sadd.s32 @!p3 $0x0, s21;
	s13 =	simm.s32 @!p3 $0x6400;
	[sflag:s12] =	ssyncset.done @!p3 $0x0  }
0x5b: {  	s9 =	sadd.s32 @!p3 $0x280, s9;
	s14 =	simm.s32 @!p3 $0x80;
	[sflag:s12] =	ssyncadd.s32 @!p3 $0xFFFFF000  }
0x5c: {  	[tilespmem:s13], [sflag:$0x2] =	stream.indirect.gather @!p3 [spmem:s3], $0x20, s9, s14, $0xb8;
	[tilespmem:$0x18400] =	vst v63  }
0x5d: {  	s23 =	sadd.s32 $0xFFFFFFFF, s11;
	_ =	swait.ge [sflag:s4], $0x1000  }
0x5e: {  	p4 =	sge.s32 s23, s15;
	[sflag:s4] =	ssyncset.done $0x0  }
0x5f: {  	s26 =	sadd.s32 $0x100, s8;
	s12 =	simm.s32 @!p4 $0x7;
	[sflag:s4] =	ssyncadd.s32 $0xFFFFF000  }
0x60: {  	[spmem:s2] =	stream.indirect.scatter.add.f32 [tilespmem:s1], [sflag:$0x7], $0x20, s26, s28, $0xb8;
	[tilespmem:$0x18400] =	vst v63  }
0x61: {  	p5 =	sne.s32 s20, $0x800;
	p6 =	sge.s32 s11, s15;
	_ =	swait.ge @!p4 [sflag:s12], $0x1000  }
0x62: {  	s9 =	sadd.s32 @!p4 $0x0, s21;
	s13 =	simm.s32 @!p4 $0x7400;
	[sflag:s12] =	ssyncset.done @!p4 $0x0  }
0x63: {  	s14 =	simm.s32 @!p4 $0x80;
	s9 =	sadd.s32 @!p4 $0x300, s9;
	[sflag:s12] =	ssyncadd.s32 @!p4 $0xFFFFF000  }
0x64: {  	[tilespmem:s13], [sflag:$0x3] =	stream.indirect.gather @!p4 [spmem:s3], $0x20, s9, s14, $0xb8;
	[tilespmem:$0x18400] =	vst v63  }
0x65: {  	s23 =	smov.u32 s11;
	s8 =	sadd.s32 $0x180, s8;
	_ =	swait.ge [sflag:s6], $0x1000  }
.Ltmp2:
0x66: {  	s19 =	simm.s32 $0x0;
	[sflag:s6] =	ssyncset.done $0x0;
	(pc) =	sbr.rel @!p5 .LBB2_7-.Ltmp2, $4  }
0x67: {  	s9 =	simm.s32 $0x800;
	s13 =	simm.s32 @!p6 $0x8;
	[sflag:s6] =	ssyncadd.s32 $0xFFFFF000  }
0x68: {  	[spmem:s2] =	stream.indirect.scatter.add.f32 [tilespmem:s0], [sflag:$0x8], $0x20, s8, s28, $0xb8;
	[tilespmem:$0x18400] =	vst v63  }
0x69: {  	s14 =	simm.s32 @!p6 $0x8400;
	s8 =	sadd.s32 @!p6 $0x0, s21;
	_ =	swait.ge @!p6 [sflag:s13], $0x1000  }
0x6a: {  	s26 =	sadd.s32 @!p6 $0x380, s8;
	s8 =	simm.s32 @!p6 $0x80;
	[sflag:s13] =	ssyncset.done @!p6 $0x0  }
.LBB2_6:
0x6b: {  	[sflag:s13] =	ssyncadd.s32 @!p6 $0xFFFFF000  }
0x6c: {  	s23 =	sadd.s32 $0x4, s23;
	s12 =	smov.u32 s9;
	s9 =	sadd.s32 $0x800, s9  }
0x6d: {  	[tilespmem:s14], [sflag:$0x4] =	stream.indirect.gather @!p6 [spmem:s3], $0x20, s26, s8, $0xb8;
	[tilespmem:$0x18400] =	vst v63  }
0x6e: {  	s8 =	sshra.s32 s12, $0x2;
	s14 =	sadd.s32 $0xFFFFFFFD, s23;
	_ =	swait.ge [sflag:s7], $0x1000  }
0x6f: {  	s13 =	sadd.s32 s8, s22;
	p6 =	sge.s32 s14, s15;
	[sflag:s7] =	ssyncset.done $0x0  }
0x70: {  	s8 =	simm.s32 @!p6 $0x5;
	s14 =	sshra.s32 @!p6 s12, $0x2;
	[sflag:s7] =	ssyncadd.s32 $0xFFFFF000  }
0x71: {  	[spmem:s2] =	stream.indirect.scatter.add.f32 [tilespmem:s30], [sflag:$0x5], $0x20, s13, s28, $0xb8;
	[tilespmem:$0x18400] =	vst v63  }
0x72: {  	s26 =	simm.s32 @!p6 $0x5400;
	s14 =	sadd.s32 @!p6 s14, s21;
	_ =	swait.ge @!p6 [sflag:s8], $0x1000  }
0x73: {  	s16 =	simm.s32 @!p6 $0x80;
	s14 =	sadd.s32 @!p6 $0x200, s14;
	[sflag:s8] =	ssyncset.done @!p6 $0x0  }
0x74: {  	p5 =	sne.s32 s20, s9;
	[sflag:s8] =	ssyncadd.s32 @!p6 $0xFFFFF000  }
0x75: {  	[tilespmem:s26], [sflag:$0x1] =	stream.indirect.gather @!p6 [spmem:s3], $0x20, s14, s16, $0xb8;
	[tilespmem:$0x18400] =	vst v63  }
0x76: {  	s8 =	sadd.s32 $0xFFFFFFFE, s23;
	_ =	swait.ge [sflag:s25], $0x1000  }
0x77: {  	s14 =	sadd.s32 $0x80, s13;
	p6 =	sge.s32 s8, s15;
	[sflag:s25] =	ssyncset.done $0x0  }
0x78: {  	s8 =	simm.s32 @!p6 $0x6;
	s16 =	sshra.s32 @!p6 s12, $0x2;
	[sflag:s25] =	ssyncadd.s32 $0xFFFFF000  }
0x79: {  	[spmem:s2] =	stream.indirect.scatter.add.f32 [tilespmem:s31], [sflag:$0x6], $0x20, s14, s28, $0xb8;
	[tilespmem:$0x18400] =	vst v63  }
0x7a: {  	s14 =	sadd.s32 @!p6 s16, s21;
	s16 =	simm.s32 @!p6 $0x6400;
	_ =	swait.ge @!p6 [sflag:s8], $0x1000  }
0x7b: {  	s26 =	simm.s32 @!p6 $0x80;
	s14 =	sadd.s32 @!p6 $0x280, s14;
	[sflag:s8] =	ssyncset.done @!p6 $0x0  }
0x7c: {  	[sflag:s8] =	ssyncadd.s32 @!p6 $0xFFFFF000  }
0x7d: {  	[tilespmem:s16], [sflag:$0x2] =	stream.indirect.gather @!p6 [spmem:s3], $0x20, s14, s26, $0xb8;
	[tilespmem:$0x18400] =	vst v63  }
0x7e: {  	s8 =	sadd.s32 $0xFFFFFFFF, s23;
	_ =	swait.ge [sflag:s4], $0x1000  }
0x7f: {  	s14 =	sadd.s32 $0x100, s13;
	p6 =	sge.s32 s8, s15;
	[sflag:s4] =	ssyncset.done $0x0  }
0x80: {  	s8 =	simm.s32 @!p6 $0x7;
	s16 =	sshra.s32 @!p6 s12, $0x2;
	[sflag:s4] =	ssyncadd.s32 $0xFFFFF000  }
0x81: {  	[spmem:s2] =	stream.indirect.scatter.add.f32 [tilespmem:s1], [sflag:$0x7], $0x20, s14, s28, $0xb8;
	[tilespmem:$0x18400] =	vst v63  }
0x82: {  	s14 =	sadd.s32 @!p6 s16, s21;
	s16 =	simm.s32 @!p6 $0x7400;
	_ =	swait.ge @!p6 [sflag:s8], $0x1000  }
0x83: {  	s26 =	simm.s32 @!p6 $0x80;
	s14 =	sadd.s32 @!p6 $0x300, s14;
	[sflag:s8] =	ssyncset.done @!p6 $0x0  }
0x84: {  	[sflag:s8] =	ssyncadd.s32 @!p6 $0xFFFFF000  }
0x85: {  	[tilespmem:s16], [sflag:$0x3] =	stream.indirect.gather @!p6 [spmem:s3], $0x20, s14, s26, $0xb8;
	[tilespmem:$0x18400] =	vst v63  }
0x86: {  	p6 =	sge.s32 s23, s15;
	_ =	swait.ge [sflag:s6], $0x1000  }
.Ltmp3:
0x87: {  	s8 =	sadd.s32 $0x180, s13;
	[sflag:s6] =	ssyncset.done $0x0;
	(pc) =	sbr.rel @p5 .LBB2_6-.Ltmp3, $4  }
0x88: {  	s13 =	simm.s32 @!p6 $0x8;
	s12 =	sshra.s32 @!p6 s12, $0x2;
	[sflag:s6] =	ssyncadd.s32 $0xFFFFF000  }
0x89: {  	[spmem:s2] =	stream.indirect.scatter.add.f32 [tilespmem:s0], [sflag:$0x8], $0x20, s8, s28, $0xb8;
	[tilespmem:$0x18400] =	vst v63  }
0x8a: {  	s14 =	simm.s32 @!p6 $0x8400;
	s8 =	sadd.s32 @!p6 s12, s21;
	_ =	swait.ge @!p6 [sflag:s13], $0x1000  }
0x8b: {  	s26 =	sadd.s32 @!p6 $0x380, s8;
	s8 =	simm.s32 @!p6 $0x80;
	[sflag:s13] =	ssyncset.done @!p6 $0x0  }
.LBB2_7:
0x8c: {  	[sflag:s13] =	ssyncadd.s32 @!p6 $0xFFFFF000  }
0x8d: {  	[tilespmem:s14], [sflag:$0x4] =	stream.indirect.gather @!p6 [spmem:s3], $0x20, s26, s8, $0xb8;
	[tilespmem:$0x18400] =	vst v63  }
0x8e: {  	s14 =	simm.s32 $0x5  }
0x8f: {  	_ =	swait.ge [sflag:s14], $0x1000  }
0x90: {  	[sflag:s14] =	ssyncset.done $0x0  }
0x91: {  	s16 =	simm.s32 $0x6;
	[sflag:s14] =	ssyncadd.s32 $0xFFFFF000  }
0x92: {  	_ =	swait.ge [sflag:s16], $0x1000  }
0x93: {  	[sflag:s16] =	ssyncset.done $0x0  }
0x94: {  	s23 =	simm.s32 $0x7;
	[sflag:s16] =	ssyncadd.s32 $0xFFFFF000  }
0x95: {  	_ =	swait.ge [sflag:s23], $0x1000  }
0x96: {  	[sflag:s23] =	ssyncset.done $0x0  }
0x97: {  	[sflag:s23] =	ssyncadd.s32 $0xFFFFF000  }
0x98: {  	_ =	swait.ge [sflag:s17], $0x1000  }
0x99: {  	[sflag:s17] =	ssyncset.done $0x0  }
0x9a: {  	[sflag:s17] =	ssyncadd.s32 $0xFFFFF000  }
0x9b: {  	[bflag:$0x0] =	sbarrier.arrive $0xFFFF  }
0x9c: {  	[tilespmem:s29], [sflag:$0x9] =	stream.linear.gather [spmem:s10], $0x5000, $0x38;
	[tilespmem:$0x18400] =	vst v63  }
0x9d: {  	_ =	swait.ge [sflag:s24], $0x5000  }
0x9e: {  	[sflag:s24] =	ssyncset.done $0x0  }
0x9f: {  	s12 =	simm.s32 $0x20;
	s26 =	rddreg [dreg:$0xd];
	[sflag:s24] =	ssyncadd.s32 $0xFFFFB000  }
0xa0: {  	[hbm4b:s26+s12] =	stream.strided.scatter [tilespmem:s29], [sflag:$0x9], $0x5000, s28, s12, $0x38;
	[tilespmem:$0x18400] =	vst v63  }
.Ltmp4:
0xa1: {  	_ =	swait.ge [sflag:s24], $0x5000;
	(pc) =	sbr.rel @p0 .LBB2_11-.Ltmp4, $4  }
0xa2: {  	[sflag:s24] =	ssyncset.done $0x0  }
0xa3: {  	[sflag:s24] =	ssyncadd.s32 $0xFFFFB000  }
0xa4: {  	[bflag:$0x0] =	sbarrier.arrive $0xFFFF  }
0xa5: {  	s26 =	smov.u32 s5  }
0xa6: {  	s8 =	simm.s32 $0x80  }
.LBB2_9:
0xa7: {  	p5 =	sne.s32 s8, $0x13F80;
	[tilespmem:s19+$0x9400] =	vst v0;
	s9 =	smov.u32 s8;
	s8 =	sadd.s32 $0x80, s8  }
.Ltmp5:
0xa8: {  	[tilespmem:s19+$0x9410] =	vst v0;
	(pc) =	sbr.rel @p5 .LBB2_9-.Ltmp5, $2  }
0xa9: {  	_ =	sdelay $0x2  }
0xaa: {  	s19 =	sshra.s32 s9, $0x2  }
0xab: {  	[tilespmem:s19+$0x9400] =	vst v0  }
0xac: {  	[tilespmem:s19+$0x9410] =	vst v0  }
0xad: {  	[spmem:s10] =	stream.linear.scatter [tilespmem:s29], [sflag:$0x9], $0x5000, $0x38;
	[tilespmem:$0x18400] =	vst v63  }
0xae: {  	_ =	swait.ge [sflag:s24], $0x5000  }
0xaf: {  	[sflag:s24] =	ssyncset.done $0x0  }
0xb0: {  	[sflag:s24] =	ssyncadd.s32 $0xFFFFB000  }
.LBB2_11:
0xb1: {  	s5 =	rddreg [dreg:$0xe]  }
0xb2: {  	[tilespmem:s29], [sflag:$0x9] =	stream.strided.gather [hbm4b:s5+s12], $0x5000, s28, s12, $0x38;
	[tilespmem:$0x18400] =	vst v63  }
0xb3: {  	_ =	swait.ge [sflag:s24], $0x5000  }
0xb4: {  	[sflag:s24] =	ssyncset.done $0x0  }
0xb5: {  	[sflag:s24] =	ssyncadd.s32 $0xFFFFB000  }
0xb6: {  	[spmem:s26] =	stream.linear.scatter [tilespmem:s29], [sflag:$0x9], $0x5000, $0x38;
	[tilespmem:$0x18400] =	vst v63  }
0xb7: {  	_ =	swait.ge [sflag:s24], $0x5000  }
0xb8: {  	[sflag:s24] =	ssyncset.done $0x0  }
0xb9: {  	s8 =	simm.s32 @!p1 $0x9400;
	[sflag:s24] =	ssyncadd.s32 $0xFFFFB000  }
0xba: {  	[spmem:s10] =	stream.linear.scatter @!p1 [tilespmem:s8], [sflag:$0x9], $0x5000, $0x38;
	[tilespmem:$0x18400] =	vst v63  }
0xbb: {  	s8 =	simm.s32 @!p1 $0x9  }
0xbc: {  	_ =	swait.ge @!p1 [sflag:s8], $0x5000  }
0xbd: {  	[sflag:s8] =	ssyncset.done @!p1 $0x0  }
0xbe: {  	[sflag:s8] =	ssyncadd.s32 @!p1 $0xFFFFB000  }
0xbf: {  	[bflag:$0x0] =	sbarrier.arrive $0xFFFF  }
0xc0: {  	s9 =	rddreg [dreg:$0x9]  }
0xc1: {  	[tilespmem:s30], [sflag:$0x1] =	stream.indirect.gather [spmem:s3], $0x20, s9, s28, $0xb8;
	[tilespmem:$0x18400] =	vst v63  }
0xc2: {  	s12 =	rddreg [dreg:$0xa]  }
0xc3: {  	[tilespmem:s31], [sflag:$0x2] =	stream.indirect.gather [spmem:s3], $0x20, s12, s28, $0xb8;
	[tilespmem:$0x18400] =	vst v63  }
0xc4: {  	s13 =	rddreg [dreg:$0xb]  }
0xc5: {  	[tilespmem:s1], [sflag:$0x3] =	stream.indirect.gather [spmem:s3], $0x20, s13, s28, $0xb8;
	[tilespmem:$0x18400] =	vst v63  }
0xc6: {  	s14 =	rddreg [dreg:$0xc]  }
0xc7: {  	[tilespmem:s0], [sflag:$0x4] =	stream.indirect.gather [spmem:s3], $0x20, s14, s28, $0xb8;
	[tilespmem:$0x18400] =	vst v63  }
0xc8: {  	_ =	swait.ge [sflag:s7], $0x1000  }
0xc9: {  	[sflag:s7] =	ssyncset.done $0x0  }
0xca: {  	s16 =	sadd.s32 $0x0, s22;
	s9 =	simm.s32 @!p2 $0x5;
	[sflag:s7] =	ssyncadd.s32 $0xFFFFF000  }
0xcb: {  	[spmem:s2] =	stream.indirect.scatter.add.f32 [tilespmem:s30], [sflag:$0x5], $0x20, s16, s28, $0xb8;
	[tilespmem:$0x18400] =	vst v63  }
0xcc: {  	s12 =	sadd.s32 @!p2 $0x0, s21;
	_ =	swait.ge @!p2 [sflag:s9], $0x1000  }
0xcd: {  	s12 =	sadd.s32 @!p2 $0x200, s12;
	[sflag:s9] =	ssyncset.done @!p2 $0x0  }
0xce: {  	s13 =	simm.s32 @!p2 $0x5400;
	s14 =	simm.s32 @!p2 $0x80;
	[sflag:s9] =	ssyncadd.s32 @!p2 $0xFFFFF000  }
0xcf: {  	[tilespmem:s13], [sflag:$0x1] =	stream.indirect.gather @!p2 [spmem:s3], $0x20, s12, s14, $0xb8;
	[tilespmem:$0x18400] =	vst v63  }
0xd0: {  	_ =	swait.ge [sflag:s25], $0x1000  }
0xd1: {  	[sflag:s25] =	ssyncset.done $0x0  }
0xd2: {  	s19 =	sadd.s32 $0x80, s16;
	s12 =	simm.s32 @!p3 $0x6;
	[sflag:s25] =	ssyncadd.s32 $0xFFFFF000  }
0xd3: {  	[spmem:s2] =	stream.indirect.scatter.add.f32 [tilespmem:s31], [sflag:$0x6], $0x20, s19, s28, $0xb8;
	[tilespmem:$0x18400] =	vst v63  }
0xd4: {  	_ =	swait.ge @!p3 [sflag:s12], $0x1000  }
0xd5: {  	s9 =	sadd.s32 @!p3 $0x0, s21;
	s13 =	simm.s32 @!p3 $0x6400;
	[sflag:s12] =	ssyncset.done @!p3 $0x0  }
0xd6: {  	s9 =	sadd.s32 @!p3 $0x280, s9;
	s14 =	simm.s32 @!p3 $0x80;
	[sflag:s12] =	ssyncadd.s32 @!p3 $0xFFFFF000  }
0xd7: {  	[tilespmem:s13], [sflag:$0x2] =	stream.indirect.gather @!p3 [spmem:s3], $0x20, s9, s14, $0xb8;
	[tilespmem:$0x18400] =	vst v63  }
0xd8: {  	_ =	swait.ge [sflag:s4], $0x1000  }
0xd9: {  	[sflag:s4] =	ssyncset.done $0x0  }
0xda: {  	s23 =	sadd.s32 $0x100, s16;
	s12 =	simm.s32 @!p4 $0x7;
	[sflag:s4] =	ssyncadd.s32 $0xFFFFF000  }
0xdb: {  	[spmem:s2] =	stream.indirect.scatter.add.f32 [tilespmem:s1], [sflag:$0x7], $0x20, s23, s28, $0xb8;
	[tilespmem:$0x18400] =	vst v63  }
0xdc: {  	s8 =	sadd.s32 $0x180, s16;
	_ =	swait.ge @!p4 [sflag:s12], $0x1000  }
0xdd: {  	s9 =	sadd.s32 @!p4 $0x0, s21;
	s13 =	simm.s32 @!p4 $0x7400;
	[sflag:s12] =	ssyncset.done @!p4 $0x0  }
0xde: {  	s14 =	simm.s32 @!p4 $0x80;
	s9 =	sadd.s32 @!p4 $0x300, s9;
	[sflag:s12] =	ssyncadd.s32 @!p4 $0xFFFFF000  }
0xdf: {  	[tilespmem:s13], [sflag:$0x3] =	stream.indirect.gather @!p4 [spmem:s3], $0x20, s9, s14, $0xb8;
	[tilespmem:$0x18400] =	vst v63  }
0xe0: {  	p2 =	sne.s32 s20, $0x800;
	s19 =	smov.u32 s11;
	_ =	swait.ge [sflag:s6], $0x1000  }
.Ltmp6:
0xe1: {  	p3 =	sge.s32 s11, s15;
	[sflag:s6] =	ssyncset.done $0x0;
	(pc) =	sbr.rel @!p2 .LBB2_13-.Ltmp6, $4  }
0xe2: {  	s9 =	simm.s32 $0x800;
	s13 =	simm.s32 @!p3 $0x8;
	[sflag:s6] =	ssyncadd.s32 $0xFFFFF000  }
0xe3: {  	[spmem:s2] =	stream.indirect.scatter.add.f32 [tilespmem:s0], [sflag:$0x8], $0x20, s8, s28, $0xb8;
	[tilespmem:$0x18400] =	vst v63  }
0xe4: {  	s14 =	simm.s32 @!p3 $0x8400;
	s8 =	sadd.s32 @!p3 $0x0, s21;
	_ =	swait.ge @!p3 [sflag:s13], $0x1000  }
0xe5: {  	s23 =	sadd.s32 @!p3 $0x380, s8;
	s8 =	simm.s32 @!p3 $0x80;
	[sflag:s13] =	ssyncset.done @!p3 $0x0  }
.LBB2_12:
0xe6: {  	[sflag:s13] =	ssyncadd.s32 @!p3 $0xFFFFF000  }
0xe7: {  	s19 =	sadd.s32 $0x4, s19;
	s12 =	smov.u32 s9;
	s9 =	sadd.s32 $0x800, s9  }
0xe8: {  	[tilespmem:s14], [sflag:$0x4] =	stream.indirect.gather @!p3 [spmem:s3], $0x20, s23, s8, $0xb8;
	[tilespmem:$0x18400] =	vst v63  }
0xe9: {  	s8 =	sshra.s32 s12, $0x2;
	s14 =	sadd.s32 $0xFFFFFFFD, s19;
	_ =	swait.ge [sflag:s7], $0x1000  }
0xea: {  	s13 =	sadd.s32 s8, s22;
	p3 =	sge.s32 s14, s15;
	[sflag:s7] =	ssyncset.done $0x0  }
0xeb: {  	s8 =	simm.s32 @!p3 $0x5;
	s14 =	sshra.s32 @!p3 s12, $0x2;
	[sflag:s7] =	ssyncadd.s32 $0xFFFFF000  }
0xec: {  	[spmem:s2] =	stream.indirect.scatter.add.f32 [tilespmem:s30], [sflag:$0x5], $0x20, s13, s28, $0xb8;
	[tilespmem:$0x18400] =	vst v63  }
0xed: {  	s16 =	simm.s32 @!p3 $0x5400;
	s14 =	sadd.s32 @!p3 s14, s21;
	_ =	swait.ge @!p3 [sflag:s8], $0x1000  }
0xee: {  	s23 =	simm.s32 @!p3 $0x80;
	s14 =	sadd.s32 @!p3 $0x200, s14;
	[sflag:s8] =	ssyncset.done @!p3 $0x0  }
0xef: {  	p2 =	sne.s32 s20, s9;
	[sflag:s8] =	ssyncadd.s32 @!p3 $0xFFFFF000  }
0xf0: {  	[tilespmem:s16], [sflag:$0x1] =	stream.indirect.gather @!p3 [spmem:s3], $0x20, s14, s23, $0xb8;
	[tilespmem:$0x18400] =	vst v63  }
0xf1: {  	s8 =	sadd.s32 $0xFFFFFFFE, s19;
	_ =	swait.ge [sflag:s25], $0x1000  }
0xf2: {  	s14 =	sadd.s32 $0x80, s13;
	p3 =	sge.s32 s8, s15;
	[sflag:s25] =	ssyncset.done $0x0  }
0xf3: {  	s8 =	simm.s32 @!p3 $0x6;
	s16 =	sshra.s32 @!p3 s12, $0x2;
	[sflag:s25] =	ssyncadd.s32 $0xFFFFF000  }
0xf4: {  	[spmem:s2] =	stream.indirect.scatter.add.f32 [tilespmem:s31], [sflag:$0x6], $0x20, s14, s28, $0xb8;
	[tilespmem:$0x18400] =	vst v63  }
0xf5: {  	s14 =	sadd.s32 @!p3 s16, s21;
	s16 =	simm.s32 @!p3 $0x6400;
	_ =	swait.ge @!p3 [sflag:s8], $0x1000  }
0xf6: {  	s23 =	simm.s32 @!p3 $0x80;
	s14 =	sadd.s32 @!p3 $0x280, s14;
	[sflag:s8] =	ssyncset.done @!p3 $0x0  }
0xf7: {  	[sflag:s8] =	ssyncadd.s32 @!p3 $0xFFFFF000  }
0xf8: {  	[tilespmem:s16], [sflag:$0x2] =	stream.indirect.gather @!p3 [spmem:s3], $0x20, s14, s23, $0xb8;
	[tilespmem:$0x18400] =	vst v63  }
0xf9: {  	s8 =	sadd.s32 $0xFFFFFFFF, s19;
	_ =	swait.ge [sflag:s4], $0x1000  }
0xfa: {  	s14 =	sadd.s32 $0x100, s13;
	p3 =	sge.s32 s8, s15;
	[sflag:s4] =	ssyncset.done $0x0  }
0xfb: {  	s8 =	simm.s32 @!p3 $0x7;
	s16 =	sshra.s32 @!p3 s12, $0x2;
	[sflag:s4] =	ssyncadd.s32 $0xFFFFF000  }
0xfc: {  	[spmem:s2] =	stream.indirect.scatter.add.f32 [tilespmem:s1], [sflag:$0x7], $0x20, s14, s28, $0xb8;
	[tilespmem:$0x18400] =	vst v63  }
0xfd: {  	s14 =	sadd.s32 @!p3 s16, s21;
	s16 =	simm.s32 @!p3 $0x7400;
	_ =	swait.ge @!p3 [sflag:s8], $0x1000  }
0xfe: {  	s23 =	simm.s32 @!p3 $0x80;
	s14 =	sadd.s32 @!p3 $0x300, s14;
	[sflag:s8] =	ssyncset.done @!p3 $0x0  }
0xff: {  	[sflag:s8] =	ssyncadd.s32 @!p3 $0xFFFFF000  }
0x100: {  	[tilespmem:s16], [sflag:$0x3] =	stream.indirect.gather @!p3 [spmem:s3], $0x20, s14, s23, $0xb8;
	[tilespmem:$0x18400] =	vst v63  }
0x101: {  	p3 =	sge.s32 s19, s15;
	_ =	swait.ge [sflag:s6], $0x1000  }
.Ltmp7:
0x102: {  	s8 =	sadd.s32 $0x180, s13;
	[sflag:s6] =	ssyncset.done $0x0;
	(pc) =	sbr.rel @p2 .LBB2_12-.Ltmp7, $4  }
0x103: {  	s13 =	simm.s32 @!p3 $0x8;
	s12 =	sshra.s32 @!p3 s12, $0x2;
	[sflag:s6] =	ssyncadd.s32 $0xFFFFF000  }
0x104: {  	[spmem:s2] =	stream.indirect.scatter.add.f32 [tilespmem:s0], [sflag:$0x8], $0x20, s8, s28, $0xb8;
	[tilespmem:$0x18400] =	vst v63  }
0x105: {  	s14 =	simm.s32 @!p3 $0x8400;
	s8 =	sadd.s32 @!p3 s12, s21;
	_ =	swait.ge @!p3 [sflag:s13], $0x1000  }
0x106: {  	s23 =	sadd.s32 @!p3 $0x380, s8;
	s8 =	simm.s32 @!p3 $0x80;
	[sflag:s13] =	ssyncset.done @!p3 $0x0  }
.LBB2_13:
0x107: {  	[sflag:s13] =	ssyncadd.s32 @!p3 $0xFFFFF000;
	s5 =	simm.s32 $0x5  }
0x108: {  	[tilespmem:s14], [sflag:$0x4] =	stream.indirect.gather @!p3 [spmem:s3], $0x20, s23, s8, $0xb8;
	[tilespmem:$0x18400] =	vst v63  }
0x109: {  	_ =	swait.ge [sflag:s5], $0x1000  }
0x10a: {  	[sflag:s5] =	ssyncset.done $0x0  }
0x10b: {  	s14 =	simm.s32 $0x6;
	[sflag:s5] =	ssyncadd.s32 $0xFFFFF000  }
0x10c: {  	_ =	swait.ge [sflag:s14], $0x1000  }
0x10d: {  	[sflag:s14] =	ssyncset.done $0x0  }
0x10e: {  	s16 =	simm.s32 $0x7;
	[sflag:s14] =	ssyncadd.s32 $0xFFFFF000  }
0x10f: {  	_ =	swait.ge [sflag:s16], $0x1000  }
0x110: {  	[sflag:s16] =	ssyncset.done $0x0  }
0x111: {  	[sflag:s16] =	ssyncadd.s32 $0xFFFFF000  }
0x112: {  	_ =	swait.ge [sflag:s17], $0x1000  }
0x113: {  	[sflag:s17] =	ssyncset.done $0x0  }
0x114: {  	[sflag:s17] =	ssyncadd.s32 $0xFFFFF000  }
0x115: {  	[bflag:$0x0] =	sbarrier.arrive $0xFFFF  }
0x116: {  	[tilespmem:s29], [sflag:$0x9] =	stream.linear.gather [spmem:s10], $0x5000, $0x38;
	[tilespmem:$0x18400] =	vst v63  }
0x117: {  	_ =	swait.ge [sflag:s24], $0x5000  }
0x118: {  	[sflag:s24] =	ssyncset.done $0x0  }
0x119: {  	s13 =	simm.s32 $0x20;
	s19 =	rddreg [dreg:$0xf];
	[sflag:s24] =	ssyncadd.s32 $0xFFFFB000  }
0x11a: {  	[hbm4b:s19+s13] =	stream.strided.scatter [tilespmem:s29], [sflag:$0x9], $0x5000, s28, s13, $0x38;
	[tilespmem:$0x18400] =	vst v63  }
0x11b: {  	_ =	swait.ge [sflag:s24], $0x5000  }
0x11c: {  	s18 =	sadd.s32 $0x1, s18;
	s23 =	rddreg [dreg:$0x10]  }
0x11d: {  	p2 =	sne.s32 s18, s23  }
.Ltmp8:
0x11e: {  	_ = 	snop;
	(pc) =	sbr.rel @p2 .LBB2_1-.Ltmp8, $3  }
0x11f: {  	[sflag:s24] =	ssyncset.done $0x0  }
0x120: {  	[sflag:s24] =	ssyncadd.s32 $0xFFFFB000  }
0x121: {  	[bflag:$0x0] =	sbarrier.arrive $0xFFFF;
	_ =	sdelay $0x1  }
0x122: {  	_ =	sfence.sel $0x180000  }
0x123: {  	[bflag:$0x0] =	sbarrier.arrive $0xFFFF  }
0x124: {  	_ =	strace $0x9000004A  }
0x125: {  	s0 =	stileid.u32;
	[bflag:$0x2] =	sbarrier.arrive $0xFFFF  }
0x126: {  	p0 =	sne.s32 s0, $0x0;
	s0 =	rddreg [dreg:$0x4]  }
0x127: {  	s0 =	sadd.s32 @!p0 $0x100000, s0  }
0x128: {  	[sflag:s0] =	ssyncadd.tile.s32 @!p0 $0x1;
	_ =	shalt  }
.Lfunc_end2:
_tile_overlayer_lowered:
.L_overlay_start_2:
0x129: {  	(tag) =	ssettag $0x2  }
0x12a: {  	s0 =	rddreg [dreg:$0x0];
	s2 =	stileid.u32  }
0x12b: {  	s1 =	rddreg [dreg:$0x1];
	p0 =	sne.s32 s2, $0x0  }
0x12c: {  	s3 =	rddreg [dreg:$0x2];
	[bflag:$0x3] =	sbarrier.arrive $0xFFFF;
	s2 =	simm.s32 @!p0 $0x1C09  }
0x12d: {  	[timem:s3], [sflag:s2] =	dma.local @!p0 [hbm:s0], s1  }
0x12e: {  	s0 =	simm.s32 @!p0 $0x9  }
0x12f: {  	_ =	swait.ge @!p0 [sflag:s0], s1  }
0x130: {  	s1 =	ssub.s32 @!p0 $0x0, s1;
	[sflag:s0] =	ssyncset.done @!p0 $0x0  }
0x131: {  	[sflag:s0] =	ssyncadd.s32 @!p0 s1  }
0x132: {  	[bflag:$0x3] =	sbarrier.arrive $0xFFFF  }
0x133: {  	_ =	shalt  }

</sc_bundles>
